<compile_context>
chip_gen: v7x
topology: tpu7x:2x2x1
jax: 0.10.2.dev20260603
libtpu: 0.0.44.dev20260713+nightly
codegen_flags: <defaults>
</compile_context>

<pallas_src>
import functools

import jax
import jax.numpy as jnp
from jax import lax
from jax.experimental import pallas as pl
from jax.experimental.pallas import tpu as pltpu
from jax.experimental.pallas import tpu_sc as plsc

VOCAB = 100000
DIM = 64
B = 4096
L = 200
LP = 208
PAD_IDX = 0

NC = 2
NS = 16
NW = NC * NS
NV = B // NW
LH = LP // 2


def _sc_pool_body(idx_hbm, emb_hbm, nom_hbm, aux_hbm,
                  idx_v, rows0, rows1, nom_acc, aux_acc, sem0, sem1):
    wid = lax.axis_index("s") * NC + lax.axis_index("c")
    base = wid * NV
    pltpu.sync_copy(idx_hbm.at[pl.ds(base * LP, NV * LP)], idx_v)

    rows = (rows0, rows1)
    sems = (sem0, sem1)

    def start(v, b):
        pltpu.make_async_copy(emb_hbm.at[idx_v.at[pl.ds(v * LP, LH)]],
                              rows[b].at[pl.ds(0, LH)], sems[b]).start()
        pltpu.make_async_copy(emb_hbm.at[idx_v.at[pl.ds(v * LP + LH, LH)]],
                              rows[b].at[pl.ds(LH, LH)], sems[b]).start()

    def wait(v, b):
        pltpu.make_async_copy(emb_hbm.at[idx_v.at[pl.ds(v * LP, LH)]],
                              rows[b].at[pl.ds(0, LH)], sems[b]).wait()
        pltpu.make_async_copy(emb_hbm.at[idx_v.at[pl.ds(v * LP + LH, LH)]],
                              rows[b].at[pl.ds(LH, LH)], sems[b]).wait()

    start(0, 0)
    start(1, 1)

    lanes = lax.iota(jnp.int32, 16)
    perms = [(lanes ^ k).reshape(16, 1) for k in (1, 2, 4, 8)]
    _dnums = lax.GatherDimensionNumbers(
        offset_dims=(), collapsed_slice_dims=(0,), start_index_map=(0,))

    def _permute(x, p):
        return lax.gather(x, p, _dnums, (1,),
                          mode=lax.GatherScatterMode.PROMISE_IN_BOUNDS)

    def compute(v, b):
        r = rows[b]

        def group_body(gi, carry):
            n0, n1, n2, n3, dv, cv = carry
            iv = idx_v[pl.ds(v * LP + 16 * gi, 16)]
            vf16 = jnp.where(iv != PAD_IDX, 1.0, 0.0).astype(jnp.float32)
            cv = cv + vf16
            for j in range(16):
                jj = 16 * gi + j
                z0 = r[jj, pl.ds(0, 16)]
                z1 = r[jj, pl.ds(16, 16)]
                z2 = r[jj, pl.ds(32, 16)]
                z3 = r[jj, pl.ds(48, 16)]
                s = z0 * z0 + z1 * z1 + z2 * z2 + z3 * z3
                for p in perms:
                    s = s + _permute(s, p)
                g = 2.0 / jnp.maximum(1.0 - s, 1e-15)
                n0 = n0 + g * z0
                n1 = n1 + g * z1
                n2 = n2 + g * z2
                n3 = n3 + g * z3
                dv = dv + g
            return (n0, n1, n2, n3, dv, cv)

        z16 = jnp.zeros((16,), jnp.float32)
        n0, n1, n2, n3, dv, cv = lax.fori_loop(
            0, LP // 16, group_body, (z16, z16, z16, z16, z16, z16))
        nom_acc[v, pl.ds(0, 16)] = n0
        nom_acc[v, pl.ds(16, 16)] = n1
        nom_acc[v, pl.ds(32, 16)] = n2
        nom_acc[v, pl.ds(48, 16)] = n3
        aux_acc[v, pl.ds(0, 16)] = dv
        aux_acc[v, pl.ds(16, 16)] = cv

    def outer(i, carry):
        v0 = 2 * i
        for b in range(2):
            v = v0 + b
            wait(v, b)
            compute(v, b)

            @pl.when(v + 2 < NV)
            def _():
                start(v + 2, b)
        return carry

    lax.fori_loop(0, NV // 2, outer, 0)

    pltpu.sync_copy(nom_acc, nom_hbm.at[pl.ds(base, NV)])
    pltpu.sync_copy(aux_acc, aux_hbm.at[pl.ds(base, NV)])


_sc_pool = functools.partial(
    pl.kernel,
    out_type=[
        jax.ShapeDtypeStruct((B, DIM), jnp.float32),
        jax.ShapeDtypeStruct((B, 32), jnp.float32),
    ],
    mesh=plsc.VectorSubcoreMesh(core_axis_name="c", subcore_axis_name="s"),
    compiler_params=pltpu.CompilerParams(use_tc_tiling_on_sc=False),
    scratch_types=[
        pltpu.VMEM((NV * LP,), jnp.int32),
        pltpu.VMEM((LP, DIM), jnp.float32),
        pltpu.VMEM((LP, DIM), jnp.float32),
        pltpu.VMEM((NV, DIM), jnp.float32),
        pltpu.VMEM((NV, 32), jnp.float32),
        pltpu.SemaphoreType.DMA,
        pltpu.SemaphoreType.DMA,
    ],
)(_sc_pool_body)


def _fin_body(nom_ref, aux_ref, emb0_ref, out_ref):
    nom_all = nom_ref[...]
    gsum = aux_ref[:, 0:1]
    cnt = jnp.sum(aux_ref[:, 16:32], axis=-1, keepdims=True)
    emb0 = emb0_ref[...]
    e0sq = jnp.sum(emb0 * emb0, axis=-1, keepdims=True)
    gamma0 = 2.0 / jnp.maximum(1.0 - e0sq, 1e-15)
    npad = LP - cnt
    nom_raw = nom_all - (npad * gamma0) * emb0
    den_raw = gsum - npad * gamma0 - cnt
    ms = jnp.where(cnt == 0.0, 1.0, cnt)
    nom = nom_raw / ms
    den = den_raw / ms
    den = jnp.where(jnp.abs(den) < 1e-10, 1e-10, den)
    two_mean = nom / den
    tn2 = jnp.sum(two_mean * two_mean, axis=-1, keepdims=True)
    tn = jnp.sqrt(jnp.clip(tn2, 1e-15, None))
    arg = jnp.minimum(tn, 1.0 - 1e-5)
    half = arg / (1.0 + jnp.sqrt(jnp.maximum(1.0 - arg * arg, 0.0)))
    mid = half * two_mean / tn
    mn2 = jnp.sum(mid * mid, axis=-1, keepdims=True)
    mn = jnp.sqrt(jnp.clip(mn2, 1e-15, None))
    marg = jnp.minimum(mn, 1.0 - 1e-5)
    at = 0.5 * jnp.log((1.0 + marg) / (1.0 - marg))
    tangent = at * mid / mn
    out_ref[...] = jnp.where(cnt == 0.0, 0.0, tangent)


def kernel(flat_visits, emb):
    idx_p = jnp.pad(flat_visits, ((0, 0), (0, LP - L)),
                    constant_values=PAD_IDX).reshape(B * LP)
    nom_raw, aux = _sc_pool(idx_p, emb)
    out = pl.pallas_call(
        _fin_body,
        out_shape=jax.ShapeDtypeStruct((B, DIM), jnp.float32),
    )(nom_raw, aux, emb[PAD_IDX:PAD_IDX + 1])
    return out

# --- scband reference (transcript-rebuilt; emitter-appended) ---
"""Pipeline reference for scband-hyperbolic-visit-encoder-82867099009499 (READ-ONLY COPY).

The authoritative reference and input builder live on the scoring server;
editing this copy changes nothing except your own understanding.
"""

import jax, jax.numpy as jnp
import numpy as np

VOCAB = 100000
DIM = 64
B = 4096
L = 200
PAD_IDX = 0
CURV = 1.0


def setup_inputs(seed: int = 0):
    key = jax.random.key(seed)
    k1, k2 = jax.random.split(key)
    flat_visits = jax.random.randint(k1, (B, L), 0, VOCAB, dtype=jnp.int32)
    # Hyperbolic (Poincare ball) embedding table: small norms so all points lie inside the unit ball
    emb = jax.random.normal(k2, (VOCAB, DIM), dtype=jnp.float32) * 0.01
    return {"flat_visits": flat_visits, "emb": emb}


def _encoder(flat_visits, emb):
    c = CURV
    sc = jnp.sqrt(c)
    # mask out padding codes
    mask = (flat_visits != PAD_IDX).astype(jnp.float32)  # [B, L]
    mask_sum = jnp.sum(mask, axis=1, keepdims=True)  # [B, 1]
    mask_sum_safe = jnp.where(mask_sum == 0, 1.0, mask_sum)
    weights = mask / mask_sum_safe  # [B, L]
    # embedding lookup (gather)
    z = jnp.take(emb, flat_visits, axis=0)  # [B, L, D]
    # conformal factor lambda_x = 2 / (1 - c ||x||^2)
    x2 = jnp.sum(z * z, axis=-1, keepdims=True)  # [B, L, 1]
    gamma = 2.0 / jnp.clip(1.0 - c * x2, 1e-15, None)  # [B, L, 1]
    w = weights[..., None]  # [B, L, 1]
    # geoopt weighted_midpoint (Mobius gyromidpoint), reducedim=[1]
    nom = jnp.sum(gamma * w * z, axis=1)  # [B, D]
    den = jnp.sum((gamma - 1.0) * w, axis=1)  # [B, 1]
    den = jnp.where(jnp.abs(den) < 1e-10, 1e-10, den)
    two_mean = nom / den  # [B, D]
    # mobius scalar mul by 0.5: tanh(0.5 * artanh(sqrt(c)||v||)) * v / (sqrt(c)||v||)
    tn = jnp.sqrt(jnp.clip(jnp.sum(two_mean * two_mean, axis=-1, keepdims=True), 1e-15, None))
    arg = jnp.clip(sc * tn, None, 1.0 - 1e-5)
    mid = jnp.tanh(0.5 * jnp.arctanh(arg)) * two_mean / (sc * tn)  # [B, D]
    # logmap0: artanh(sqrt(c)||y||) * y / (sqrt(c)||y||)
    mn = jnp.sqrt(jnp.clip(jnp.sum(mid * mid, axis=-1, keepdims=True), 1e-15, None))
    marg = jnp.clip(sc * mn, None, 1.0 - 1e-5)
    tangent = jnp.arctanh(marg) * mid / (sc * mn)  # [B, D]
    # zero out visits with no valid codes
    is_empty = mask_sum == 0
    tangent = jnp.where(is_empty, jnp.zeros_like(tangent), tangent)
    return tangent


def reference(flat_visits, emb):
    return _encoder(flat_visits, emb)

if __name__ == "__main__":
    import jax
    _d = setup_inputs()
    print(jax.jit(kernel)(*tuple(_d.values())))

</pallas_src>

<mosaic_0001>
#map = affine_map<(d0, d1) -> (0)>
#map1 = affine_map<(d0, d1) -> (0, 0)>
module attributes {stable_mosaic.version = 14 : i64} {
  func.func @_sc_pool_body(%arg0: i32, %arg1: i32, %arg2: memref<851968xi32, #tpu.memory_space<hbm>>, %arg3: memref<100000x64xf32, #tpu.memory_space<hbm>>, %arg4: memref<4096x64xf32, #tpu.memory_space<hbm>>, %arg5: memref<4096x32xf32, #tpu.memory_space<hbm>>, %arg6: memref<26624xi32, #tpu.memory_space<vmem>>, %arg7: memref<208x64xf32, #tpu.memory_space<vmem>>, %arg8: memref<208x64xf32, #tpu.memory_space<vmem>>, %arg9: memref<128x64xf32, #tpu.memory_space<vmem>>, %arg10: memref<128x32xf32, #tpu.memory_space<vmem>>, %arg11: memref<!tpu.dma_semaphore, #tpu.memory_space<semaphore_mem>>, %arg12: memref<!tpu.dma_semaphore, #tpu.memory_space<semaphore_mem>>) attributes {dimension_semantics = [#tpu.dimension_semantics<core_parallel>, #tpu.dimension_semantics<subcore_parallel>], iteration_bounds = array<i64: 2, 16>, scalar_prefetch = 0 : i64, scratch_operands = 7 : i64, tpu.core_type = #tpu.core_type<sc_vector_subcore>, window_params = [{transform_indices = #map}, {transform_indices = #map1}, {transform_indices = #map1}, {transform_indices = #map1}]} {
    %mul3A = arith.constant 2 : i32
    %mul3A_0 = arith.muli %arg1, %mul3A : i32
    %add3A = arith.addi %mul3A_0, %arg0 : i32
    %mul3A_1 = arith.constant 128 : i32
    %mul3A_2 = arith.muli %add3A, %mul3A_1 : i32
    %mul3A_3 = arith.constant 208 : i32
    %mul3A_4 = arith.muli %mul3A_2, %mul3A_3 : i32
    "tpu.region"() ({
      %run_scoped3A = tpu.sem_alloc : memref<!tpu.dma_semaphore, #tpu.memory_space<semaphore_mem>>
      %dma_start3A_55 = tpu.memref_slice %arg2[%mul3A_4] : memref<851968xi32, #tpu.memory_space<hbm>> -> memref<26624xi32, #tpu.memory_space<hbm>>
      %dma_start3A_56 = tpu.memref_slice %arg2[%mul3A_4] : memref<851968xi32, #tpu.memory_space<hbm>> -> memref<26624xi32, #tpu.memory_space<hbm>>
      tpu.enqueue_dma source(%dma_start3A_56 : memref<26624xi32, #tpu.memory_space<hbm>>) target(%arg6 : memref<26624xi32, #tpu.memory_space<vmem>>) target_semaphore(%run_scoped3A : memref<!tpu.dma_semaphore, #tpu.memory_space<semaphore_mem>>)
      %dma_wait3A = tpu.memref_slice %arg2[%mul3A_4] : memref<851968xi32, #tpu.memory_space<hbm>> -> memref<26624xi32, #tpu.memory_space<hbm>>
      %dma_wait3A_57 = tpu.memref_slice %arg2[%mul3A_4] : memref<851968xi32, #tpu.memory_space<hbm>> -> memref<26624xi32, #tpu.memory_space<hbm>>
      tpu.wait_dma2 semaphore(%run_scoped3A : memref<!tpu.dma_semaphore, #tpu.memory_space<semaphore_mem>>) src(%dma_wait3A_57 : memref<26624xi32, #tpu.memory_space<hbm>>) dst(%arg6 : memref<26624xi32, #tpu.memory_space<vmem>>)
      tpu.yield
    }) : () -> ()
    %dma_start3A = arith.constant 0 : i32
    %dma_start3A_5 = arith.constant 0 : i32
    %dma_start3A_6 = tpu.memref_slice %arg7[%dma_start3A, %dma_start3A_5] : memref<208x64xf32, #tpu.memory_space<vmem>> -> memref<104x64xf32, #tpu.memory_space<vmem>>
    %dma_start3A_7 = arith.constant 0 : i32
    %dma_start3A_8 = tpu.memref_slice %arg6[%dma_start3A_7] : memref<26624xi32, #tpu.memory_space<vmem>> -> memref<104xi32, #tpu.memory_space<vmem>>
    %dma_start3A_9 = arith.constant 0 : i32
    %dma_start3A_10 = arith.constant 0 : i32
    %dma_start3A_11 = tpu.memref_slice %arg3[%dma_start3A_9, %dma_start3A_10] : memref<100000x64xf32, #tpu.memory_space<hbm>> -> memref<100000x64xf32, #tpu.memory_space<hbm>>
    tpu.enqueue_indirect_dma source(%dma_start3A_11 : memref<100000x64xf32, #tpu.memory_space<hbm>>) target(%dma_start3A_6 : memref<104x64xf32, #tpu.memory_space<vmem>>) offsets(%dma_start3A_8 : memref<104xi32, #tpu.memory_space<vmem>>) semaphore(%arg11 : memref<!tpu.dma_semaphore, #tpu.memory_space<semaphore_mem>>)
    %dma_start3A_12 = arith.constant 104 : i32
    %dma_start3A_13 = arith.constant 0 : i32
    %dma_start3A_14 = tpu.memref_slice %arg7[%dma_start3A_12, %dma_start3A_13] : memref<208x64xf32, #tpu.memory_space<vmem>> -> memref<104x64xf32, #tpu.memory_space<vmem>>
    %dma_start3A_15 = arith.constant 104 : i32
    %dma_start3A_16 = tpu.memref_slice %arg6[%dma_start3A_15] : memref<26624xi32, #tpu.memory_space<vmem>> -> memref<104xi32, #tpu.memory_space<vmem>>
    %dma_start3A_17 = arith.constant 0 : i32
    %dma_start3A_18 = arith.constant 0 : i32
    %dma_start3A_19 = tpu.memref_slice %arg3[%dma_start3A_17, %dma_start3A_18] : memref<100000x64xf32, #tpu.memory_space<hbm>> -> memref<100000x64xf32, #tpu.memory_space<hbm>>
    tpu.enqueue_indirect_dma source(%dma_start3A_19 : memref<100000x64xf32, #tpu.memory_space<hbm>>) target(%dma_start3A_14 : memref<104x64xf32, #tpu.memory_space<vmem>>) offsets(%dma_start3A_16 : memref<104xi32, #tpu.memory_space<vmem>>) semaphore(%arg11 : memref<!tpu.dma_semaphore, #tpu.memory_space<semaphore_mem>>)
    %dma_start3A_20 = arith.constant 0 : i32
    %dma_start3A_21 = arith.constant 0 : i32
    %dma_start3A_22 = tpu.memref_slice %arg8[%dma_start3A_20, %dma_start3A_21] : memref<208x64xf32, #tpu.memory_space<vmem>> -> memref<104x64xf32, #tpu.memory_space<vmem>>
    %dma_start3A_23 = arith.constant 208 : i32
    %dma_start3A_24 = tpu.memref_slice %arg6[%dma_start3A_23] : memref<26624xi32, #tpu.memory_space<vmem>> -> memref<104xi32, #tpu.memory_space<vmem>>
    %dma_start3A_25 = arith.constant 0 : i32
    %dma_start3A_26 = arith.constant 0 : i32
    %dma_start3A_27 = tpu.memref_slice %arg3[%dma_start3A_25, %dma_start3A_26] : memref<100000x64xf32, #tpu.memory_space<hbm>> -> memref<100000x64xf32, #tpu.memory_space<hbm>>
    tpu.enqueue_indirect_dma source(%dma_start3A_27 : memref<100000x64xf32, #tpu.memory_space<hbm>>) target(%dma_start3A_22 : memref<104x64xf32, #tpu.memory_space<vmem>>) offsets(%dma_start3A_24 : memref<104xi32, #tpu.memory_space<vmem>>) semaphore(%arg12 : memref<!tpu.dma_semaphore, #tpu.memory_space<semaphore_mem>>)
    %dma_start3A_28 = arith.constant 104 : i32
    %dma_start3A_29 = arith.constant 0 : i32
    %dma_start3A_30 = tpu.memref_slice %arg8[%dma_start3A_28, %dma_start3A_29] : memref<208x64xf32, #tpu.memory_space<vmem>> -> memref<104x64xf32, #tpu.memory_space<vmem>>
    %dma_start3A_31 = arith.constant 312 : i32
    %dma_start3A_32 = tpu.memref_slice %arg6[%dma_start3A_31] : memref<26624xi32, #tpu.memory_space<vmem>> -> memref<104xi32, #tpu.memory_space<vmem>>
    %dma_start3A_33 = arith.constant 0 : i32
    %dma_start3A_34 = arith.constant 0 : i32
    %dma_start3A_35 = tpu.memref_slice %arg3[%dma_start3A_33, %dma_start3A_34] : memref<100000x64xf32, #tpu.memory_space<hbm>> -> memref<100000x64xf32, #tpu.memory_space<hbm>>
    tpu.enqueue_indirect_dma source(%dma_start3A_35 : memref<100000x64xf32, #tpu.memory_space<hbm>>) target(%dma_start3A_30 : memref<104x64xf32, #tpu.memory_space<vmem>>) offsets(%dma_start3A_32 : memref<104xi32, #tpu.memory_space<vmem>>) semaphore(%arg12 : memref<!tpu.dma_semaphore, #tpu.memory_space<semaphore_mem>>)
    %iota3A = tpu.iota {dimensions = array<i32: 0>} : vector<16xi32>
    %xor3A = arith.constant 1 : i32
    %xor3A_36 = vector.broadcast %xor3A : i32 to vector<16xi32>
    %xor3A_37 = arith.xori %iota3A, %xor3A_36 : vector<16xi32>
    %reshape3A = vector.shape_cast %xor3A_37 : vector<16xi32> to vector<16x1xi32>
    %xor3A_38 = arith.constant 2 : i32
    %xor3A_39 = vector.broadcast %xor3A_38 : i32 to vector<16xi32>
    %xor3A_40 = arith.xori %iota3A, %xor3A_39 : vector<16xi32>
    %reshape3A_41 = vector.shape_cast %xor3A_40 : vector<16xi32> to vector<16x1xi32>
    %xor3A_42 = arith.constant 4 : i32
    %xor3A_43 = vector.broadcast %xor3A_42 : i32 to vector<16xi32>
    %xor3A_44 = arith.xori %iota3A, %xor3A_43 : vector<16xi32>
    %reshape3A_45 = vector.shape_cast %xor3A_44 : vector<16xi32> to vector<16x1xi32>
    %xor3A_46 = arith.constant 8 : i32
    %xor3A_47 = vector.broadcast %xor3A_46 : i32 to vector<16xi32>
    %xor3A_48 = arith.xori %iota3A, %xor3A_47 : vector<16xi32>
    %reshape3A_49 = vector.shape_cast %xor3A_48 : vector<16xi32> to vector<16x1xi32>
    %scan3A = arith.constant 0 : i32
    %scan3A_50 = arith.constant 0 : i32
    %scan3A_51 = arith.constant 64 : i32
    %scan3A_52 = arith.addi %scan3A_50, %scan3A_51 : i32
    %scan3A_53 = arith.constant 1 : i32
    scf.for %scan3A_55 = %scan3A_50 to %scan3A_52 step %scan3A_53  : i32 {
      %mul3A_56 = arith.constant 2 : i32
      %mul3A_57 = arith.muli %mul3A_56, %scan3A_55 : i32
      %add3A_58 = arith.constant 0 : i32
      %add3A_59 = arith.addi %mul3A_57, %add3A_58 : i32
      %mul3A_60 = arith.constant 208 : i32
      %mul3A_61 = arith.muli %add3A_59, %mul3A_60 : i32
      %dma_wait3A = arith.constant 0 : i32
      %dma_wait3A_62 = arith.constant 0 : i32
      %dma_wait3A_63 = tpu.memref_slice %arg7[%dma_wait3A, %dma_wait3A_62] : memref<208x64xf32, #tpu.memory_space<vmem>> -> memref<104x64xf32, #tpu.memory_space<vmem>>
      %dma_wait3A_64 = tpu.memref_slice %arg6[%mul3A_61] : memref<26624xi32, #tpu.memory_space<vmem>> -> memref<104xi32, #tpu.memory_space<vmem>>
      %dma_wait3A_65 = arith.constant 0 : i32
      %dma_wait3A_66 = arith.constant 0 : i32
      %dma_wait3A_67 = tpu.memref_slice %arg3[%dma_wait3A_65, %dma_wait3A_66] : memref<100000x64xf32, #tpu.memory_space<hbm>> -> memref<100000x64xf32, #tpu.memory_space<hbm>>
      tpu.wait_indirect_dma semaphore(%arg11 : memref<!tpu.dma_semaphore, #tpu.memory_space<semaphore_mem>>) src(%dma_wait3A_67 : memref<100000x64xf32, #tpu.memory_space<hbm>>) dst(%dma_wait3A_63 : memref<104x64xf32, #tpu.memory_space<vmem>>)
      %mul3A_68 = arith.constant 208 : i32
      %mul3A_69 = arith.muli %add3A_59, %mul3A_68 : i32
      %add3A_70 = arith.constant 104 : i32
      %add3A_71 = arith.addi %mul3A_69, %add3A_70 : i32
      %dma_wait3A_72 = arith.constant 104 : i32
      %dma_wait3A_73 = arith.constant 0 : i32
      %dma_wait3A_74 = tpu.memref_slice %arg7[%dma_wait3A_72, %dma_wait3A_73] : memref<208x64xf32, #tpu.memory_space<vmem>> -> memref<104x64xf32, #tpu.memory_space<vmem>>
      %dma_wait3A_75 = tpu.memref_slice %arg6[%add3A_71] : memref<26624xi32, #tpu.memory_space<vmem>> -> memref<104xi32, #tpu.memory_space<vmem>>
      %dma_wait3A_76 = arith.constant 0 : i32
      %dma_wait3A_77 = arith.constant 0 : i32
      %dma_wait3A_78 = tpu.memref_slice %arg3[%dma_wait3A_76, %dma_wait3A_77] : memref<100000x64xf32, #tpu.memory_space<hbm>> -> memref<100000x64xf32, #tpu.memory_space<hbm>>
      tpu.wait_indirect_dma semaphore(%arg11 : memref<!tpu.dma_semaphore, #tpu.memory_space<semaphore_mem>>) src(%dma_wait3A_78 : memref<100000x64xf32, #tpu.memory_space<hbm>>) dst(%dma_wait3A_74 : memref<104x64xf32, #tpu.memory_space<vmem>>)
      %broadcast_in_dim3A = arith.constant 0.000000e+00 : f32
      %broadcast_in_dim3A_79 = vector.broadcast %broadcast_in_dim3A : f32 to vector<16xf32>
      %scan3A_80 = arith.constant 0 : i32
      %scan3A_81 = arith.constant 13 : i32
      %scan3A_82 = arith.addi %scan3A_80, %scan3A_81 : i32
      %scan3A_83 = arith.constant 1 : i32
      %scan3A_84:6 = scf.for %scan3A_186 = %scan3A_80 to %scan3A_82 step %scan3A_83 iter_args(%scan3A_187 = %broadcast_in_dim3A_79, %scan3A_188 = %broadcast_in_dim3A_79, %scan3A_189 = %broadcast_in_dim3A_79, %scan3A_190 = %broadcast_in_dim3A_79, %scan3A_191 = %broadcast_in_dim3A_79, %scan3A_192 = %broadcast_in_dim3A_79) -> (vector<16xf32>, vector<16xf32>, vector<16xf32>, vector<16xf32>, vector<16xf32>, vector<16xf32>)  : i32 {
        %mul3A_193 = arith.constant 208 : i32
        %mul3A_194 = arith.muli %add3A_59, %mul3A_193 : i32
        %mul3A_195 = arith.constant 16 : i32
        %mul3A_196 = arith.muli %mul3A_195, %scan3A_186 : i32
        %add3A_197 = arith.addi %mul3A_194, %mul3A_196 : i32
        %get3A = arith.index_cast %add3A_197 : i32 to index
        %get3A_198 = tpu.vector_load %arg6[%get3A] {strides = array<i32>} : memref<26624xi32, #tpu.memory_space<vmem>>, vector<16xi32>,
        %get3A_199 = vector.shape_cast %get3A_198 : vector<16xi32> to vector<16xi32>
        %ne3A = arith.constant 0 : i32
        %ne3A_200 = vector.broadcast %ne3A : i32 to vector<16xi32>
        %ne3A_201 = arith.cmpi ne, %get3A_199, %ne3A_200 : vector<16xi32>
        %jit3A = arith.constant 1.000000e+00 : f32
        %jit3A_202 = arith.constant 0.000000e+00 : f32
        %broadcast_in_dim3A_203 = vector.broadcast %jit3A : f32 to vector<16xf32>
        %broadcast_in_dim3A_204 = vector.broadcast %jit3A_202 : f32 to vector<16xf32>
        %select_n3A = arith.select %ne3A_201, %broadcast_in_dim3A_203, %broadcast_in_dim3A_204 : vector<16xi1>, vector<16xf32>
        %add3A_205 = arith.addf %scan3A_192, %select_n3A : vector<16xf32>
        %mul3A_206 = arith.constant 16 : i32
        %mul3A_207 = arith.muli %mul3A_206, %scan3A_186 : i32
        %add3A_208 = arith.constant 0 : i32
        %add3A_209 = arith.addi %mul3A_207, %add3A_208 : i32
        %get3A_210 = arith.index_cast %add3A_209 : i32 to index
        %get3A_211 = arith.constant 0 : index
        %get3A_212 = tpu.vector_load %arg7[%get3A_210, %get3A_211] {strides = array<i32>} : memref<208x64xf32, #tpu.memory_space<vmem>>, vector<1x16xf32>,
        %get3A_213 = vector.shape_cast %get3A_212 : vector<1x16xf32> to vector<16xf32>
        %get3A_214 = arith.index_cast %add3A_209 : i32 to index
        %get3A_215 = arith.constant 16 : index
        %get3A_216 = tpu.vector_load %arg7[%get3A_214, %get3A_215] {strides = array<i32>} : memref<208x64xf32, #tpu.memory_space<vmem>>, vector<1x16xf32>,
        %get3A_217 = vector.shape_cast %get3A_216 : vector<1x16xf32> to vector<16xf32>
        %get3A_218 = arith.index_cast %add3A_209 : i32 to index
        %get3A_219 = arith.constant 32 : index
        %get3A_220 = tpu.vector_load %arg7[%get3A_218, %get3A_219] {strides = array<i32>} : memref<208x64xf32, #tpu.memory_space<vmem>>, vector<1x16xf32>,
        %get3A_221 = vector.shape_cast %get3A_220 : vector<1x16xf32> to vector<16xf32>
        %get3A_222 = arith.index_cast %add3A_209 : i32 to index
        %get3A_223 = arith.constant 48 : index
        %get3A_224 = tpu.vector_load %arg7[%get3A_222, %get3A_223] {strides = array<i32>} : memref<208x64xf32, #tpu.memory_space<vmem>>, vector<1x16xf32>,
        %get3A_225 = vector.shape_cast %get3A_224 : vector<1x16xf32> to vector<16xf32>
        %mul3A_226 = arith.mulf %get3A_213, %get3A_213 : vector<16xf32>
        %mul3A_227 = arith.mulf %get3A_217, %get3A_217 : vector<16xf32>
        %add3A_228 = arith.addf %mul3A_226, %mul3A_227 : vector<16xf32>
        %mul3A_229 = arith.mulf %get3A_221, %get3A_221 : vector<16xf32>
        %add3A_230 = arith.addf %add3A_228, %mul3A_229 : vector<16xf32>
        %mul3A_231 = arith.mulf %get3A_225, %get3A_225 : vector<16xf32>
        %add3A_232 = arith.addf %add3A_230, %mul3A_231 : vector<16xf32>
        %gather3A = vector.shape_cast %reshape3A : vector<16x1xi32> to vector<16xi32>
        %gather3A_233 = tpu.dynamic_gather %add3A_232[%gather3A] in [0] : vector<16xf32>, vector<16xi32> -> vector<16xf32>
        %add3A_234 = arith.addf %add3A_232, %gather3A_233 : vector<16xf32>
        %gather3A_235 = vector.shape_cast %reshape3A_41 : vector<16x1xi32> to vector<16xi32>
        %gather3A_236 = tpu.dynamic_gather %add3A_234[%gather3A_235] in [0] : vector<16xf32>, vector<16xi32> -> vector<16xf32>
        %add3A_237 = arith.addf %add3A_234, %gather3A_236 : vector<16xf32>
        %gather3A_238 = vector.shape_cast %reshape3A_45 : vector<16x1xi32> to vector<16xi32>
        %gather3A_239 = tpu.dynamic_gather %add3A_237[%gather3A_238] in [0] : vector<16xf32>, vector<16xi32> -> vector<16xf32>
        %add3A_240 = arith.addf %add3A_237, %gather3A_239 : vector<16xf32>
        %gather3A_241 = vector.shape_cast %reshape3A_49 : vector<16x1xi32> to vector<16xi32>
        %gather3A_242 = tpu.dynamic_gather %add3A_240[%gather3A_241] in [0] : vector<16xf32>, vector<16xi32> -> vector<16xf32>
        %add3A_243 = arith.addf %add3A_240, %gather3A_242 : vector<16xf32>
        %sub3A = arith.constant 1.000000e+00 : f32
        %sub3A_244 = vector.broadcast %sub3A : f32 to vector<16xf32>
        %sub3A_245 = arith.subf %sub3A_244, %add3A_243 : vector<16xf32>
        %max3A = arith.constant 1.000000e-15 : f32
        %max3A_246 = vector.broadcast %max3A : f32 to vector<16xf32>
        %max3A_247 = arith.maximumf %sub3A_245, %max3A_246 : vector<16xf32>
        %div3A = arith.constant 2.000000e+00 : f32
        %div3A_248 = vector.broadcast %div3A : f32 to vector<16xf32>
        %div3A_249 = arith.divf %div3A_248, %max3A_247 : vector<16xf32>
        %mul3A_250 = arith.mulf %div3A_249, %get3A_213 : vector<16xf32>
        %add3A_251 = arith.addf %scan3A_187, %mul3A_250 : vector<16xf32>
        %mul3A_252 = arith.mulf %div3A_249, %get3A_217 : vector<16xf32>
        %add3A_253 = arith.addf %scan3A_188, %mul3A_252 : vector<16xf32>
        %mul3A_254 = arith.mulf %div3A_249, %get3A_221 : vector<16xf32>
        %add3A_255 = arith.addf %scan3A_189, %mul3A_254 : vector<16xf32>
        %mul3A_256 = arith.mulf %div3A_249, %get3A_225 : vector<16xf32>
        %add3A_257 = arith.addf %scan3A_190, %mul3A_256 : vector<16xf32>
        %add3A_258 = arith.addf %scan3A_191, %div3A_249 : vector<16xf32>
        %mul3A_259 = arith.constant 16 : i32
        %mul3A_260 = arith.muli %mul3A_259, %scan3A_186 : i32
        %add3A_261 = arith.constant 1 : i32
        %add3A_262 = arith.addi %mul3A_260, %add3A_261 : i32
        %get3A_263 = arith.index_cast %add3A_262 : i32 to index
        %get3A_264 = arith.constant 0 : index
        %get3A_265 = tpu.vector_load %arg7[%get3A_263, %get3A_264] {strides = array<i32>} : memref<208x64xf32, #tpu.memory_space<vmem>>, vector<1x16xf32>,
        %get3A_266 = vector.shape_cast %get3A_265 : vector<1x16xf32> to vector<16xf32>
        %get3A_267 = arith.index_cast %add3A_262 : i32 to index
        %get3A_268 = arith.constant 16 : index
        %get3A_269 = tpu.vector_load %arg7[%get3A_267, %get3A_268] {strides = array<i32>} : memref<208x64xf32, #tpu.memory_space<vmem>>, vector<1x16xf32>,
        %get3A_270 = vector.shape_cast %get3A_269 : vector<1x16xf32> to vector<16xf32>
        %get3A_271 = arith.index_cast %add3A_262 : i32 to index
        %get3A_272 = arith.constant 32 : index
        %get3A_273 = tpu.vector_load %arg7[%get3A_271, %get3A_272] {strides = array<i32>} : memref<208x64xf32, #tpu.memory_space<vmem>>, vector<1x16xf32>,
        %get3A_274 = vector.shape_cast %get3A_273 : vector<1x16xf32> to vector<16xf32>
        %get3A_275 = arith.index_cast %add3A_262 : i32 to index
        %get3A_276 = arith.constant 48 : index
        %get3A_277 = tpu.vector_load %arg7[%get3A_275, %get3A_276] {strides = array<i32>} : memref<208x64xf32, #tpu.memory_space<vmem>>, vector<1x16xf32>,
        %get3A_278 = vector.shape_cast %get3A_277 : vector<1x16xf32> to vector<16xf32>
        %mul3A_279 = arith.mulf %get3A_266, %get3A_266 : vector<16xf32>
        %mul3A_280 = arith.mulf %get3A_270, %get3A_270 : vector<16xf32>
        %add3A_281 = arith.addf %mul3A_279, %mul3A_280 : vector<16xf32>
        %mul3A_282 = arith.mulf %get3A_274, %get3A_274 : vector<16xf32>
        %add3A_283 = arith.addf %add3A_281, %mul3A_282 : vector<16xf32>
        %mul3A_284 = arith.mulf %get3A_278, %get3A_278 : vector<16xf32>
        %add3A_285 = arith.addf %add3A_283, %mul3A_284 : vector<16xf32>
        %gather3A_286 = vector.shape_cast %reshape3A : vector<16x1xi32> to vector<16xi32>
        %gather3A_287 = tpu.dynamic_gather %add3A_285[%gather3A_286] in [0] : vector<16xf32>, vector<16xi32> -> vector<16xf32>
        %add3A_288 = arith.addf %add3A_285, %gather3A_287 : vector<16xf32>
        %gather3A_289 = vector.shape_cast %reshape3A_41 : vector<16x1xi32> to vector<16xi32>
        %gather3A_290 = tpu.dynamic_gather %add3A_288[%gather3A_289] in [0] : vector<16xf32>, vector<16xi32> -> vector<16xf32>
        %add3A_291 = arith.addf %add3A_288, %gather3A_290 : vector<16xf32>
        %gather3A_292 = vector.shape_cast %reshape3A_45 : vector<16x1xi32> to vector<16xi32>
        %gather3A_293 = tpu.dynamic_gather %add3A_291[%gather3A_292] in [0] : vector<16xf32>, vector<16xi32> -> vector<16xf32>
        %add3A_294 = arith.addf %add3A_291, %gather3A_293 : vector<16xf32>
        %gather3A_295 = vector.shape_cast %reshape3A_49 : vector<16x1xi32> to vector<16xi32>
        %gather3A_296 = tpu.dynamic_gather %add3A_294[%gather3A_295] in [0] : vector<16xf32>, vector<16xi32> -> vector<16xf32>
        %add3A_297 = arith.addf %add3A_294, %gather3A_296 : vector<16xf32>
        %sub3A_298 = arith.constant 1.000000e+00 : f32
        %sub3A_299 = vector.broadcast %sub3A_298 : f32 to vector<16xf32>
        %sub3A_300 = arith.subf %sub3A_299, %add3A_297 : vector<16xf32>
        %max3A_301 = arith.constant 1.000000e-15 : f32
        %max3A_302 = vector.broadcast %max3A_301 : f32 to vector<16xf32>
        %max3A_303 = arith.maximumf %sub3A_300, %max3A_302 : vector<16xf32>
        %div3A_304 = arith.constant 2.000000e+00 : f32
        %div3A_305 = vector.broadcast %div3A_304 : f32 to vector<16xf32>
        %div3A_306 = arith.divf %div3A_305, %max3A_303 : vector<16xf32>
        %mul3A_307 = arith.mulf %div3A_306, %get3A_266 : vector<16xf32>
        %add3A_308 = arith.addf %add3A_251, %mul3A_307 : vector<16xf32>
        %mul3A_309 = arith.mulf %div3A_306, %get3A_270 : vector<16xf32>
        %add3A_310 = arith.addf %add3A_253, %mul3A_309 : vector<16xf32>
        %mul3A_311 = arith.mulf %div3A_306, %get3A_274 : vector<16xf32>
        %add3A_312 = arith.addf %add3A_255, %mul3A_311 : vector<16xf32>
        %mul3A_313 = arith.mulf %div3A_306, %get3A_278 : vector<16xf32>
        %add3A_314 = arith.addf %add3A_257, %mul3A_313 : vector<16xf32>
        %add3A_315 = arith.addf %add3A_258, %div3A_306 : vector<16xf32>
        %mul3A_316 = arith.constant 16 : i32
        %mul3A_317 = arith.muli %mul3A_316, %scan3A_186 : i32
        %add3A_318 = arith.constant 2 : i32
        %add3A_319 = arith.addi %mul3A_317, %add3A_318 : i32
        %get3A_320 = arith.index_cast %add3A_319 : i32 to index
        %get3A_321 = arith.constant 0 : index
        %get3A_322 = tpu.vector_load %arg7[%get3A_320, %get3A_321] {strides = array<i32>} : memref<208x64xf32, #tpu.memory_space<vmem>>, vector<1x16xf32>,
        %get3A_323 = vector.shape_cast %get3A_322 : vector<1x16xf32> to vector<16xf32>
        %get3A_324 = arith.index_cast %add3A_319 : i32 to index
        %get3A_325 = arith.constant 16 : index
        %get3A_326 = tpu.vector_load %arg7[%get3A_324, %get3A_325] {strides = array<i32>} : memref<208x64xf32, #tpu.memory_space<vmem>>, vector<1x16xf32>,
        %get3A_327 = vector.shape_cast %get3A_326 : vector<1x16xf32> to vector<16xf32>
        %get3A_328 = arith.index_cast %add3A_319 : i32 to index
        %get3A_329 = arith.constant 32 : index
        %get3A_330 = tpu.vector_load %arg7[%get3A_328, %get3A_329] {strides = array<i32>} : memref<208x64xf32, #tpu.memory_space<vmem>>, vector<1x16xf32>,
        %get3A_331 = vector.shape_cast %get3A_330 : vector<1x16xf32> to vector<16xf32>
        %get3A_332 = arith.index_cast %add3A_319 : i32 to index
        %get3A_333 = arith.constant 48 : index
        %get3A_334 = tpu.vector_load %arg7[%get3A_332, %get3A_333] {strides = array<i32>} : memref<208x64xf32, #tpu.memory_space<vmem>>, vector<1x16xf32>,
        %get3A_335 = vector.shape_cast %get3A_334 : vector<1x16xf32> to vector<16xf32>
        %mul3A_336 = arith.mulf %get3A_323, %get3A_323 : vector<16xf32>
        %mul3A_337 = arith.mulf %get3A_327, %get3A_327 : vector<16xf32>
        %add3A_338 = arith.addf %mul3A_336, %mul3A_337 : vector<16xf32>
        %mul3A_339 = arith.mulf %get3A_331, %get3A_331 : vector<16xf32>
        %add3A_340 = arith.addf %add3A_338, %mul3A_339 : vector<16xf32>
        %mul3A_341 = arith.mulf %get3A_335, %get3A_335 : vector<16xf32>
        %add3A_342 = arith.addf %add3A_340, %mul3A_341 : vector<16xf32>
        %gather3A_343 = vector.shape_cast %reshape3A : vector<16x1xi32> to vector<16xi32>
        %gather3A_344 = tpu.dynamic_gather %add3A_342[%gather3A_343] in [0] : vector<16xf32>, vector<16xi32> -> vector<16xf32>
        %add3A_345 = arith.addf %add3A_342, %gather3A_344 : vector<16xf32>
        %gather3A_346 = vector.shape_cast %reshape3A_41 : vector<16x1xi32> to vector<16xi32>
        %gather3A_347 = tpu.dynamic_gather %add3A_345[%gather3A_346] in [0] : vector<16xf32>, vector<16xi32> -> vector<16xf32>
        %add3A_348 = arith.addf %add3A_345, %gather3A_347 : vector<16xf32>
        %gather3A_349 = vector.shape_cast %reshape3A_45 : vector<16x1xi32> to vector<16xi32>
        %gather3A_350 = tpu.dynamic_gather %add3A_348[%gather3A_349] in [0] : vector<16xf32>, vector<16xi32> -> vector<16xf32>
        %add3A_351 = arith.addf %add3A_348, %gather3A_350 : vector<16xf32>
        %gather3A_352 = vector.shape_cast %reshape3A_49 : vector<16x1xi32> to vector<16xi32>
        %gather3A_353 = tpu.dynamic_gather %add3A_351[%gather3A_352] in [0] : vector<16xf32>, vector<16xi32> -> vector<16xf32>
        %add3A_354 = arith.addf %add3A_351, %gather3A_353 : vector<16xf32>
        %sub3A_355 = arith.constant 1.000000e+00 : f32
        %sub3A_356 = vector.broadcast %sub3A_355 : f32 to vector<16xf32>
        %sub3A_357 = arith.subf %sub3A_356, %add3A_354 : vector<16xf32>
        %max3A_358 = arith.constant 1.000000e-15 : f32
        %max3A_359 = vector.broadcast %max3A_358 : f32 to vector<16xf32>
        %max3A_360 = arith.maximumf %sub3A_357, %max3A_359 : vector<16xf32>
        %div3A_361 = arith.constant 2.000000e+00 : f32
        %div3A_362 = vector.broadcast %div3A_361 : f32 to vector<16xf32>
        %div3A_363 = arith.divf %div3A_362, %max3A_360 : vector<16xf32>
        %mul3A_364 = arith.mulf %div3A_363, %get3A_323 : vector<16xf32>
        %add3A_365 = arith.addf %add3A_308, %mul3A_364 : vector<16xf32>
        %mul3A_366 = arith.mulf %div3A_363, %get3A_327 : vector<16xf32>
        %add3A_367 = arith.addf %add3A_310, %mul3A_366 : vector<16xf32>
        %mul3A_368 = arith.mulf %div3A_363, %get3A_331 : vector<16xf32>
        %add3A_369 = arith.addf %add3A_312, %mul3A_368 : vector<16xf32>
        %mul3A_370 = arith.mulf %div3A_363, %get3A_335 : vector<16xf32>
        %add3A_371 = arith.addf %add3A_314, %mul3A_370 : vector<16xf32>
        %add3A_372 = arith.addf %add3A_315, %div3A_363 : vector<16xf32>
        %mul3A_373 = arith.constant 16 : i32
        %mul3A_374 = arith.muli %mul3A_373, %scan3A_186 : i32
        %add3A_375 = arith.constant 3 : i32
        %add3A_376 = arith.addi %mul3A_374, %add3A_375 : i32
        %get3A_377 = arith.index_cast %add3A_376 : i32 to index
        %get3A_378 = arith.constant 0 : index
        %get3A_379 = tpu.vector_load %arg7[%get3A_377, %get3A_378] {strides = array<i32>} : memref<208x64xf32, #tpu.memory_space<vmem>>, vector<1x16xf32>,
        %get3A_380 = vector.shape_cast %get3A_379 : vector<1x16xf32> to vector<16xf32>
        %get3A_381 = arith.index_cast %add3A_376 : i32 to index
        %get3A_382 = arith.constant 16 : index
        %get3A_383 = tpu.vector_load %arg7[%get3A_381, %get3A_382] {strides = array<i32>} : memref<208x64xf32, #tpu.memory_space<vmem>>, vector<1x16xf32>,
        %get3A_384 = vector.shape_cast %get3A_383 : vector<1x16xf32> to vector<16xf32>
        %get3A_385 = arith.index_cast %add3A_376 : i32 to index
        %get3A_386 = arith.constant 32 : index
        %get3A_387 = tpu.vector_load %arg7[%get3A_385, %get3A_386] {strides = array<i32>} : memref<208x64xf32, #tpu.memory_space<vmem>>, vector<1x16xf32>,
        %get3A_388 = vector.shape_cast %get3A_387 : vector<1x16xf32> to vector<16xf32>
        %get3A_389 = arith.index_cast %add3A_376 : i32 to index
        %get3A_390 = arith.constant 48 : index
        %get3A_391 = tpu.vector_load %arg7[%get3A_389, %get3A_390] {strides = array<i32>} : memref<208x64xf32, #tpu.memory_space<vmem>>, vector<1x16xf32>,
        %get3A_392 = vector.shape_cast %get3A_391 : vector<1x16xf32> to vector<16xf32>
        %mul3A_393 = arith.mulf %get3A_380, %get3A_380 : vector<16xf32>
        %mul3A_394 = arith.mulf %get3A_384, %get3A_384 : vector<16xf32>
        %add3A_395 = arith.addf %mul3A_393, %mul3A_394 : vector<16xf32>
        %mul3A_396 = arith.mulf %get3A_388, %get3A_388 : vector<16xf32>
        %add3A_397 = arith.addf %add3A_395, %mul3A_396 : vector<16xf32>
        %mul3A_398 = arith.mulf %get3A_392, %get3A_392 : vector<16xf32>
        %add3A_399 = arith.addf %add3A_397, %mul3A_398 : vector<16xf32>
        %gather3A_400 = vector.shape_cast %reshape3A : vector<16x1xi32> to vector<16xi32>
        %gather3A_401 = tpu.dynamic_gather %add3A_399[%gather3A_400] in [0] : vector<16xf32>, vector<16xi32> -> vector<16xf32>
        %add3A_402 = arith.addf %add3A_399, %gather3A_401 : vector<16xf32>
        %gather3A_403 = vector.shape_cast %reshape3A_41 : vector<16x1xi32> to vector<16xi32>
        %gather3A_404 = tpu.dynamic_gather %add3A_402[%gather3A_403] in [0] : vector<16xf32>, vector<16xi32> -> vector<16xf32>
        %add3A_405 = arith.addf %add3A_402, %gather3A_404 : vector<16xf32>
        %gather3A_406 = vector.shape_cast %reshape3A_45 : vector<16x1xi32> to vector<16xi32>
        %gather3A_407 = tpu.dynamic_gather %add3A_405[%gather3A_406] in [0] : vector<16xf32>, vector<16xi32> -> vector<16xf32>
        %add3A_408 = arith.addf %add3A_405, %gather3A_407 : vector<16xf32>
        %gather3A_409 = vector.shape_cast %reshape3A_49 : vector<16x1xi32> to vector<16xi32>
        %gather3A_410 = tpu.dynamic_gather %add3A_408[%gather3A_409] in [0] : vector<16xf32>, vector<16xi32> -> vector<16xf32>
        %add3A_411 = arith.addf %add3A_408, %gather3A_410 : vector<16xf32>
        %sub3A_412 = arith.constant 1.000000e+00 : f32
        %sub3A_413 = vector.broadcast %sub3A_412 : f32 to vector<16xf32>
        %sub3A_414 = arith.subf %sub3A_413, %add3A_411 : vector<16xf32>
        %max3A_415 = arith.constant 1.000000e-15 : f32
        %max3A_416 = vector.broadcast %max3A_415 : f32 to vector<16xf32>
        %max3A_417 = arith.maximumf %sub3A_414, %max3A_416 : vector<16xf32>
        %div3A_418 = arith.constant 2.000000e+00 : f32
        %div3A_419 = vector.broadcast %div3A_418 : f32 to vector<16xf32>
        %div3A_420 = arith.divf %div3A_419, %max3A_417 : vector<16xf32>
        %mul3A_421 = arith.mulf %div3A_420, %get3A_380 : vector<16xf32>
        %add3A_422 = arith.addf %add3A_365, %mul3A_421 : vector<16xf32>
        %mul3A_423 = arith.mulf %div3A_420, %get3A_384 : vector<16xf32>
        %add3A_424 = arith.addf %add3A_367, %mul3A_423 : vector<16xf32>
        %mul3A_425 = arith.mulf %div3A_420, %get3A_388 : vector<16xf32>
        %add3A_426 = arith.addf %add3A_369, %mul3A_425 : vector<16xf32>
        %mul3A_427 = arith.mulf %div3A_420, %get3A_392 : vector<16xf32>
        %add3A_428 = arith.addf %add3A_371, %mul3A_427 : vector<16xf32>
        %add3A_429 = arith.addf %add3A_372, %div3A_420 : vector<16xf32>
        %mul3A_430 = arith.constant 16 : i32
        %mul3A_431 = arith.muli %mul3A_430, %scan3A_186 : i32
        %add3A_432 = arith.constant 4 : i32
        %add3A_433 = arith.addi %mul3A_431, %add3A_432 : i32
        %get3A_434 = arith.index_cast %add3A_433 : i32 to index
        %get3A_435 = arith.constant 0 : index
        %get3A_436 = tpu.vector_load %arg7[%get3A_434, %get3A_435] {strides = array<i32>} : memref<208x64xf32, #tpu.memory_space<vmem>>, vector<1x16xf32>,
        %get3A_437 = vector.shape_cast %get3A_436 : vector<1x16xf32> to vector<16xf32>
        %get3A_438 = arith.index_cast %add3A_433 : i32 to index
        %get3A_439 = arith.constant 16 : index
        %get3A_440 = tpu.vector_load %arg7[%get3A_438, %get3A_439] {strides = array<i32>} : memref<208x64xf32, #tpu.memory_space<vmem>>, vector<1x16xf32>,
        %get3A_441 = vector.shape_cast %get3A_440 : vector<1x16xf32> to vector<16xf32>
        %get3A_442 = arith.index_cast %add3A_433 : i32 to index
        %get3A_443 = arith.constant 32 : index
        %get3A_444 = tpu.vector_load %arg7[%get3A_442, %get3A_443] {strides = array<i32>} : memref<208x64xf32, #tpu.memory_space<vmem>>, vector<1x16xf32>,
        %get3A_445 = vector.shape_cast %get3A_444 : vector<1x16xf32> to vector<16xf32>
        %get3A_446 = arith.index_cast %add3A_433 : i32 to index
        %get3A_447 = arith.constant 48 : index
        %get3A_448 = tpu.vector_load %arg7[%get3A_446, %get3A_447] {strides = array<i32>} : memref<208x64xf32, #tpu.memory_space<vmem>>, vector<1x16xf32>,
        %get3A_449 = vector.shape_cast %get3A_448 : vector<1x16xf32> to vector<16xf32>
        %mul3A_450 = arith.mulf %get3A_437, %get3A_437 : vector<16xf32>
        %mul3A_451 = arith.mulf %get3A_441, %get3A_441 : vector<16xf32>
        %add3A_452 = arith.addf %mul3A_450, %mul3A_451 : vector<16xf32>
        %mul3A_453 = arith.mulf %get3A_445, %get3A_445 : vector<16xf32>
        %add3A_454 = arith.addf %add3A_452, %mul3A_453 : vector<16xf32>
        %mul3A_455 = arith.mulf %get3A_449, %get3A_449 : vector<16xf32>
        %add3A_456 = arith.addf %add3A_454, %mul3A_455 : vector<16xf32>
        %gather3A_457 = vector.shape_cast %reshape3A : vector<16x1xi32> to vector<16xi32>
        %gather3A_458 = tpu.dynamic_gather %add3A_456[%gather3A_457] in [0] : vector<16xf32>, vector<16xi32> -> vector<16xf32>
        %add3A_459 = arith.addf %add3A_456, %gather3A_458 : vector<16xf32>
        %gather3A_460 = vector.shape_cast %reshape3A_41 : vector<16x1xi32> to vector<16xi32>
        %gather3A_461 = tpu.dynamic_gather %add3A_459[%gather3A_460] in [0] : vector<16xf32>, vector<16xi32> -> vector<16xf32>
        %add3A_462 = arith.addf %add3A_459, %gather3A_461 : vector<16xf32>
        %gather3A_463 = vector.shape_cast %reshape3A_45 : vector<16x1xi32> to vector<16xi32>
        %gather3A_464 = tpu.dynamic_gather %add3A_462[%gather3A_463] in [0] : vector<16xf32>, vector<16xi32> -> vector<16xf32>
        %add3A_465 = arith.addf %add3A_462, %gather3A_464 : vector<16xf32>
        %gather3A_466 = vector.shape_cast %reshape3A_49 : vector<16x1xi32> to vector<16xi32>
        %gather3A_467 = tpu.dynamic_gather %add3A_465[%gather3A_466] in [0] : vector<16xf32>, vector<16xi32> -> vector<16xf32>
        %add3A_468 = arith.addf %add3A_465, %gather3A_467 : vector<16xf32>
        %sub3A_469 = arith.constant 1.000000e+00 : f32
        %sub3A_470 = vector.broadcast %sub3A_469 : f32 to vector<16xf32>
        %sub3A_471 = arith.subf %sub3A_470, %add3A_468 : vector<16xf32>
        %max3A_472 = arith.constant 1.000000e-15 : f32
        %max3A_473 = vector.broadcast %max3A_472 : f32 to vector<16xf32>
        %max3A_474 = arith.maximumf %sub3A_471, %max3A_473 : vector<16xf32>
        %div3A_475 = arith.constant 2.000000e+00 : f32
        %div3A_476 = vector.broadcast %div3A_475 : f32 to vector<16xf32>
        %div3A_477 = arith.divf %div3A_476, %max3A_474 : vector<16xf32>
        %mul3A_478 = arith.mulf %div3A_477, %get3A_437 : vector<16xf32>
        %add3A_479 = arith.addf %add3A_422, %mul3A_478 : vector<16xf32>
        %mul3A_480 = arith.mulf %div3A_477, %get3A_441 : vector<16xf32>
        %add3A_481 = arith.addf %add3A_424, %mul3A_480 : vector<16xf32>
        %mul3A_482 = arith.mulf %div3A_477, %get3A_445 : vector<16xf32>
        %add3A_483 = arith.addf %add3A_426, %mul3A_482 : vector<16xf32>
        %mul3A_484 = arith.mulf %div3A_477, %get3A_449 : vector<16xf32>
        %add3A_485 = arith.addf %add3A_428, %mul3A_484 : vector<16xf32>
        %add3A_486 = arith.addf %add3A_429, %div3A_477 : vector<16xf32>
        %mul3A_487 = arith.constant 16 : i32
        %mul3A_488 = arith.muli %mul3A_487, %scan3A_186 : i32
        %add3A_489 = arith.constant 5 : i32
        %add3A_490 = arith.addi %mul3A_488, %add3A_489 : i32
        %get3A_491 = arith.index_cast %add3A_490 : i32 to index
        %get3A_492 = arith.constant 0 : index
        %get3A_493 = tpu.vector_load %arg7[%get3A_491, %get3A_492] {strides = array<i32>} : memref<208x64xf32, #tpu.memory_space<vmem>>, vector<1x16xf32>,
        %get3A_494 = vector.shape_cast %get3A_493 : vector<1x16xf32> to vector<16xf32>
        %get3A_495 = arith.index_cast %add3A_490 : i32 to index
        %get3A_496 = arith.constant 16 : index
        %get3A_497 = tpu.vector_load %arg7[%get3A_495, %get3A_496] {strides = array<i32>} : memref<208x64xf32, #tpu.memory_space<vmem>>, vector<1x16xf32>,
        %get3A_498 = vector.shape_cast %get3A_497 : vector<1x16xf32> to vector<16xf32>
        %get3A_499 = arith.index_cast %add3A_490 : i32 to index
        %get3A_500 = arith.constant 32 : index
        %get3A_501 = tpu.vector_load %arg7[%get3A_499, %get3A_500] {strides = array<i32>} : memref<208x64xf32, #tpu.memory_space<vmem>>, vector<1x16xf32>,
        %get3A_502 = vector.shape_cast %get3A_501 : vector<1x16xf32> to vector<16xf32>
        %get3A_503 = arith.index_cast %add3A_490 : i32 to index
        %get3A_504 = arith.constant 48 : index
        %get3A_505 = tpu.vector_load %arg7[%get3A_503, %get3A_504] {strides = array<i32>} : memref<208x64xf32, #tpu.memory_space<vmem>>, vector<1x16xf32>,
        %get3A_506 = vector.shape_cast %get3A_505 : vector<1x16xf32> to vector<16xf32>
        %mul3A_507 = arith.mulf %get3A_494, %get3A_494 : vector<16xf32>
        %mul3A_508 = arith.mulf %get3A_498, %get3A_498 : vector<16xf32>
        %add3A_509 = arith.addf %mul3A_507, %mul3A_508 : vector<16xf32>
        %mul3A_510 = arith.mulf %get3A_502, %get3A_502 : vector<16xf32>
        %add3A_511 = arith.addf %add3A_509, %mul3A_510 : vector<16xf32>
        %mul3A_512 = arith.mulf %get3A_506, %get3A_506 : vector<16xf32>
        %add3A_513 = arith.addf %add3A_511, %mul3A_512 : vector<16xf32>
        %gather3A_514 = vector.shape_cast %reshape3A : vector<16x1xi32> to vector<16xi32>
        %gather3A_515 = tpu.dynamic_gather %add3A_513[%gather3A_514] in [0] : vector<16xf32>, vector<16xi32> -> vector<16xf32>
        %add3A_516 = arith.addf %add3A_513, %gather3A_515 : vector<16xf32>
        %gather3A_517 = vector.shape_cast %reshape3A_41 : vector<16x1xi32> to vector<16xi32>
        %gather3A_518 = tpu.dynamic_gather %add3A_516[%gather3A_517] in [0] : vector<16xf32>, vector<16xi32> -> vector<16xf32>
        %add3A_519 = arith.addf %add3A_516, %gather3A_518 : vector<16xf32>
        %gather3A_520 = vector.shape_cast %reshape3A_45 : vector<16x1xi32> to vector<16xi32>
        %gather3A_521 = tpu.dynamic_gather %add3A_519[%gather3A_520] in [0] : vector<16xf32>, vector<16xi32> -> vector<16xf32>
        %add3A_522 = arith.addf %add3A_519, %gather3A_521 : vector<16xf32>
        %gather3A_523 = vector.shape_cast %reshape3A_49 : vector<16x1xi32> to vector<16xi32>
        %gather3A_524 = tpu.dynamic_gather %add3A_522[%gather3A_523] in [0] : vector<16xf32>, vector<16xi32> -> vector<16xf32>
        %add3A_525 = arith.addf %add3A_522, %gather3A_524 : vector<16xf32>
        %sub3A_526 = arith.constant 1.000000e+00 : f32
        %sub3A_527 = vector.broadcast %sub3A_526 : f32 to vector<16xf32>
        %sub3A_528 = arith.subf %sub3A_527, %add3A_525 : vector<16xf32>
        %max3A_529 = arith.constant 1.000000e-15 : f32
        %max3A_530 = vector.broadcast %max3A_529 : f32 to vector<16xf32>
        %max3A_531 = arith.maximumf %sub3A_528, %max3A_530 : vector<16xf32>
        %div3A_532 = arith.constant 2.000000e+00 : f32
        %div3A_533 = vector.broadcast %div3A_532 : f32 to vector<16xf32>
        %div3A_534 = arith.divf %div3A_533, %max3A_531 : vector<16xf32>
        %mul3A_535 = arith.mulf %div3A_534, %get3A_494 : vector<16xf32>
        %add3A_536 = arith.addf %add3A_479, %mul3A_535 : vector<16xf32>
        %mul3A_537 = arith.mulf %div3A_534, %get3A_498 : vector<16xf32>
        %add3A_538 = arith.addf %add3A_481, %mul3A_537 : vector<16xf32>
        %mul3A_539 = arith.mulf %div3A_534, %get3A_502 : vector<16xf32>
        %add3A_540 = arith.addf %add3A_483, %mul3A_539 : vector<16xf32>
        %mul3A_541 = arith.mulf %div3A_534, %get3A_506 : vector<16xf32>
        %add3A_542 = arith.addf %add3A_485, %mul3A_541 : vector<16xf32>
        %add3A_543 = arith.addf %add3A_486, %div3A_534 : vector<16xf32>
        %mul3A_544 = arith.constant 16 : i32
        %mul3A_545 = arith.muli %mul3A_544, %scan3A_186 : i32
        %add3A_546 = arith.constant 6 : i32
        %add3A_547 = arith.addi %mul3A_545, %add3A_546 : i32
        %get3A_548 = arith.index_cast %add3A_547 : i32 to index
        %get3A_549 = arith.constant 0 : index
        %get3A_550 = tpu.vector_load %arg7[%get3A_548, %get3A_549] {strides = array<i32>} : memref<208x64xf32, #tpu.memory_space<vmem>>, vector<1x16xf32>,
        %get3A_551 = vector.shape_cast %get3A_550 : vector<1x16xf32> to vector<16xf32>
        %get3A_552 = arith.index_cast %add3A_547 : i32 to index
        %get3A_553 = arith.constant 16 : index
        %get3A_554 = tpu.vector_load %arg7[%get3A_552, %get3A_553] {strides = array<i32>} : memref<208x64xf32, #tpu.memory_space<vmem>>, vector<1x16xf32>,
        %get3A_555 = vector.shape_cast %get3A_554 : vector<1x16xf32> to vector<16xf32>
        %get3A_556 = arith.index_cast %add3A_547 : i32 to index
        %get3A_557 = arith.constant 32 : index
        %get3A_558 = tpu.vector_load %arg7[%get3A_556, %get3A_557] {strides = array<i32>} : memref<208x64xf32, #tpu.memory_space<vmem>>, vector<1x16xf32>,
        %get3A_559 = vector.shape_cast %get3A_558 : vector<1x16xf32> to vector<16xf32>
        %get3A_560 = arith.index_cast %add3A_547 : i32 to index
        %get3A_561 = arith.constant 48 : index
        %get3A_562 = tpu.vector_load %arg7[%get3A_560, %get3A_561] {strides = array<i32>} : memref<208x64xf32, #tpu.memory_space<vmem>>, vector<1x16xf32>,
        %get3A_563 = vector.shape_cast %get3A_562 : vector<1x16xf32> to vector<16xf32>
        %mul3A_564 = arith.mulf %get3A_551, %get3A_551 : vector<16xf32>
        %mul3A_565 = arith.mulf %get3A_555, %get3A_555 : vector<16xf32>
        %add3A_566 = arith.addf %mul3A_564, %mul3A_565 : vector<16xf32>
        %mul3A_567 = arith.mulf %get3A_559, %get3A_559 : vector<16xf32>
        %add3A_568 = arith.addf %add3A_566, %mul3A_567 : vector<16xf32>
        %mul3A_569 = arith.mulf %get3A_563, %get3A_563 : vector<16xf32>
        %add3A_570 = arith.addf %add3A_568, %mul3A_569 : vector<16xf32>
        %gather3A_571 = vector.shape_cast %reshape3A : vector<16x1xi32> to vector<16xi32>
        %gather3A_572 = tpu.dynamic_gather %add3A_570[%gather3A_571] in [0] : vector<16xf32>, vector<16xi32> -> vector<16xf32>
        %add3A_573 = arith.addf %add3A_570, %gather3A_572 : vector<16xf32>
        %gather3A_574 = vector.shape_cast %reshape3A_41 : vector<16x1xi32> to vector<16xi32>
        %gather3A_575 = tpu.dynamic_gather %add3A_573[%gather3A_574] in [0] : vector<16xf32>, vector<16xi32> -> vector<16xf32>
        %add3A_576 = arith.addf %add3A_573, %gather3A_575 : vector<16xf32>
        %gather3A_577 = vector.shape_cast %reshape3A_45 : vector<16x1xi32> to vector<16xi32>
        %gather3A_578 = tpu.dynamic_gather %add3A_576[%gather3A_577] in [0] : vector<16xf32>, vector<16xi32> -> vector<16xf32>
        %add3A_579 = arith.addf %add3A_576, %gather3A_578 : vector<16xf32>
        %gather3A_580 = vector.shape_cast %reshape3A_49 : vector<16x1xi32> to vector<16xi32>
        %gather3A_581 = tpu.dynamic_gather %add3A_579[%gather3A_580] in [0] : vector<16xf32>, vector<16xi32> -> vector<16xf32>
        %add3A_582 = arith.addf %add3A_579, %gather3A_581 : vector<16xf32>
        %sub3A_583 = arith.constant 1.000000e+00 : f32
        %sub3A_584 = vector.broadcast %sub3A_583 : f32 to vector<16xf32>
        %sub3A_585 = arith.subf %sub3A_584, %add3A_582 : vector<16xf32>
        %max3A_586 = arith.constant 1.000000e-15 : f32
        %max3A_587 = vector.broadcast %max3A_586 : f32 to vector<16xf32>
        %max3A_588 = arith.maximumf %sub3A_585, %max3A_587 : vector<16xf32>
        %div3A_589 = arith.constant 2.000000e+00 : f32
        %div3A_590 = vector.broadcast %div3A_589 : f32 to vector<16xf32>
        %div3A_591 = arith.divf %div3A_590, %max3A_588 : vector<16xf32>
        %mul3A_592 = arith.mulf %div3A_591, %get3A_551 : vector<16xf32>
        %add3A_593 = arith.addf %add3A_536, %mul3A_592 : vector<16xf32>
        %mul3A_594 = arith.mulf %div3A_591, %get3A_555 : vector<16xf32>
        %add3A_595 = arith.addf %add3A_538, %mul3A_594 : vector<16xf32>
        %mul3A_596 = arith.mulf %div3A_591, %get3A_559 : vector<16xf32>
        %add3A_597 = arith.addf %add3A_540, %mul3A_596 : vector<16xf32>
        %mul3A_598 = arith.mulf %div3A_591, %get3A_563 : vector<16xf32>
        %add3A_599 = arith.addf %add3A_542, %mul3A_598 : vector<16xf32>
        %add3A_600 = arith.addf %add3A_543, %div3A_591 : vector<16xf32>
        %mul3A_601 = arith.constant 16 : i32
        %mul3A_602 = arith.muli %mul3A_601, %scan3A_186 : i32
        %add3A_603 = arith.constant 7 : i32
        %add3A_604 = arith.addi %mul3A_602, %add3A_603 : i32
        %get3A_605 = arith.index_cast %add3A_604 : i32 to index
        %get3A_606 = arith.constant 0 : index
        %get3A_607 = tpu.vector_load %arg7[%get3A_605, %get3A_606] {strides = array<i32>} : memref<208x64xf32, #tpu.memory_space<vmem>>, vector<1x16xf32>,
        %get3A_608 = vector.shape_cast %get3A_607 : vector<1x16xf32> to vector<16xf32>
        %get3A_609 = arith.index_cast %add3A_604 : i32 to index
        %get3A_610 = arith.constant 16 : index
        %get3A_611 = tpu.vector_load %arg7[%get3A_609, %get3A_610] {strides = array<i32>} : memref<208x64xf32, #tpu.memory_space<vmem>>, vector<1x16xf32>,
        %get3A_612 = vector.shape_cast %get3A_611 : vector<1x16xf32> to vector<16xf32>
        %get3A_613 = arith.index_cast %add3A_604 : i32 to index
        %get3A_614 = arith.constant 32 : index
        %get3A_615 = tpu.vector_load %arg7[%get3A_613, %get3A_614] {strides = array<i32>} : memref<208x64xf32, #tpu.memory_space<vmem>>, vector<1x16xf32>,
        %get3A_616 = vector.shape_cast %get3A_615 : vector<1x16xf32> to vector<16xf32>
        %get3A_617 = arith.index_cast %add3A_604 : i32 to index
        %get3A_618 = arith.constant 48 : index
        %get3A_619 = tpu.vector_load %arg7[%get3A_617, %get3A_618] {strides = array<i32>} : memref<208x64xf32, #tpu.memory_space<vmem>>, vector<1x16xf32>,
        %get3A_620 = vector.shape_cast %get3A_619 : vector<1x16xf32> to vector<16xf32>
        %mul3A_621 = arith.mulf %get3A_608, %get3A_608 : vector<16xf32>
        %mul3A_622 = arith.mulf %get3A_612, %get3A_612 : vector<16xf32>
        %add3A_623 = arith.addf %mul3A_621, %mul3A_622 : vector<16xf32>
        %mul3A_624 = arith.mulf %get3A_616, %get3A_616 : vector<16xf32>
        %add3A_625 = arith.addf %add3A_623, %mul3A_624 : vector<16xf32>
        %mul3A_626 = arith.mulf %get3A_620, %get3A_620 : vector<16xf32>
        %add3A_627 = arith.addf %add3A_625, %mul3A_626 : vector<16xf32>
        %gather3A_628 = vector.shape_cast %reshape3A : vector<16x1xi32> to vector<16xi32>
        %gather3A_629 = tpu.dynamic_gather %add3A_627[%gather3A_628] in [0] : vector<16xf32>, vector<16xi32> -> vector<16xf32>
        %add3A_630 = arith.addf %add3A_627, %gather3A_629 : vector<16xf32>
        %gather3A_631 = vector.shape_cast %reshape3A_41 : vector<16x1xi32> to vector<16xi32>
        %gather3A_632 = tpu.dynamic_gather %add3A_630[%gather3A_631] in [0] : vector<16xf32>, vector<16xi32> -> vector<16xf32>
        %add3A_633 = arith.addf %add3A_630, %gather3A_632 : vector<16xf32>
        %gather3A_634 = vector.shape_cast %reshape3A_45 : vector<16x1xi32> to vector<16xi32>
        %gather3A_635 = tpu.dynamic_gather %add3A_633[%gather3A_634] in [0] : vector<16xf32>, vector<16xi32> -> vector<16xf32>
        %add3A_636 = arith.addf %add3A_633, %gather3A_635 : vector<16xf32>
        %gather3A_637 = vector.shape_cast %reshape3A_49 : vector<16x1xi32> to vector<16xi32>
        %gather3A_638 = tpu.dynamic_gather %add3A_636[%gather3A_637] in [0] : vector<16xf32>, vector<16xi32> -> vector<16xf32>
        %add3A_639 = arith.addf %add3A_636, %gather3A_638 : vector<16xf32>
        %sub3A_640 = arith.constant 1.000000e+00 : f32
        %sub3A_641 = vector.broadcast %sub3A_640 : f32 to vector<16xf32>
        %sub3A_642 = arith.subf %sub3A_641, %add3A_639 : vector<16xf32>
        %max3A_643 = arith.constant 1.000000e-15 : f32
        %max3A_644 = vector.broadcast %max3A_643 : f32 to vector<16xf32>
        %max3A_645 = arith.maximumf %sub3A_642, %max3A_644 : vector<16xf32>
        %div3A_646 = arith.constant 2.000000e+00 : f32
        %div3A_647 = vector.broadcast %div3A_646 : f32 to vector<16xf32>
        %div3A_648 = arith.divf %div3A_647, %max3A_645 : vector<16xf32>
        %mul3A_649 = arith.mulf %div3A_648, %get3A_608 : vector<16xf32>
        %add3A_650 = arith.addf %add3A_593, %mul3A_649 : vector<16xf32>
        %mul3A_651 = arith.mulf %div3A_648, %get3A_612 : vector<16xf32>
        %add3A_652 = arith.addf %add3A_595, %mul3A_651 : vector<16xf32>
        %mul3A_653 = arith.mulf %div3A_648, %get3A_616 : vector<16xf32>
        %add3A_654 = arith.addf %add3A_597, %mul3A_653 : vector<16xf32>
        %mul3A_655 = arith.mulf %div3A_648, %get3A_620 : vector<16xf32>
        %add3A_656 = arith.addf %add3A_599, %mul3A_655 : vector<16xf32>
        %add3A_657 = arith.addf %add3A_600, %div3A_648 : vector<16xf32>
        %mul3A_658 = arith.constant 16 : i32
        %mul3A_659 = arith.muli %mul3A_658, %scan3A_186 : i32
        %add3A_660 = arith.constant 8 : i32
        %add3A_661 = arith.addi %mul3A_659, %add3A_660 : i32
        %get3A_662 = arith.index_cast %add3A_661 : i32 to index
        %get3A_663 = arith.constant 0 : index
        %get3A_664 = tpu.vector_load %arg7[%get3A_662, %get3A_663] {strides = array<i32>} : memref<208x64xf32, #tpu.memory_space<vmem>>, vector<1x16xf32>,
        %get3A_665 = vector.shape_cast %get3A_664 : vector<1x16xf32> to vector<16xf32>
        %get3A_666 = arith.index_cast %add3A_661 : i32 to index
        %get3A_667 = arith.constant 16 : index
        %get3A_668 = tpu.vector_load %arg7[%get3A_666, %get3A_667] {strides = array<i32>} : memref<208x64xf32, #tpu.memory_space<vmem>>, vector<1x16xf32>,
        %get3A_669 = vector.shape_cast %get3A_668 : vector<1x16xf32> to vector<16xf32>
        %get3A_670 = arith.index_cast %add3A_661 : i32 to index
        %get3A_671 = arith.constant 32 : index
        %get3A_672 = tpu.vector_load %arg7[%get3A_670, %get3A_671] {strides = array<i32>} : memref<208x64xf32, #tpu.memory_space<vmem>>, vector<1x16xf32>,
        %get3A_673 = vector.shape_cast %get3A_672 : vector<1x16xf32> to vector<16xf32>
        %get3A_674 = arith.index_cast %add3A_661 : i32 to index
        %get3A_675 = arith.constant 48 : index
        %get3A_676 = tpu.vector_load %arg7[%get3A_674, %get3A_675] {strides = array<i32>} : memref<208x64xf32, #tpu.memory_space<vmem>>, vector<1x16xf32>,
        %get3A_677 = vector.shape_cast %get3A_676 : vector<1x16xf32> to vector<16xf32>
        %mul3A_678 = arith.mulf %get3A_665, %get3A_665 : vector<16xf32>
        %mul3A_679 = arith.mulf %get3A_669, %get3A_669 : vector<16xf32>
        %add3A_680 = arith.addf %mul3A_678, %mul3A_679 : vector<16xf32>
        %mul3A_681 = arith.mulf %get3A_673, %get3A_673 : vector<16xf32>
        %add3A_682 = arith.addf %add3A_680, %mul3A_681 : vector<16xf32>
        %mul3A_683 = arith.mulf %get3A_677, %get3A_677 : vector<16xf32>
        %add3A_684 = arith.addf %add3A_682, %mul3A_683 : vector<16xf32>
        %gather3A_685 = vector.shape_cast %reshape3A : vector<16x1xi32> to vector<16xi32>
        %gather3A_686 = tpu.dynamic_gather %add3A_684[%gather3A_685] in [0] : vector<16xf32>, vector<16xi32> -> vector<16xf32>
        %add3A_687 = arith.addf %add3A_684, %gather3A_686 : vector<16xf32>
        %gather3A_688 = vector.shape_cast %reshape3A_41 : vector<16x1xi32> to vector<16xi32>
        %gather3A_689 = tpu.dynamic_gather %add3A_687[%gather3A_688] in [0] : vector<16xf32>, vector<16xi32> -> vector<16xf32>
        %add3A_690 = arith.addf %add3A_687, %gather3A_689 : vector<16xf32>
        %gather3A_691 = vector.shape_cast %reshape3A_45 : vector<16x1xi32> to vector<16xi32>
        %gather3A_692 = tpu.dynamic_gather %add3A_690[%gather3A_691] in [0] : vector<16xf32>, vector<16xi32> -> vector<16xf32>
        %add3A_693 = arith.addf %add3A_690, %gather3A_692 : vector<16xf32>
        %gather3A_694 = vector.shape_cast %reshape3A_49 : vector<16x1xi32> to vector<16xi32>
        %gather3A_695 = tpu.dynamic_gather %add3A_693[%gather3A_694] in [0] : vector<16xf32>, vector<16xi32> -> vector<16xf32>
        %add3A_696 = arith.addf %add3A_693, %gather3A_695 : vector<16xf32>
        %sub3A_697 = arith.constant 1.000000e+00 : f32
        %sub3A_698 = vector.broadcast %sub3A_697 : f32 to vector<16xf32>
        %sub3A_699 = arith.subf %sub3A_698, %add3A_696 : vector<16xf32>
        %max3A_700 = arith.constant 1.000000e-15 : f32
        %max3A_701 = vector.broadcast %max3A_700 : f32 to vector<16xf32>
        %max3A_702 = arith.maximumf %sub3A_699, %max3A_701 : vector<16xf32>
        %div3A_703 = arith.constant 2.000000e+00 : f32
        %div3A_704 = vector.broadcast %div3A_703 : f32 to vector<16xf32>
        %div3A_705 = arith.divf %div3A_704, %max3A_702 : vector<16xf32>
        %mul3A_706 = arith.mulf %div3A_705, %get3A_665 : vector<16xf32>
        %add3A_707 = arith.addf %add3A_650, %mul3A_706 : vector<16xf32>
        %mul3A_708 = arith.mulf %div3A_705, %get3A_669 : vector<16xf32>
        %add3A_709 = arith.addf %add3A_652, %mul3A_708 : vector<16xf32>
        %mul3A_710 = arith.mulf %div3A_705, %get3A_673 : vector<16xf32>
        %add3A_711 = arith.addf %add3A_654, %mul3A_710 : vector<16xf32>
        %mul3A_712 = arith.mulf %div3A_705, %get3A_677 : vector<16xf32>
        %add3A_713 = arith.addf %add3A_656, %mul3A_712 : vector<16xf32>
        %add3A_714 = arith.addf %add3A_657, %div3A_705 : vector<16xf32>
        %mul3A_715 = arith.constant 16 : i32
        %mul3A_716 = arith.muli %mul3A_715, %scan3A_186 : i32
        %add3A_717 = arith.constant 9 : i32
        %add3A_718 = arith.addi %mul3A_716, %add3A_717 : i32
        %get3A_719 = arith.index_cast %add3A_718 : i32 to index
        %get3A_720 = arith.constant 0 : index
        %get3A_721 = tpu.vector_load %arg7[%get3A_719, %get3A_720] {strides = array<i32>} : memref<208x64xf32, #tpu.memory_space<vmem>>, vector<1x16xf32>,
        %get3A_722 = vector.shape_cast %get3A_721 : vector<1x16xf32> to vector<16xf32>
        %get3A_723 = arith.index_cast %add3A_718 : i32 to index
        %get3A_724 = arith.constant 16 : index
        %get3A_725 = tpu.vector_load %arg7[%get3A_723, %get3A_724] {strides = array<i32>} : memref<208x64xf32, #tpu.memory_space<vmem>>, vector<1x16xf32>,
        %get3A_726 = vector.shape_cast %get3A_725 : vector<1x16xf32> to vector<16xf32>
        %get3A_727 = arith.index_cast %add3A_718 : i32 to index
        %get3A_728 = arith.constant 32 : index
        %get3A_729 = tpu.vector_load %arg7[%get3A_727, %get3A_728] {strides = array<i32>} : memref<208x64xf32, #tpu.memory_space<vmem>>, vector<1x16xf32>,
        %get3A_730 = vector.shape_cast %get3A_729 : vector<1x16xf32> to vector<16xf32>
        %get3A_731 = arith.index_cast %add3A_718 : i32 to index
        %get3A_732 = arith.constant 48 : index
        %get3A_733 = tpu.vector_load %arg7[%get3A_731, %get3A_732] {strides = array<i32>} : memref<208x64xf32, #tpu.memory_space<vmem>>, vector<1x16xf32>,
        %get3A_734 = vector.shape_cast %get3A_733 : vector<1x16xf32> to vector<16xf32>
        %mul3A_735 = arith.mulf %get3A_722, %get3A_722 : vector<16xf32>
        %mul3A_736 = arith.mulf %get3A_726, %get3A_726 : vector<16xf32>
        %add3A_737 = arith.addf %mul3A_735, %mul3A_736 : vector<16xf32>
        %mul3A_738 = arith.mulf %get3A_730, %get3A_730 : vector<16xf32>
        %add3A_739 = arith.addf %add3A_737, %mul3A_738 : vector<16xf32>
        %mul3A_740 = arith.mulf %get3A_734, %get3A_734 : vector<16xf32>
        %add3A_741 = arith.addf %add3A_739, %mul3A_740 : vector<16xf32>
        %gather3A_742 = vector.shape_cast %reshape3A : vector<16x1xi32> to vector<16xi32>
        %gather3A_743 = tpu.dynamic_gather %add3A_741[%gather3A_742] in [0] : vector<16xf32>, vector<16xi32> -> vector<16xf32>
        %add3A_744 = arith.addf %add3A_741, %gather3A_743 : vector<16xf32>
        %gather3A_745 = vector.shape_cast %reshape3A_41 : vector<16x1xi32> to vector<16xi32>
        %gather3A_746 = tpu.dynamic_gather %add3A_744[%gather3A_745] in [0] : vector<16xf32>, vector<16xi32> -> vector<16xf32>
        %add3A_747 = arith.addf %add3A_744, %gather3A_746 : vector<16xf32>
        %gather3A_748 = vector.shape_cast %reshape3A_45 : vector<16x1xi32> to vector<16xi32>
        %gather3A_749 = tpu.dynamic_gather %add3A_747[%gather3A_748] in [0] : vector<16xf32>, vector<16xi32> -> vector<16xf32>
        %add3A_750 = arith.addf %add3A_747, %gather3A_749 : vector<16xf32>
        %gather3A_751 = vector.shape_cast %reshape3A_49 : vector<16x1xi32> to vector<16xi32>
        %gather3A_752 = tpu.dynamic_gather %add3A_750[%gather3A_751] in [0] : vector<16xf32>, vector<16xi32> -> vector<16xf32>
        %add3A_753 = arith.addf %add3A_750, %gather3A_752 : vector<16xf32>
        %sub3A_754 = arith.constant 1.000000e+00 : f32
        %sub3A_755 = vector.broadcast %sub3A_754 : f32 to vector<16xf32>
        %sub3A_756 = arith.subf %sub3A_755, %add3A_753 : vector<16xf32>
        %max3A_757 = arith.constant 1.000000e-15 : f32
        %max3A_758 = vector.broadcast %max3A_757 : f32 to vector<16xf32>
        %max3A_759 = arith.maximumf %sub3A_756, %max3A_758 : vector<16xf32>
        %div3A_760 = arith.constant 2.000000e+00 : f32
        %div3A_761 = vector.broadcast %div3A_760 : f32 to vector<16xf32>
        %div3A_762 = arith.divf %div3A_761, %max3A_759 : vector<16xf32>
        %mul3A_763 = arith.mulf %div3A_762, %get3A_722 : vector<16xf32>
        %add3A_764 = arith.addf %add3A_707, %mul3A_763 : vector<16xf32>
        %mul3A_765 = arith.mulf %div3A_762, %get3A_726 : vector<16xf32>
        %add3A_766 = arith.addf %add3A_709, %mul3A_765 : vector<16xf32>
        %mul3A_767 = arith.mulf %div3A_762, %get3A_730 : vector<16xf32>
        %add3A_768 = arith.addf %add3A_711, %mul3A_767 : vector<16xf32>
        %mul3A_769 = arith.mulf %div3A_762, %get3A_734 : vector<16xf32>
        %add3A_770 = arith.addf %add3A_713, %mul3A_769 : vector<16xf32>
        %add3A_771 = arith.addf %add3A_714, %div3A_762 : vector<16xf32>
        %mul3A_772 = arith.constant 16 : i32
        %mul3A_773 = arith.muli %mul3A_772, %scan3A_186 : i32
        %add3A_774 = arith.constant 10 : i32
        %add3A_775 = arith.addi %mul3A_773, %add3A_774 : i32
        %get3A_776 = arith.index_cast %add3A_775 : i32 to index
        %get3A_777 = arith.constant 0 : index
        %get3A_778 = tpu.vector_load %arg7[%get3A_776, %get3A_777] {strides = array<i32>} : memref<208x64xf32, #tpu.memory_space<vmem>>, vector<1x16xf32>,
        %get3A_779 = vector.shape_cast %get3A_778 : vector<1x16xf32> to vector<16xf32>
        %get3A_780 = arith.index_cast %add3A_775 : i32 to index
        %get3A_781 = arith.constant 16 : index
        %get3A_782 = tpu.vector_load %arg7[%get3A_780, %get3A_781] {strides = array<i32>} : memref<208x64xf32, #tpu.memory_space<vmem>>, vector<1x16xf32>,
        %get3A_783 = vector.shape_cast %get3A_782 : vector<1x16xf32> to vector<16xf32>
        %get3A_784 = arith.index_cast %add3A_775 : i32 to index
        %get3A_785 = arith.constant 32 : index
        %get3A_786 = tpu.vector_load %arg7[%get3A_784, %get3A_785] {strides = array<i32>} : memref<208x64xf32, #tpu.memory_space<vmem>>, vector<1x16xf32>,
        %get3A_787 = vector.shape_cast %get3A_786 : vector<1x16xf32> to vector<16xf32>
        %get3A_788 = arith.index_cast %add3A_775 : i32 to index
        %get3A_789 = arith.constant 48 : index
        %get3A_790 = tpu.vector_load %arg7[%get3A_788, %get3A_789] {strides = array<i32>} : memref<208x64xf32, #tpu.memory_space<vmem>>, vector<1x16xf32>,
        %get3A_791 = vector.shape_cast %get3A_790 : vector<1x16xf32> to vector<16xf32>
        %mul3A_792 = arith.mulf %get3A_779, %get3A_779 : vector<16xf32>
        %mul3A_793 = arith.mulf %get3A_783, %get3A_783 : vector<16xf32>
        %add3A_794 = arith.addf %mul3A_792, %mul3A_793 : vector<16xf32>
        %mul3A_795 = arith.mulf %get3A_787, %get3A_787 : vector<16xf32>
        %add3A_796 = arith.addf %add3A_794, %mul3A_795 : vector<16xf32>
        %mul3A_797 = arith.mulf %get3A_791, %get3A_791 : vector<16xf32>
        %add3A_798 = arith.addf %add3A_796, %mul3A_797 : vector<16xf32>
        %gather3A_799 = vector.shape_cast %reshape3A : vector<16x1xi32> to vector<16xi32>
        %gather3A_800 = tpu.dynamic_gather %add3A_798[%gather3A_799] in [0] : vector<16xf32>, vector<16xi32> -> vector<16xf32>
        %add3A_801 = arith.addf %add3A_798, %gather3A_800 : vector<16xf32>
        %gather3A_802 = vector.shape_cast %reshape3A_41 : vector<16x1xi32> to vector<16xi32>
        %gather3A_803 = tpu.dynamic_gather %add3A_801[%gather3A_802] in [0] : vector<16xf32>, vector<16xi32> -> vector<16xf32>
        %add3A_804 = arith.addf %add3A_801, %gather3A_803 : vector<16xf32>
        %gather3A_805 = vector.shape_cast %reshape3A_45 : vector<16x1xi32> to vector<16xi32>
        %gather3A_806 = tpu.dynamic_gather %add3A_804[%gather3A_805] in [0] : vector<16xf32>, vector<16xi32> -> vector<16xf32>
        %add3A_807 = arith.addf %add3A_804, %gather3A_806 : vector<16xf32>
        %gather3A_808 = vector.shape_cast %reshape3A_49 : vector<16x1xi32> to vector<16xi32>
        %gather3A_809 = tpu.dynamic_gather %add3A_807[%gather3A_808] in [0] : vector<16xf32>, vector<16xi32> -> vector<16xf32>
        %add3A_810 = arith.addf %add3A_807, %gather3A_809 : vector<16xf32>
        %sub3A_811 = arith.constant 1.000000e+00 : f32
        %sub3A_812 = vector.broadcast %sub3A_811 : f32 to vector<16xf32>
        %sub3A_813 = arith.subf %sub3A_812, %add3A_810 : vector<16xf32>
        %max3A_814 = arith.constant 1.000000e-15 : f32
        %max3A_815 = vector.broadcast %max3A_814 : f32 to vector<16xf32>
        %max3A_816 = arith.maximumf %sub3A_813, %max3A_815 : vector<16xf32>
        %div3A_817 = arith.constant 2.000000e+00 : f32
        %div3A_818 = vector.broadcast %div3A_817 : f32 to vector<16xf32>
        %div3A_819 = arith.divf %div3A_818, %max3A_816 : vector<16xf32>
        %mul3A_820 = arith.mulf %div3A_819, %get3A_779 : vector<16xf32>
        %add3A_821 = arith.addf %add3A_764, %mul3A_820 : vector<16xf32>
        %mul3A_822 = arith.mulf %div3A_819, %get3A_783 : vector<16xf32>
        %add3A_823 = arith.addf %add3A_766, %mul3A_822 : vector<16xf32>
        %mul3A_824 = arith.mulf %div3A_819, %get3A_787 : vector<16xf32>
        %add3A_825 = arith.addf %add3A_768, %mul3A_824 : vector<16xf32>
        %mul3A_826 = arith.mulf %div3A_819, %get3A_791 : vector<16xf32>
        %add3A_827 = arith.addf %add3A_770, %mul3A_826 : vector<16xf32>
        %add3A_828 = arith.addf %add3A_771, %div3A_819 : vector<16xf32>
        %mul3A_829 = arith.constant 16 : i32
        %mul3A_830 = arith.muli %mul3A_829, %scan3A_186 : i32
        %add3A_831 = arith.constant 11 : i32
        %add3A_832 = arith.addi %mul3A_830, %add3A_831 : i32
        %get3A_833 = arith.index_cast %add3A_832 : i32 to index
        %get3A_834 = arith.constant 0 : index
        %get3A_835 = tpu.vector_load %arg7[%get3A_833, %get3A_834] {strides = array<i32>} : memref<208x64xf32, #tpu.memory_space<vmem>>, vector<1x16xf32>,
        %get3A_836 = vector.shape_cast %get3A_835 : vector<1x16xf32> to vector<16xf32>
        %get3A_837 = arith.index_cast %add3A_832 : i32 to index
        %get3A_838 = arith.constant 16 : index
        %get3A_839 = tpu.vector_load %arg7[%get3A_837, %get3A_838] {strides = array<i32>} : memref<208x64xf32, #tpu.memory_space<vmem>>, vector<1x16xf32>,
        %get3A_840 = vector.shape_cast %get3A_839 : vector<1x16xf32> to vector<16xf32>
        %get3A_841 = arith.index_cast %add3A_832 : i32 to index
        %get3A_842 = arith.constant 32 : index
        %get3A_843 = tpu.vector_load %arg7[%get3A_841, %get3A_842] {strides = array<i32>} : memref<208x64xf32, #tpu.memory_space<vmem>>, vector<1x16xf32>,
        %get3A_844 = vector.shape_cast %get3A_843 : vector<1x16xf32> to vector<16xf32>
        %get3A_845 = arith.index_cast %add3A_832 : i32 to index
        %get3A_846 = arith.constant 48 : index
        %get3A_847 = tpu.vector_load %arg7[%get3A_845, %get3A_846] {strides = array<i32>} : memref<208x64xf32, #tpu.memory_space<vmem>>, vector<1x16xf32>,
        %get3A_848 = vector.shape_cast %get3A_847 : vector<1x16xf32> to vector<16xf32>
        %mul3A_849 = arith.mulf %get3A_836, %get3A_836 : vector<16xf32>
        %mul3A_850 = arith.mulf %get3A_840, %get3A_840 : vector<16xf32>
        %add3A_851 = arith.addf %mul3A_849, %mul3A_850 : vector<16xf32>
        %mul3A_852 = arith.mulf %get3A_844, %get3A_844 : vector<16xf32>
        %add3A_853 = arith.addf %add3A_851, %mul3A_852 : vector<16xf32>
        %mul3A_854 = arith.mulf %get3A_848, %get3A_848 : vector<16xf32>
        %add3A_855 = arith.addf %add3A_853, %mul3A_854 : vector<16xf32>
        %gather3A_856 = vector.shape_cast %reshape3A : vector<16x1xi32> to vector<16xi32>
        %gather3A_857 = tpu.dynamic_gather %add3A_855[%gather3A_856] in [0] : vector<16xf32>, vector<16xi32> -> vector<16xf32>
        %add3A_858 = arith.addf %add3A_855, %gather3A_857 : vector<16xf32>
        %gather3A_859 = vector.shape_cast %reshape3A_41 : vector<16x1xi32> to vector<16xi32>
        %gather3A_860 = tpu.dynamic_gather %add3A_858[%gather3A_859] in [0] : vector<16xf32>, vector<16xi32> -> vector<16xf32>
        %add3A_861 = arith.addf %add3A_858, %gather3A_860 : vector<16xf32>
        %gather3A_862 = vector.shape_cast %reshape3A_45 : vector<16x1xi32> to vector<16xi32>
        %gather3A_863 = tpu.dynamic_gather %add3A_861[%gather3A_862] in [0] : vector<16xf32>, vector<16xi32> -> vector<16xf32>
        %add3A_864 = arith.addf %add3A_861, %gather3A_863 : vector<16xf32>
        %gather3A_865 = vector.shape_cast %reshape3A_49 : vector<16x1xi32> to vector<16xi32>
        %gather3A_866 = tpu.dynamic_gather %add3A_864[%gather3A_865] in [0] : vector<16xf32>, vector<16xi32> -> vector<16xf32>
        %add3A_867 = arith.addf %add3A_864, %gather3A_866 : vector<16xf32>
        %sub3A_868 = arith.constant 1.000000e+00 : f32
        %sub3A_869 = vector.broadcast %sub3A_868 : f32 to vector<16xf32>
        %sub3A_870 = arith.subf %sub3A_869, %add3A_867 : vector<16xf32>
        %max3A_871 = arith.constant 1.000000e-15 : f32
        %max3A_872 = vector.broadcast %max3A_871 : f32 to vector<16xf32>
        %max3A_873 = arith.maximumf %sub3A_870, %max3A_872 : vector<16xf32>
        %div3A_874 = arith.constant 2.000000e+00 : f32
        %div3A_875 = vector.broadcast %div3A_874 : f32 to vector<16xf32>
        %div3A_876 = arith.divf %div3A_875, %max3A_873 : vector<16xf32>
        %mul3A_877 = arith.mulf %div3A_876, %get3A_836 : vector<16xf32>
        %add3A_878 = arith.addf %add3A_821, %mul3A_877 : vector<16xf32>
        %mul3A_879 = arith.mulf %div3A_876, %get3A_840 : vector<16xf32>
        %add3A_880 = arith.addf %add3A_823, %mul3A_879 : vector<16xf32>
        %mul3A_881 = arith.mulf %div3A_876, %get3A_844 : vector<16xf32>
        %add3A_882 = arith.addf %add3A_825, %mul3A_881 : vector<16xf32>
        %mul3A_883 = arith.mulf %div3A_876, %get3A_848 : vector<16xf32>
        %add3A_884 = arith.addf %add3A_827, %mul3A_883 : vector<16xf32>
        %add3A_885 = arith.addf %add3A_828, %div3A_876 : vector<16xf32>
        %mul3A_886 = arith.constant 16 : i32
        %mul3A_887 = arith.muli %mul3A_886, %scan3A_186 : i32
        %add3A_888 = arith.constant 12 : i32
        %add3A_889 = arith.addi %mul3A_887, %add3A_888 : i32
        %get3A_890 = arith.index_cast %add3A_889 : i32 to index
        %get3A_891 = arith.constant 0 : index
        %get3A_892 = tpu.vector_load %arg7[%get3A_890, %get3A_891] {strides = array<i32>} : memref<208x64xf32, #tpu.memory_space<vmem>>, vector<1x16xf32>,
        %get3A_893 = vector.shape_cast %get3A_892 : vector<1x16xf32> to vector<16xf32>
        %get3A_894 = arith.index_cast %add3A_889 : i32 to index
        %get3A_895 = arith.constant 16 : index
        %get3A_896 = tpu.vector_load %arg7[%get3A_894, %get3A_895] {strides = array<i32>} : memref<208x64xf32, #tpu.memory_space<vmem>>, vector<1x16xf32>,
        %get3A_897 = vector.shape_cast %get3A_896 : vector<1x16xf32> to vector<16xf32>
        %get3A_898 = arith.index_cast %add3A_889 : i32 to index
        %get3A_899 = arith.constant 32 : index
        %get3A_900 = tpu.vector_load %arg7[%get3A_898, %get3A_899] {strides = array<i32>} : memref<208x64xf32, #tpu.memory_space<vmem>>, vector<1x16xf32>,
        %get3A_901 = vector.shape_cast %get3A_900 : vector<1x16xf32> to vector<16xf32>
        %get3A_902 = arith.index_cast %add3A_889 : i32 to index
        %get3A_903 = arith.constant 48 : index
        %get3A_904 = tpu.vector_load %arg7[%get3A_902, %get3A_903] {strides = array<i32>} : memref<208x64xf32, #tpu.memory_space<vmem>>, vector<1x16xf32>,
        %get3A_905 = vector.shape_cast %get3A_904 : vector<1x16xf32> to vector<16xf32>
        %mul3A_906 = arith.mulf %get3A_893, %get3A_893 : vector<16xf32>
        %mul3A_907 = arith.mulf %get3A_897, %get3A_897 : vector<16xf32>
        %add3A_908 = arith.addf %mul3A_906, %mul3A_907 : vector<16xf32>
        %mul3A_909 = arith.mulf %get3A_901, %get3A_901 : vector<16xf32>
        %add3A_910 = arith.addf %add3A_908, %mul3A_909 : vector<16xf32>
        %mul3A_911 = arith.mulf %get3A_905, %get3A_905 : vector<16xf32>
        %add3A_912 = arith.addf %add3A_910, %mul3A_911 : vector<16xf32>
        %gather3A_913 = vector.shape_cast %reshape3A : vector<16x1xi32> to vector<16xi32>
        %gather3A_914 = tpu.dynamic_gather %add3A_912[%gather3A_913] in [0] : vector<16xf32>, vector<16xi32> -> vector<16xf32>
        %add3A_915 = arith.addf %add3A_912, %gather3A_914 : vector<16xf32>
        %gather3A_916 = vector.shape_cast %reshape3A_41 : vector<16x1xi32> to vector<16xi32>
        %gather3A_917 = tpu.dynamic_gather %add3A_915[%gather3A_916] in [0] : vector<16xf32>, vector<16xi32> -> vector<16xf32>
        %add3A_918 = arith.addf %add3A_915, %gather3A_917 : vector<16xf32>
        %gather3A_919 = vector.shape_cast %reshape3A_45 : vector<16x1xi32> to vector<16xi32>
        %gather3A_920 = tpu.dynamic_gather %add3A_918[%gather3A_919] in [0] : vector<16xf32>, vector<16xi32> -> vector<16xf32>
        %add3A_921 = arith.addf %add3A_918, %gather3A_920 : vector<16xf32>
        %gather3A_922 = vector.shape_cast %reshape3A_49 : vector<16x1xi32> to vector<16xi32>
        %gather3A_923 = tpu.dynamic_gather %add3A_921[%gather3A_922] in [0] : vector<16xf32>, vector<16xi32> -> vector<16xf32>
        %add3A_924 = arith.addf %add3A_921, %gather3A_923 : vector<16xf32>
        %sub3A_925 = arith.constant 1.000000e+00 : f32
        %sub3A_926 = vector.broadcast %sub3A_925 : f32 to vector<16xf32>
        %sub3A_927 = arith.subf %sub3A_926, %add3A_924 : vector<16xf32>
        %max3A_928 = arith.constant 1.000000e-15 : f32
        %max3A_929 = vector.broadcast %max3A_928 : f32 to vector<16xf32>
        %max3A_930 = arith.maximumf %sub3A_927, %max3A_929 : vector<16xf32>
        %div3A_931 = arith.constant 2.000000e+00 : f32
        %div3A_932 = vector.broadcast %div3A_931 : f32 to vector<16xf32>
        %div3A_933 = arith.divf %div3A_932, %max3A_930 : vector<16xf32>
        %mul3A_934 = arith.mulf %div3A_933, %get3A_893 : vector<16xf32>
        %add3A_935 = arith.addf %add3A_878, %mul3A_934 : vector<16xf32>
        %mul3A_936 = arith.mulf %div3A_933, %get3A_897 : vector<16xf32>
        %add3A_937 = arith.addf %add3A_880, %mul3A_936 : vector<16xf32>
        %mul3A_938 = arith.mulf %div3A_933, %get3A_901 : vector<16xf32>
        %add3A_939 = arith.addf %add3A_882, %mul3A_938 : vector<16xf32>
        %mul3A_940 = arith.mulf %div3A_933, %get3A_905 : vector<16xf32>
        %add3A_941 = arith.addf %add3A_884, %mul3A_940 : vector<16xf32>
        %add3A_942 = arith.addf %add3A_885, %div3A_933 : vector<16xf32>
        %mul3A_943 = arith.constant 16 : i32
        %mul3A_944 = arith.muli %mul3A_943, %scan3A_186 : i32
        %add3A_945 = arith.constant 13 : i32
        %add3A_946 = arith.addi %mul3A_944, %add3A_945 : i32
        %get3A_947 = arith.index_cast %add3A_946 : i32 to index
        %get3A_948 = arith.constant 0 : index
        %get3A_949 = tpu.vector_load %arg7[%get3A_947, %get3A_948] {strides = array<i32>} : memref<208x64xf32, #tpu.memory_space<vmem>>, vector<1x16xf32>,
        %get3A_950 = vector.shape_cast %get3A_949 : vector<1x16xf32> to vector<16xf32>
        %get3A_951 = arith.index_cast %add3A_946 : i32 to index
        %get3A_952 = arith.constant 16 : index
        %get3A_953 = tpu.vector_load %arg7[%get3A_951, %get3A_952] {strides = array<i32>} : memref<208x64xf32, #tpu.memory_space<vmem>>, vector<1x16xf32>,
        %get3A_954 = vector.shape_cast %get3A_953 : vector<1x16xf32> to vector<16xf32>
        %get3A_955 = arith.index_cast %add3A_946 : i32 to index
        %get3A_956 = arith.constant 32 : index
        %get3A_957 = tpu.vector_load %arg7[%get3A_955, %get3A_956] {strides = array<i32>} : memref<208x64xf32, #tpu.memory_space<vmem>>, vector<1x16xf32>,
        %get3A_958 = vector.shape_cast %get3A_957 : vector<1x16xf32> to vector<16xf32>
        %get3A_959 = arith.index_cast %add3A_946 : i32 to index
        %get3A_960 = arith.constant 48 : index
        %get3A_961 = tpu.vector_load %arg7[%get3A_959, %get3A_960] {strides = array<i32>} : memref<208x64xf32, #tpu.memory_space<vmem>>, vector<1x16xf32>,
        %get3A_962 = vector.shape_cast %get3A_961 : vector<1x16xf32> to vector<16xf32>
        %mul3A_963 = arith.mulf %get3A_950, %get3A_950 : vector<16xf32>
        %mul3A_964 = arith.mulf %get3A_954, %get3A_954 : vector<16xf32>
        %add3A_965 = arith.addf %mul3A_963, %mul3A_964 : vector<16xf32>
        %mul3A_966 = arith.mulf %get3A_958, %get3A_958 : vector<16xf32>
        %add3A_967 = arith.addf %add3A_965, %mul3A_966 : vector<16xf32>
        %mul3A_968 = arith.mulf %get3A_962, %get3A_962 : vector<16xf32>
        %add3A_969 = arith.addf %add3A_967, %mul3A_968 : vector<16xf32>
        %gather3A_970 = vector.shape_cast %reshape3A : vector<16x1xi32> to vector<16xi32>
        %gather3A_971 = tpu.dynamic_gather %add3A_969[%gather3A_970] in [0] : vector<16xf32>, vector<16xi32> -> vector<16xf32>
        %add3A_972 = arith.addf %add3A_969, %gather3A_971 : vector<16xf32>
        %gather3A_973 = vector.shape_cast %reshape3A_41 : vector<16x1xi32> to vector<16xi32>
        %gather3A_974 = tpu.dynamic_gather %add3A_972[%gather3A_973] in [0] : vector<16xf32>, vector<16xi32> -> vector<16xf32>
        %add3A_975 = arith.addf %add3A_972, %gather3A_974 : vector<16xf32>
        %gather3A_976 = vector.shape_cast %reshape3A_45 : vector<16x1xi32> to vector<16xi32>
        %gather3A_977 = tpu.dynamic_gather %add3A_975[%gather3A_976] in [0] : vector<16xf32>, vector<16xi32> -> vector<16xf32>
        %add3A_978 = arith.addf %add3A_975, %gather3A_977 : vector<16xf32>
        %gather3A_979 = vector.shape_cast %reshape3A_49 : vector<16x1xi32> to vector<16xi32>
        %gather3A_980 = tpu.dynamic_gather %add3A_978[%gather3A_979] in [0] : vector<16xf32>, vector<16xi32> -> vector<16xf32>
        %add3A_981 = arith.addf %add3A_978, %gather3A_980 : vector<16xf32>
        %sub3A_982 = arith.constant 1.000000e+00 : f32
        %sub3A_983 = vector.broadcast %sub3A_982 : f32 to vector<16xf32>
        %sub3A_984 = arith.subf %sub3A_983, %add3A_981 : vector<16xf32>
        %max3A_985 = arith.constant 1.000000e-15 : f32
        %max3A_986 = vector.broadcast %max3A_985 : f32 to vector<16xf32>
        %max3A_987 = arith.maximumf %sub3A_984, %max3A_986 : vector<16xf32>
        %div3A_988 = arith.constant 2.000000e+00 : f32
        %div3A_989 = vector.broadcast %div3A_988 : f32 to vector<16xf32>
        %div3A_990 = arith.divf %div3A_989, %max3A_987 : vector<16xf32>
        %mul3A_991 = arith.mulf %div3A_990, %get3A_950 : vector<16xf32>
        %add3A_992 = arith.addf %add3A_935, %mul3A_991 : vector<16xf32>
        %mul3A_993 = arith.mulf %div3A_990, %get3A_954 : vector<16xf32>
        %add3A_994 = arith.addf %add3A_937, %mul3A_993 : vector<16xf32>
        %mul3A_995 = arith.mulf %div3A_990, %get3A_958 : vector<16xf32>
        %add3A_996 = arith.addf %add3A_939, %mul3A_995 : vector<16xf32>
        %mul3A_997 = arith.mulf %div3A_990, %get3A_962 : vector<16xf32>
        %add3A_998 = arith.addf %add3A_941, %mul3A_997 : vector<16xf32>
        %add3A_999 = arith.addf %add3A_942, %div3A_990 : vector<16xf32>
        %mul3A_1000 = arith.constant 16 : i32
        %mul3A_1001 = arith.muli %mul3A_1000, %scan3A_186 : i32
        %add3A_1002 = arith.constant 14 : i32
        %add3A_1003 = arith.addi %mul3A_1001, %add3A_1002 : i32
        %get3A_1004 = arith.index_cast %add3A_1003 : i32 to index
        %get3A_1005 = arith.constant 0 : index
        %get3A_1006 = tpu.vector_load %arg7[%get3A_1004, %get3A_1005] {strides = array<i32>} : memref<208x64xf32, #tpu.memory_space<vmem>>, vector<1x16xf32>,
        %get3A_1007 = vector.shape_cast %get3A_1006 : vector<1x16xf32> to vector<16xf32>
        %get3A_1008 = arith.index_cast %add3A_1003 : i32 to index
        %get3A_1009 = arith.constant 16 : index
        %get3A_1010 = tpu.vector_load %arg7[%get3A_1008, %get3A_1009] {strides = array<i32>} : memref<208x64xf32, #tpu.memory_space<vmem>>, vector<1x16xf32>,
        %get3A_1011 = vector.shape_cast %get3A_1010 : vector<1x16xf32> to vector<16xf32>
        %get3A_1012 = arith.index_cast %add3A_1003 : i32 to index
        %get3A_1013 = arith.constant 32 : index
        %get3A_1014 = tpu.vector_load %arg7[%get3A_1012, %get3A_1013] {strides = array<i32>} : memref<208x64xf32, #tpu.memory_space<vmem>>, vector<1x16xf32>,
        %get3A_1015 = vector.shape_cast %get3A_1014 : vector<1x16xf32> to vector<16xf32>
        %get3A_1016 = arith.index_cast %add3A_1003 : i32 to index
        %get3A_1017 = arith.constant 48 : index
        %get3A_1018 = tpu.vector_load %arg7[%get3A_1016, %get3A_1017] {strides = array<i32>} : memref<208x64xf32, #tpu.memory_space<vmem>>, vector<1x16xf32>,
        %get3A_1019 = vector.shape_cast %get3A_1018 : vector<1x16xf32> to vector<16xf32>
        %mul3A_1020 = arith.mulf %get3A_1007, %get3A_1007 : vector<16xf32>
        %mul3A_1021 = arith.mulf %get3A_1011, %get3A_1011 : vector<16xf32>
        %add3A_1022 = arith.addf %mul3A_1020, %mul3A_1021 : vector<16xf32>
        %mul3A_1023 = arith.mulf %get3A_1015, %get3A_1015 : vector<16xf32>
        %add3A_1024 = arith.addf %add3A_1022, %mul3A_1023 : vector<16xf32>
        %mul3A_1025 = arith.mulf %get3A_1019, %get3A_1019 : vector<16xf32>
        %add3A_1026 = arith.addf %add3A_1024, %mul3A_1025 : vector<16xf32>
        %gather3A_1027 = vector.shape_cast %reshape3A : vector<16x1xi32> to vector<16xi32>
        %gather3A_1028 = tpu.dynamic_gather %add3A_1026[%gather3A_1027] in [0] : vector<16xf32>, vector<16xi32> -> vector<16xf32>
        %add3A_1029 = arith.addf %add3A_1026, %gather3A_1028 : vector<16xf32>
        %gather3A_1030 = vector.shape_cast %reshape3A_41 : vector<16x1xi32> to vector<16xi32>
        %gather3A_1031 = tpu.dynamic_gather %add3A_1029[%gather3A_1030] in [0] : vector<16xf32>, vector<16xi32> -> vector<16xf32>
        %add3A_1032 = arith.addf %add3A_1029, %gather3A_1031 : vector<16xf32>
        %gather3A_1033 = vector.shape_cast %reshape3A_45 : vector<16x1xi32> to vector<16xi32>
        %gather3A_1034 = tpu.dynamic_gather %add3A_1032[%gather3A_1033] in [0] : vector<16xf32>, vector<16xi32> -> vector<16xf32>
        %add3A_1035 = arith.addf %add3A_1032, %gather3A_1034 : vector<16xf32>
        %gather3A_1036 = vector.shape_cast %reshape3A_49 : vector<16x1xi32> to vector<16xi32>
        %gather3A_1037 = tpu.dynamic_gather %add3A_1035[%gather3A_1036] in [0] : vector<16xf32>, vector<16xi32> -> vector<16xf32>
        %add3A_1038 = arith.addf %add3A_1035, %gather3A_1037 : vector<16xf32>
        %sub3A_1039 = arith.constant 1.000000e+00 : f32
        %sub3A_1040 = vector.broadcast %sub3A_1039 : f32 to vector<16xf32>
        %sub3A_1041 = arith.subf %sub3A_1040, %add3A_1038 : vector<16xf32>
        %max3A_1042 = arith.constant 1.000000e-15 : f32
        %max3A_1043 = vector.broadcast %max3A_1042 : f32 to vector<16xf32>
        %max3A_1044 = arith.maximumf %sub3A_1041, %max3A_1043 : vector<16xf32>
        %div3A_1045 = arith.constant 2.000000e+00 : f32
        %div3A_1046 = vector.broadcast %div3A_1045 : f32 to vector<16xf32>
        %div3A_1047 = arith.divf %div3A_1046, %max3A_1044 : vector<16xf32>
        %mul3A_1048 = arith.mulf %div3A_1047, %get3A_1007 : vector<16xf32>
        %add3A_1049 = arith.addf %add3A_992, %mul3A_1048 : vector<16xf32>
        %mul3A_1050 = arith.mulf %div3A_1047, %get3A_1011 : vector<16xf32>
        %add3A_1051 = arith.addf %add3A_994, %mul3A_1050 : vector<16xf32>
        %mul3A_1052 = arith.mulf %div3A_1047, %get3A_1015 : vector<16xf32>
        %add3A_1053 = arith.addf %add3A_996, %mul3A_1052 : vector<16xf32>
        %mul3A_1054 = arith.mulf %div3A_1047, %get3A_1019 : vector<16xf32>
        %add3A_1055 = arith.addf %add3A_998, %mul3A_1054 : vector<16xf32>
        %add3A_1056 = arith.addf %add3A_999, %div3A_1047 : vector<16xf32>
        %mul3A_1057 = arith.constant 16 : i32
        %mul3A_1058 = arith.muli %mul3A_1057, %scan3A_186 : i32
        %add3A_1059 = arith.constant 15 : i32
        %add3A_1060 = arith.addi %mul3A_1058, %add3A_1059 : i32
        %get3A_1061 = arith.index_cast %add3A_1060 : i32 to index
        %get3A_1062 = arith.constant 0 : index
        %get3A_1063 = tpu.vector_load %arg7[%get3A_1061, %get3A_1062] {strides = array<i32>} : memref<208x64xf32, #tpu.memory_space<vmem>>, vector<1x16xf32>,
        %get3A_1064 = vector.shape_cast %get3A_1063 : vector<1x16xf32> to vector<16xf32>
        %get3A_1065 = arith.index_cast %add3A_1060 : i32 to index
        %get3A_1066 = arith.constant 16 : index
        %get3A_1067 = tpu.vector_load %arg7[%get3A_1065, %get3A_1066] {strides = array<i32>} : memref<208x64xf32, #tpu.memory_space<vmem>>, vector<1x16xf32>,
        %get3A_1068 = vector.shape_cast %get3A_1067 : vector<1x16xf32> to vector<16xf32>
        %get3A_1069 = arith.index_cast %add3A_1060 : i32 to index
        %get3A_1070 = arith.constant 32 : index
        %get3A_1071 = tpu.vector_load %arg7[%get3A_1069, %get3A_1070] {strides = array<i32>} : memref<208x64xf32, #tpu.memory_space<vmem>>, vector<1x16xf32>,
        %get3A_1072 = vector.shape_cast %get3A_1071 : vector<1x16xf32> to vector<16xf32>
        %get3A_1073 = arith.index_cast %add3A_1060 : i32 to index
        %get3A_1074 = arith.constant 48 : index
        %get3A_1075 = tpu.vector_load %arg7[%get3A_1073, %get3A_1074] {strides = array<i32>} : memref<208x64xf32, #tpu.memory_space<vmem>>, vector<1x16xf32>,
        %get3A_1076 = vector.shape_cast %get3A_1075 : vector<1x16xf32> to vector<16xf32>
        %mul3A_1077 = arith.mulf %get3A_1064, %get3A_1064 : vector<16xf32>
        %mul3A_1078 = arith.mulf %get3A_1068, %get3A_1068 : vector<16xf32>
        %add3A_1079 = arith.addf %mul3A_1077, %mul3A_1078 : vector<16xf32>
        %mul3A_1080 = arith.mulf %get3A_1072, %get3A_1072 : vector<16xf32>
        %add3A_1081 = arith.addf %add3A_1079, %mul3A_1080 : vector<16xf32>
        %mul3A_1082 = arith.mulf %get3A_1076, %get3A_1076 : vector<16xf32>
        %add3A_1083 = arith.addf %add3A_1081, %mul3A_1082 : vector<16xf32>
        %gather3A_1084 = vector.shape_cast %reshape3A : vector<16x1xi32> to vector<16xi32>
        %gather3A_1085 = tpu.dynamic_gather %add3A_1083[%gather3A_1084] in [0] : vector<16xf32>, vector<16xi32> -> vector<16xf32>
        %add3A_1086 = arith.addf %add3A_1083, %gather3A_1085 : vector<16xf32>
        %gather3A_1087 = vector.shape_cast %reshape3A_41 : vector<16x1xi32> to vector<16xi32>
        %gather3A_1088 = tpu.dynamic_gather %add3A_1086[%gather3A_1087] in [0] : vector<16xf32>, vector<16xi32> -> vector<16xf32>
        %add3A_1089 = arith.addf %add3A_1086, %gather3A_1088 : vector<16xf32>
        %gather3A_1090 = vector.shape_cast %reshape3A_45 : vector<16x1xi32> to vector<16xi32>
        %gather3A_1091 = tpu.dynamic_gather %add3A_1089[%gather3A_1090] in [0] : vector<16xf32>, vector<16xi32> -> vector<16xf32>
        %add3A_1092 = arith.addf %add3A_1089, %gather3A_1091 : vector<16xf32>
        %gather3A_1093 = vector.shape_cast %reshape3A_49 : vector<16x1xi32> to vector<16xi32>
        %gather3A_1094 = tpu.dynamic_gather %add3A_1092[%gather3A_1093] in [0] : vector<16xf32>, vector<16xi32> -> vector<16xf32>
        %add3A_1095 = arith.addf %add3A_1092, %gather3A_1094 : vector<16xf32>
        %sub3A_1096 = arith.constant 1.000000e+00 : f32
        %sub3A_1097 = vector.broadcast %sub3A_1096 : f32 to vector<16xf32>
        %sub3A_1098 = arith.subf %sub3A_1097, %add3A_1095 : vector<16xf32>
        %max3A_1099 = arith.constant 1.000000e-15 : f32
        %max3A_1100 = vector.broadcast %max3A_1099 : f32 to vector<16xf32>
        %max3A_1101 = arith.maximumf %sub3A_1098, %max3A_1100 : vector<16xf32>
        %div3A_1102 = arith.constant 2.000000e+00 : f32
        %div3A_1103 = vector.broadcast %div3A_1102 : f32 to vector<16xf32>
        %div3A_1104 = arith.divf %div3A_1103, %max3A_1101 : vector<16xf32>
        %mul3A_1105 = arith.mulf %div3A_1104, %get3A_1064 : vector<16xf32>
        %add3A_1106 = arith.addf %add3A_1049, %mul3A_1105 : vector<16xf32>
        %mul3A_1107 = arith.mulf %div3A_1104, %get3A_1068 : vector<16xf32>
        %add3A_1108 = arith.addf %add3A_1051, %mul3A_1107 : vector<16xf32>
        %mul3A_1109 = arith.mulf %div3A_1104, %get3A_1072 : vector<16xf32>
        %add3A_1110 = arith.addf %add3A_1053, %mul3A_1109 : vector<16xf32>
        %mul3A_1111 = arith.mulf %div3A_1104, %get3A_1076 : vector<16xf32>
        %add3A_1112 = arith.addf %add3A_1055, %mul3A_1111 : vector<16xf32>
        %add3A_1113 = arith.addf %add3A_1056, %div3A_1104 : vector<16xf32>
        scf.yield %add3A_1106, %add3A_1108, %add3A_1110, %add3A_1112, %add3A_1113, %add3A_205 : vector<16xf32>, vector<16xf32>, vector<16xf32>, vector<16xf32>, vector<16xf32>, vector<16xf32>
      }
      %scan3A_85 = arith.constant 13 : i32
      %swap3A = arith.index_cast %add3A_59 : i32 to index
      %swap3A_86 = arith.constant 0 : index
      %swap3A_87 = tpu.vector_load %arg9[%swap3A, %swap3A_86] {strides = array<i32>} : memref<128x64xf32, #tpu.memory_space<vmem>>, vector<1x16xf32>,
      %swap3A_88 = vector.shape_cast %swap3A_87 : vector<1x16xf32> to vector<16xf32>
      %swap3A_89 = vector.shape_cast %scan3A_84#0 : vector<16xf32> to vector<1x16xf32>
      tpu.vector_store %arg9[%swap3A, %swap3A_86], %swap3A_89 {strides = array<i32>} : memref<128x64xf32, #tpu.memory_space<vmem>>, vector<1x16xf32>,
      %swap3A_90 = arith.index_cast %add3A_59 : i32 to index
      %swap3A_91 = arith.constant 16 : index
      %swap3A_92 = tpu.vector_load %arg9[%swap3A_90, %swap3A_91] {strides = array<i32>} : memref<128x64xf32, #tpu.memory_space<vmem>>, vector<1x16xf32>,
      %swap3A_93 = vector.shape_cast %swap3A_92 : vector<1x16xf32> to vector<16xf32>
      %swap3A_94 = vector.shape_cast %scan3A_84#1 : vector<16xf32> to vector<1x16xf32>
      tpu.vector_store %arg9[%swap3A_90, %swap3A_91], %swap3A_94 {strides = array<i32>} : memref<128x64xf32, #tpu.memory_space<vmem>>, vector<1x16xf32>,
      %swap3A_95 = arith.index_cast %add3A_59 : i32 to index
      %swap3A_96 = arith.constant 32 : index
      %swap3A_97 = tpu.vector_load %arg9[%swap3A_95, %swap3A_96] {strides = array<i32>} : memref<128x64xf32, #tpu.memory_space<vmem>>, vector<1x16xf32>,
      %swap3A_98 = vector.shape_cast %swap3A_97 : vector<1x16xf32> to vector<16xf32>
      %swap3A_99 = vector.shape_cast %scan3A_84#2 : vector<16xf32> to vector<1x16xf32>
      tpu.vector_store %arg9[%swap3A_95, %swap3A_96], %swap3A_99 {strides = array<i32>} : memref<128x64xf32, #tpu.memory_space<vmem>>, vector<1x16xf32>,
      %swap3A_100 = arith.index_cast %add3A_59 : i32 to index
      %swap3A_101 = arith.constant 48 : index
      %swap3A_102 = tpu.vector_load %arg9[%swap3A_100, %swap3A_101] {strides = array<i32>} : memref<128x64xf32, #tpu.memory_space<vmem>>, vector<1x16xf32>,
      %swap3A_103 = vector.shape_cast %swap3A_102 : vector<1x16xf32> to vector<16xf32>
      %swap3A_104 = vector.shape_cast %scan3A_84#3 : vector<16xf32> to vector<1x16xf32>
      tpu.vector_store %arg9[%swap3A_100, %swap3A_101], %swap3A_104 {strides = array<i32>} : memref<128x64xf32, #tpu.memory_space<vmem>>, vector<1x16xf32>,
      %swap3A_105 = arith.index_cast %add3A_59 : i32 to index
      %swap3A_106 = arith.constant 0 : index
      %swap3A_107 = tpu.vector_load %arg10[%swap3A_105, %swap3A_106] {strides = array<i32>} : memref<128x32xf32, #tpu.memory_space<vmem>>, vector<1x16xf32>,
      %swap3A_108 = vector.shape_cast %swap3A_107 : vector<1x16xf32> to vector<16xf32>
      %swap3A_109 = vector.shape_cast %scan3A_84#4 : vector<16xf32> to vector<1x16xf32>
      tpu.vector_store %arg10[%swap3A_105, %swap3A_106], %swap3A_109 {strides = array<i32>} : memref<128x32xf32, #tpu.memory_space<vmem>>, vector<1x16xf32>,
      %swap3A_110 = arith.index_cast %add3A_59 : i32 to index
      %swap3A_111 = arith.constant 16 : index
      %swap3A_112 = tpu.vector_load %arg10[%swap3A_110, %swap3A_111] {strides = array<i32>} : memref<128x32xf32, #tpu.memory_space<vmem>>, vector<1x16xf32>,
      %swap3A_113 = vector.shape_cast %swap3A_112 : vector<1x16xf32> to vector<16xf32>
      %swap3A_114 = vector.shape_cast %scan3A_84#5 : vector<16xf32> to vector<1x16xf32>
      tpu.vector_store %arg10[%swap3A_110, %swap3A_111], %swap3A_114 {strides = array<i32>} : memref<128x32xf32, #tpu.memory_space<vmem>>, vector<1x16xf32>,
      %add3A_115 = arith.constant 2 : i32
      %add3A_116 = arith.addi %add3A_59, %add3A_115 : i32
      %lt3A = arith.constant 128 : i32
      %lt3A_117 = arith.cmpi slt, %add3A_116, %lt3A : i32
      %convert_element_type3A = arith.extui %lt3A_117 : i1 to i32
      %cond3A = arith.constant 0 : i32
      %cond3A_118 = arith.cmpi ne, %convert_element_type3A, %cond3A : i32
      scf.if %cond3A_118 {
        %add3A_186 = arith.constant 2 : i32
        %add3A_187 = arith.addi %add3A_59, %add3A_186 : i32
        %mul3A_188 = arith.constant 208 : i32
        %mul3A_189 = arith.muli %add3A_187, %mul3A_188 : i32
        %dma_start3A_190 = arith.constant 0 : i32
        %dma_start3A_191 = arith.constant 0 : i32
        %dma_start3A_192 = tpu.memref_slice %arg7[%dma_start3A_190, %dma_start3A_191] : memref<208x64xf32, #tpu.memory_space<vmem>> -> memref<104x64xf32, #tpu.memory_space<vmem>>
        %dma_start3A_193 = tpu.memref_slice %arg6[%mul3A_189] : memref<26624xi32, #tpu.memory_space<vmem>> -> memref<104xi32, #tpu.memory_space<vmem>>
        %dma_start3A_194 = arith.constant 0 : i32
        %dma_start3A_195 = arith.constant 0 : i32
        %dma_start3A_196 = tpu.memref_slice %arg3[%dma_start3A_194, %dma_start3A_195] : memref<100000x64xf32, #tpu.memory_space<hbm>> -> memref<100000x64xf32, #tpu.memory_space<hbm>>
        tpu.enqueue_indirect_dma source(%dma_start3A_196 : memref<100000x64xf32, #tpu.memory_space<hbm>>) target(%dma_start3A_192 : memref<104x64xf32, #tpu.memory_space<vmem>>) offsets(%dma_start3A_193 : memref<104xi32, #tpu.memory_space<vmem>>) semaphore(%arg11 : memref<!tpu.dma_semaphore, #tpu.memory_space<semaphore_mem>>)
        %mul3A_197 = arith.constant 208 : i32
        %mul3A_198 = arith.muli %add3A_187, %mul3A_197 : i32
        %add3A_199 = arith.constant 104 : i32
        %add3A_200 = arith.addi %mul3A_198, %add3A_199 : i32
        %dma_start3A_201 = arith.constant 104 : i32
        %dma_start3A_202 = arith.constant 0 : i32
        %dma_start3A_203 = tpu.memref_slice %arg7[%dma_start3A_201, %dma_start3A_202] : memref<208x64xf32, #tpu.memory_space<vmem>> -> memref<104x64xf32, #tpu.memory_space<vmem>>
        %dma_start3A_204 = tpu.memref_slice %arg6[%add3A_200] : memref<26624xi32, #tpu.memory_space<vmem>> -> memref<104xi32, #tpu.memory_space<vmem>>
        %dma_start3A_205 = arith.constant 0 : i32
        %dma_start3A_206 = arith.constant 0 : i32
        %dma_start3A_207 = tpu.memref_slice %arg3[%dma_start3A_205, %dma_start3A_206] : memref<100000x64xf32, #tpu.memory_space<hbm>> -> memref<100000x64xf32, #tpu.memory_space<hbm>>
        tpu.enqueue_indirect_dma source(%dma_start3A_207 : memref<100000x64xf32, #tpu.memory_space<hbm>>) target(%dma_start3A_203 : memref<104x64xf32, #tpu.memory_space<vmem>>) offsets(%dma_start3A_204 : memref<104xi32, #tpu.memory_space<vmem>>) semaphore(%arg11 : memref<!tpu.dma_semaphore, #tpu.memory_space<semaphore_mem>>)
      } else {
      }
      %add3A_119 = arith.constant 1 : i32
      %add3A_120 = arith.addi %mul3A_57, %add3A_119 : i32
      %mul3A_121 = arith.constant 208 : i32
      %mul3A_122 = arith.muli %add3A_120, %mul3A_121 : i32
      %dma_wait3A_123 = arith.constant 0 : i32
      %dma_wait3A_124 = arith.constant 0 : i32
      %dma_wait3A_125 = tpu.memref_slice %arg8[%dma_wait3A_123, %dma_wait3A_124] : memref<208x64xf32, #tpu.memory_space<vmem>> -> memref<104x64xf32, #tpu.memory_space<vmem>>
      %dma_wait3A_126 = tpu.memref_slice %arg6[%mul3A_122] : memref<26624xi32, #tpu.memory_space<vmem>> -> memref<104xi32, #tpu.memory_space<vmem>>
      %dma_wait3A_127 = arith.constant 0 : i32
      %dma_wait3A_128 = arith.constant 0 : i32
      %dma_wait3A_129 = tpu.memref_slice %arg3[%dma_wait3A_127, %dma_wait3A_128] : memref<100000x64xf32, #tpu.memory_space<hbm>> -> memref<100000x64xf32, #tpu.memory_space<hbm>>
      tpu.wait_indirect_dma semaphore(%arg12 : memref<!tpu.dma_semaphore, #tpu.memory_space<semaphore_mem>>) src(%dma_wait3A_129 : memref<100000x64xf32, #tpu.memory_space<hbm>>) dst(%dma_wait3A_125 : memref<104x64xf32, #tpu.memory_space<vmem>>)
      %mul3A_130 = arith.constant 208 : i32
      %mul3A_131 = arith.muli %add3A_120, %mul3A_130 : i32
      %add3A_132 = arith.constant 104 : i32
      %add3A_133 = arith.addi %mul3A_131, %add3A_132 : i32
      %dma_wait3A_134 = arith.constant 104 : i32
      %dma_wait3A_135 = arith.constant 0 : i32
      %dma_wait3A_136 = tpu.memref_slice %arg8[%dma_wait3A_134, %dma_wait3A_135] : memref<208x64xf32, #tpu.memory_space<vmem>> -> memref<104x64xf32, #tpu.memory_space<vmem>>
      %dma_wait3A_137 = tpu.memref_slice %arg6[%add3A_133] : memref<26624xi32, #tpu.memory_space<vmem>> -> memref<104xi32, #tpu.memory_space<vmem>>
      %dma_wait3A_138 = arith.constant 0 : i32
      %dma_wait3A_139 = arith.constant 0 : i32
      %dma_wait3A_140 = tpu.memref_slice %arg3[%dma_wait3A_138, %dma_wait3A_139] : memref<100000x64xf32, #tpu.memory_space<hbm>> -> memref<100000x64xf32, #tpu.memory_space<hbm>>
      tpu.wait_indirect_dma semaphore(%arg12 : memref<!tpu.dma_semaphore, #tpu.memory_space<semaphore_mem>>) src(%dma_wait3A_140 : memref<100000x64xf32, #tpu.memory_space<hbm>>) dst(%dma_wait3A_136 : memref<104x64xf32, #tpu.memory_space<vmem>>)
      %broadcast_in_dim3A_141 = arith.constant 0.000000e+00 : f32
      %broadcast_in_dim3A_142 = vector.broadcast %broadcast_in_dim3A_141 : f32 to vector<16xf32>
      %scan3A_143 = arith.constant 0 : i32
      %scan3A_144 = arith.constant 13 : i32
      %scan3A_145 = arith.addi %scan3A_143, %scan3A_144 : i32
      %scan3A_146 = arith.constant 1 : i32
      %scan3A_147:6 = scf.for %scan3A_186 = %scan3A_143 to %scan3A_145 step %scan3A_146 iter_args(%scan3A_187 = %broadcast_in_dim3A_142, %scan3A_188 = %broadcast_in_dim3A_142, %scan3A_189 = %broadcast_in_dim3A_142, %scan3A_190 = %broadcast_in_dim3A_142, %scan3A_191 = %broadcast_in_dim3A_142, %scan3A_192 = %broadcast_in_dim3A_142) -> (vector<16xf32>, vector<16xf32>, vector<16xf32>, vector<16xf32>, vector<16xf32>, vector<16xf32>)  : i32 {
        %mul3A_193 = arith.constant 208 : i32
        %mul3A_194 = arith.muli %add3A_120, %mul3A_193 : i32
        %mul3A_195 = arith.constant 16 : i32
        %mul3A_196 = arith.muli %mul3A_195, %scan3A_186 : i32
        %add3A_197 = arith.addi %mul3A_194, %mul3A_196 : i32
        %get3A = arith.index_cast %add3A_197 : i32 to index
        %get3A_198 = tpu.vector_load %arg6[%get3A] {strides = array<i32>} : memref<26624xi32, #tpu.memory_space<vmem>>, vector<16xi32>,
        %get3A_199 = vector.shape_cast %get3A_198 : vector<16xi32> to vector<16xi32>
        %ne3A = arith.constant 0 : i32
        %ne3A_200 = vector.broadcast %ne3A : i32 to vector<16xi32>
        %ne3A_201 = arith.cmpi ne, %get3A_199, %ne3A_200 : vector<16xi32>
        %jit3A = arith.constant 1.000000e+00 : f32
        %jit3A_202 = arith.constant 0.000000e+00 : f32
        %broadcast_in_dim3A_203 = vector.broadcast %jit3A : f32 to vector<16xf32>
        %broadcast_in_dim3A_204 = vector.broadcast %jit3A_202 : f32 to vector<16xf32>
        %select_n3A = arith.select %ne3A_201, %broadcast_in_dim3A_203, %broadcast_in_dim3A_204 : vector<16xi1>, vector<16xf32>
        %add3A_205 = arith.addf %scan3A_192, %select_n3A : vector<16xf32>
        %mul3A_206 = arith.constant 16 : i32
        %mul3A_207 = arith.muli %mul3A_206, %scan3A_186 : i32
        %add3A_208 = arith.constant 0 : i32
        %add3A_209 = arith.addi %mul3A_207, %add3A_208 : i32
        %get3A_210 = arith.index_cast %add3A_209 : i32 to index
        %get3A_211 = arith.constant 0 : index
        %get3A_212 = tpu.vector_load %arg8[%get3A_210, %get3A_211] {strides = array<i32>} : memref<208x64xf32, #tpu.memory_space<vmem>>, vector<1x16xf32>,
        %get3A_213 = vector.shape_cast %get3A_212 : vector<1x16xf32> to vector<16xf32>
        %get3A_214 = arith.index_cast %add3A_209 : i32 to index
        %get3A_215 = arith.constant 16 : index
        %get3A_216 = tpu.vector_load %arg8[%get3A_214, %get3A_215] {strides = array<i32>} : memref<208x64xf32, #tpu.memory_space<vmem>>, vector<1x16xf32>,
        %get3A_217 = vector.shape_cast %get3A_216 : vector<1x16xf32> to vector<16xf32>
        %get3A_218 = arith.index_cast %add3A_209 : i32 to index
        %get3A_219 = arith.constant 32 : index
        %get3A_220 = tpu.vector_load %arg8[%get3A_218, %get3A_219] {strides = array<i32>} : memref<208x64xf32, #tpu.memory_space<vmem>>, vector<1x16xf32>,
        %get3A_221 = vector.shape_cast %get3A_220 : vector<1x16xf32> to vector<16xf32>
        %get3A_222 = arith.index_cast %add3A_209 : i32 to index
        %get3A_223 = arith.constant 48 : index
        %get3A_224 = tpu.vector_load %arg8[%get3A_222, %get3A_223] {strides = array<i32>} : memref<208x64xf32, #tpu.memory_space<vmem>>, vector<1x16xf32>,
        %get3A_225 = vector.shape_cast %get3A_224 : vector<1x16xf32> to vector<16xf32>
        %mul3A_226 = arith.mulf %get3A_213, %get3A_213 : vector<16xf32>
        %mul3A_227 = arith.mulf %get3A_217, %get3A_217 : vector<16xf32>
        %add3A_228 = arith.addf %mul3A_226, %mul3A_227 : vector<16xf32>
        %mul3A_229 = arith.mulf %get3A_221, %get3A_221 : vector<16xf32>
        %add3A_230 = arith.addf %add3A_228, %mul3A_229 : vector<16xf32>
        %mul3A_231 = arith.mulf %get3A_225, %get3A_225 : vector<16xf32>
        %add3A_232 = arith.addf %add3A_230, %mul3A_231 : vector<16xf32>
        %gather3A = vector.shape_cast %reshape3A : vector<16x1xi32> to vector<16xi32>
        %gather3A_233 = tpu.dynamic_gather %add3A_232[%gather3A] in [0] : vector<16xf32>, vector<16xi32> -> vector<16xf32>
        %add3A_234 = arith.addf %add3A_232, %gather3A_233 : vector<16xf32>
        %gather3A_235 = vector.shape_cast %reshape3A_41 : vector<16x1xi32> to vector<16xi32>
        %gather3A_236 = tpu.dynamic_gather %add3A_234[%gather3A_235] in [0] : vector<16xf32>, vector<16xi32> -> vector<16xf32>
        %add3A_237 = arith.addf %add3A_234, %gather3A_236 : vector<16xf32>
        %gather3A_238 = vector.shape_cast %reshape3A_45 : vector<16x1xi32> to vector<16xi32>
        %gather3A_239 = tpu.dynamic_gather %add3A_237[%gather3A_238] in [0] : vector<16xf32>, vector<16xi32> -> vector<16xf32>
        %add3A_240 = arith.addf %add3A_237, %gather3A_239 : vector<16xf32>
        %gather3A_241 = vector.shape_cast %reshape3A_49 : vector<16x1xi32> to vector<16xi32>
        %gather3A_242 = tpu.dynamic_gather %add3A_240[%gather3A_241] in [0] : vector<16xf32>, vector<16xi32> -> vector<16xf32>
        %add3A_243 = arith.addf %add3A_240, %gather3A_242 : vector<16xf32>
        %sub3A = arith.constant 1.000000e+00 : f32
        %sub3A_244 = vector.broadcast %sub3A : f32 to vector<16xf32>
        %sub3A_245 = arith.subf %sub3A_244, %add3A_243 : vector<16xf32>
        %max3A = arith.constant 1.000000e-15 : f32
        %max3A_246 = vector.broadcast %max3A : f32 to vector<16xf32>
        %max3A_247 = arith.maximumf %sub3A_245, %max3A_246 : vector<16xf32>
        %div3A = arith.constant 2.000000e+00 : f32
        %div3A_248 = vector.broadcast %div3A : f32 to vector<16xf32>
        %div3A_249 = arith.divf %div3A_248, %max3A_247 : vector<16xf32>
        %mul3A_250 = arith.mulf %div3A_249, %get3A_213 : vector<16xf32>
        %add3A_251 = arith.addf %scan3A_187, %mul3A_250 : vector<16xf32>
        %mul3A_252 = arith.mulf %div3A_249, %get3A_217 : vector<16xf32>
        %add3A_253 = arith.addf %scan3A_188, %mul3A_252 : vector<16xf32>
        %mul3A_254 = arith.mulf %div3A_249, %get3A_221 : vector<16xf32>
        %add3A_255 = arith.addf %scan3A_189, %mul3A_254 : vector<16xf32>
        %mul3A_256 = arith.mulf %div3A_249, %get3A_225 : vector<16xf32>
        %add3A_257 = arith.addf %scan3A_190, %mul3A_256 : vector<16xf32>
        %add3A_258 = arith.addf %scan3A_191, %div3A_249 : vector<16xf32>
        %mul3A_259 = arith.constant 16 : i32
        %mul3A_260 = arith.muli %mul3A_259, %scan3A_186 : i32
        %add3A_261 = arith.constant 1 : i32
        %add3A_262 = arith.addi %mul3A_260, %add3A_261 : i32
        %get3A_263 = arith.index_cast %add3A_262 : i32 to index
        %get3A_264 = arith.constant 0 : index
        %get3A_265 = tpu.vector_load %arg8[%get3A_263, %get3A_264] {strides = array<i32>} : memref<208x64xf32, #tpu.memory_space<vmem>>, vector<1x16xf32>,
        %get3A_266 = vector.shape_cast %get3A_265 : vector<1x16xf32> to vector<16xf32>
        %get3A_267 = arith.index_cast %add3A_262 : i32 to index
        %get3A_268 = arith.constant 16 : index
        %get3A_269 = tpu.vector_load %arg8[%get3A_267, %get3A_268] {strides = array<i32>} : memref<208x64xf32, #tpu.memory_space<vmem>>, vector<1x16xf32>,
        %get3A_270 = vector.shape_cast %get3A_269 : vector<1x16xf32> to vector<16xf32>
        %get3A_271 = arith.index_cast %add3A_262 : i32 to index
        %get3A_272 = arith.constant 32 : index
        %get3A_273 = tpu.vector_load %arg8[%get3A_271, %get3A_272] {strides = array<i32>} : memref<208x64xf32, #tpu.memory_space<vmem>>, vector<1x16xf32>,
        %get3A_274 = vector.shape_cast %get3A_273 : vector<1x16xf32> to vector<16xf32>
        %get3A_275 = arith.index_cast %add3A_262 : i32 to index
        %get3A_276 = arith.constant 48 : index
        %get3A_277 = tpu.vector_load %arg8[%get3A_275, %get3A_276] {strides = array<i32>} : memref<208x64xf32, #tpu.memory_space<vmem>>, vector<1x16xf32>,
        %get3A_278 = vector.shape_cast %get3A_277 : vector<1x16xf32> to vector<16xf32>
        %mul3A_279 = arith.mulf %get3A_266, %get3A_266 : vector<16xf32>
        %mul3A_280 = arith.mulf %get3A_270, %get3A_270 : vector<16xf32>
        %add3A_281 = arith.addf %mul3A_279, %mul3A_280 : vector<16xf32>
        %mul3A_282 = arith.mulf %get3A_274, %get3A_274 : vector<16xf32>
        %add3A_283 = arith.addf %add3A_281, %mul3A_282 : vector<16xf32>
        %mul3A_284 = arith.mulf %get3A_278, %get3A_278 : vector<16xf32>
        %add3A_285 = arith.addf %add3A_283, %mul3A_284 : vector<16xf32>
        %gather3A_286 = vector.shape_cast %reshape3A : vector<16x1xi32> to vector<16xi32>
        %gather3A_287 = tpu.dynamic_gather %add3A_285[%gather3A_286] in [0] : vector<16xf32>, vector<16xi32> -> vector<16xf32>
        %add3A_288 = arith.addf %add3A_285, %gather3A_287 : vector<16xf32>
        %gather3A_289 = vector.shape_cast %reshape3A_41 : vector<16x1xi32> to vector<16xi32>
        %gather3A_290 = tpu.dynamic_gather %add3A_288[%gather3A_289] in [0] : vector<16xf32>, vector<16xi32> -> vector<16xf32>
        %add3A_291 = arith.addf %add3A_288, %gather3A_290 : vector<16xf32>
        %gather3A_292 = vector.shape_cast %reshape3A_45 : vector<16x1xi32> to vector<16xi32>
        %gather3A_293 = tpu.dynamic_gather %add3A_291[%gather3A_292] in [0] : vector<16xf32>, vector<16xi32> -> vector<16xf32>
        %add3A_294 = arith.addf %add3A_291, %gather3A_293 : vector<16xf32>
        %gather3A_295 = vector.shape_cast %reshape3A_49 : vector<16x1xi32> to vector<16xi32>
        %gather3A_296 = tpu.dynamic_gather %add3A_294[%gather3A_295] in [0] : vector<16xf32>, vector<16xi32> -> vector<16xf32>
        %add3A_297 = arith.addf %add3A_294, %gather3A_296 : vector<16xf32>
        %sub3A_298 = arith.constant 1.000000e+00 : f32
        %sub3A_299 = vector.broadcast %sub3A_298 : f32 to vector<16xf32>
        %sub3A_300 = arith.subf %sub3A_299, %add3A_297 : vector<16xf32>
        %max3A_301 = arith.constant 1.000000e-15 : f32
        %max3A_302 = vector.broadcast %max3A_301 : f32 to vector<16xf32>
        %max3A_303 = arith.maximumf %sub3A_300, %max3A_302 : vector<16xf32>
        %div3A_304 = arith.constant 2.000000e+00 : f32
        %div3A_305 = vector.broadcast %div3A_304 : f32 to vector<16xf32>
        %div3A_306 = arith.divf %div3A_305, %max3A_303 : vector<16xf32>
        %mul3A_307 = arith.mulf %div3A_306, %get3A_266 : vector<16xf32>
        %add3A_308 = arith.addf %add3A_251, %mul3A_307 : vector<16xf32>
        %mul3A_309 = arith.mulf %div3A_306, %get3A_270 : vector<16xf32>
        %add3A_310 = arith.addf %add3A_253, %mul3A_309 : vector<16xf32>
        %mul3A_311 = arith.mulf %div3A_306, %get3A_274 : vector<16xf32>
        %add3A_312 = arith.addf %add3A_255, %mul3A_311 : vector<16xf32>
        %mul3A_313 = arith.mulf %div3A_306, %get3A_278 : vector<16xf32>
        %add3A_314 = arith.addf %add3A_257, %mul3A_313 : vector<16xf32>
        %add3A_315 = arith.addf %add3A_258, %div3A_306 : vector<16xf32>
        %mul3A_316 = arith.constant 16 : i32
        %mul3A_317 = arith.muli %mul3A_316, %scan3A_186 : i32
        %add3A_318 = arith.constant 2 : i32
        %add3A_319 = arith.addi %mul3A_317, %add3A_318 : i32
        %get3A_320 = arith.index_cast %add3A_319 : i32 to index
        %get3A_321 = arith.constant 0 : index
        %get3A_322 = tpu.vector_load %arg8[%get3A_320, %get3A_321] {strides = array<i32>} : memref<208x64xf32, #tpu.memory_space<vmem>>, vector<1x16xf32>,
        %get3A_323 = vector.shape_cast %get3A_322 : vector<1x16xf32> to vector<16xf32>
        %get3A_324 = arith.index_cast %add3A_319 : i32 to index
        %get3A_325 = arith.constant 16 : index
        %get3A_326 = tpu.vector_load %arg8[%get3A_324, %get3A_325] {strides = array<i32>} : memref<208x64xf32, #tpu.memory_space<vmem>>, vector<1x16xf32>,
        %get3A_327 = vector.shape_cast %get3A_326 : vector<1x16xf32> to vector<16xf32>
        %get3A_328 = arith.index_cast %add3A_319 : i32 to index
        %get3A_329 = arith.constant 32 : index
        %get3A_330 = tpu.vector_load %arg8[%get3A_328, %get3A_329] {strides = array<i32>} : memref<208x64xf32, #tpu.memory_space<vmem>>, vector<1x16xf32>,
        %get3A_331 = vector.shape_cast %get3A_330 : vector<1x16xf32> to vector<16xf32>
        %get3A_332 = arith.index_cast %add3A_319 : i32 to index
        %get3A_333 = arith.constant 48 : index
        %get3A_334 = tpu.vector_load %arg8[%get3A_332, %get3A_333] {strides = array<i32>} : memref<208x64xf32, #tpu.memory_space<vmem>>, vector<1x16xf32>,
        %get3A_335 = vector.shape_cast %get3A_334 : vector<1x16xf32> to vector<16xf32>
        %mul3A_336 = arith.mulf %get3A_323, %get3A_323 : vector<16xf32>
        %mul3A_337 = arith.mulf %get3A_327, %get3A_327 : vector<16xf32>
        %add3A_338 = arith.addf %mul3A_336, %mul3A_337 : vector<16xf32>
        %mul3A_339 = arith.mulf %get3A_331, %get3A_331 : vector<16xf32>
        %add3A_340 = arith.addf %add3A_338, %mul3A_339 : vector<16xf32>
        %mul3A_341 = arith.mulf %get3A_335, %get3A_335 : vector<16xf32>
        %add3A_342 = arith.addf %add3A_340, %mul3A_341 : vector<16xf32>
        %gather3A_343 = vector.shape_cast %reshape3A : vector<16x1xi32> to vector<16xi32>
        %gather3A_344 = tpu.dynamic_gather %add3A_342[%gather3A_343] in [0] : vector<16xf32>, vector<16xi32> -> vector<16xf32>
        %add3A_345 = arith.addf %add3A_342, %gather3A_344 : vector<16xf32>
        %gather3A_346 = vector.shape_cast %reshape3A_41 : vector<16x1xi32> to vector<16xi32>
        %gather3A_347 = tpu.dynamic_gather %add3A_345[%gather3A_346] in [0] : vector<16xf32>, vector<16xi32> -> vector<16xf32>
        %add3A_348 = arith.addf %add3A_345, %gather3A_347 : vector<16xf32>
        %gather3A_349 = vector.shape_cast %reshape3A_45 : vector<16x1xi32> to vector<16xi32>
        %gather3A_350 = tpu.dynamic_gather %add3A_348[%gather3A_349] in [0] : vector<16xf32>, vector<16xi32> -> vector<16xf32>
        %add3A_351 = arith.addf %add3A_348, %gather3A_350 : vector<16xf32>
        %gather3A_352 = vector.shape_cast %reshape3A_49 : vector<16x1xi32> to vector<16xi32>
        %gather3A_353 = tpu.dynamic_gather %add3A_351[%gather3A_352] in [0] : vector<16xf32>, vector<16xi32> -> vector<16xf32>
        %add3A_354 = arith.addf %add3A_351, %gather3A_353 : vector<16xf32>
        %sub3A_355 = arith.constant 1.000000e+00 : f32
        %sub3A_356 = vector.broadcast %sub3A_355 : f32 to vector<16xf32>
        %sub3A_357 = arith.subf %sub3A_356, %add3A_354 : vector<16xf32>
        %max3A_358 = arith.constant 1.000000e-15 : f32
        %max3A_359 = vector.broadcast %max3A_358 : f32 to vector<16xf32>
        %max3A_360 = arith.maximumf %sub3A_357, %max3A_359 : vector<16xf32>
        %div3A_361 = arith.constant 2.000000e+00 : f32
        %div3A_362 = vector.broadcast %div3A_361 : f32 to vector<16xf32>
        %div3A_363 = arith.divf %div3A_362, %max3A_360 : vector<16xf32>
        %mul3A_364 = arith.mulf %div3A_363, %get3A_323 : vector<16xf32>
        %add3A_365 = arith.addf %add3A_308, %mul3A_364 : vector<16xf32>
        %mul3A_366 = arith.mulf %div3A_363, %get3A_327 : vector<16xf32>
        %add3A_367 = arith.addf %add3A_310, %mul3A_366 : vector<16xf32>
        %mul3A_368 = arith.mulf %div3A_363, %get3A_331 : vector<16xf32>
        %add3A_369 = arith.addf %add3A_312, %mul3A_368 : vector<16xf32>
        %mul3A_370 = arith.mulf %div3A_363, %get3A_335 : vector<16xf32>
        %add3A_371 = arith.addf %add3A_314, %mul3A_370 : vector<16xf32>
        %add3A_372 = arith.addf %add3A_315, %div3A_363 : vector<16xf32>
        %mul3A_373 = arith.constant 16 : i32
        %mul3A_374 = arith.muli %mul3A_373, %scan3A_186 : i32
        %add3A_375 = arith.constant 3 : i32
        %add3A_376 = arith.addi %mul3A_374, %add3A_375 : i32
        %get3A_377 = arith.index_cast %add3A_376 : i32 to index
        %get3A_378 = arith.constant 0 : index
        %get3A_379 = tpu.vector_load %arg8[%get3A_377, %get3A_378] {strides = array<i32>} : memref<208x64xf32, #tpu.memory_space<vmem>>, vector<1x16xf32>,
        %get3A_380 = vector.shape_cast %get3A_379 : vector<1x16xf32> to vector<16xf32>
        %get3A_381 = arith.index_cast %add3A_376 : i32 to index
        %get3A_382 = arith.constant 16 : index
        %get3A_383 = tpu.vector_load %arg8[%get3A_381, %get3A_382] {strides = array<i32>} : memref<208x64xf32, #tpu.memory_space<vmem>>, vector<1x16xf32>,
        %get3A_384 = vector.shape_cast %get3A_383 : vector<1x16xf32> to vector<16xf32>
        %get3A_385 = arith.index_cast %add3A_376 : i32 to index
        %get3A_386 = arith.constant 32 : index
        %get3A_387 = tpu.vector_load %arg8[%get3A_385, %get3A_386] {strides = array<i32>} : memref<208x64xf32, #tpu.memory_space<vmem>>, vector<1x16xf32>,
        %get3A_388 = vector.shape_cast %get3A_387 : vector<1x16xf32> to vector<16xf32>
        %get3A_389 = arith.index_cast %add3A_376 : i32 to index
        %get3A_390 = arith.constant 48 : index
        %get3A_391 = tpu.vector_load %arg8[%get3A_389, %get3A_390] {strides = array<i32>} : memref<208x64xf32, #tpu.memory_space<vmem>>, vector<1x16xf32>,
        %get3A_392 = vector.shape_cast %get3A_391 : vector<1x16xf32> to vector<16xf32>
        %mul3A_393 = arith.mulf %get3A_380, %get3A_380 : vector<16xf32>
        %mul3A_394 = arith.mulf %get3A_384, %get3A_384 : vector<16xf32>
        %add3A_395 = arith.addf %mul3A_393, %mul3A_394 : vector<16xf32>
        %mul3A_396 = arith.mulf %get3A_388, %get3A_388 : vector<16xf32>
        %add3A_397 = arith.addf %add3A_395, %mul3A_396 : vector<16xf32>
        %mul3A_398 = arith.mulf %get3A_392, %get3A_392 : vector<16xf32>
        %add3A_399 = arith.addf %add3A_397, %mul3A_398 : vector<16xf32>
        %gather3A_400 = vector.shape_cast %reshape3A : vector<16x1xi32> to vector<16xi32>
        %gather3A_401 = tpu.dynamic_gather %add3A_399[%gather3A_400] in [0] : vector<16xf32>, vector<16xi32> -> vector<16xf32>
        %add3A_402 = arith.addf %add3A_399, %gather3A_401 : vector<16xf32>
        %gather3A_403 = vector.shape_cast %reshape3A_41 : vector<16x1xi32> to vector<16xi32>
        %gather3A_404 = tpu.dynamic_gather %add3A_402[%gather3A_403] in [0] : vector<16xf32>, vector<16xi32> -> vector<16xf32>
        %add3A_405 = arith.addf %add3A_402, %gather3A_404 : vector<16xf32>
        %gather3A_406 = vector.shape_cast %reshape3A_45 : vector<16x1xi32> to vector<16xi32>
        %gather3A_407 = tpu.dynamic_gather %add3A_405[%gather3A_406] in [0] : vector<16xf32>, vector<16xi32> -> vector<16xf32>
        %add3A_408 = arith.addf %add3A_405, %gather3A_407 : vector<16xf32>
        %gather3A_409 = vector.shape_cast %reshape3A_49 : vector<16x1xi32> to vector<16xi32>
        %gather3A_410 = tpu.dynamic_gather %add3A_408[%gather3A_409] in [0] : vector<16xf32>, vector<16xi32> -> vector<16xf32>
        %add3A_411 = arith.addf %add3A_408, %gather3A_410 : vector<16xf32>
        %sub3A_412 = arith.constant 1.000000e+00 : f32
        %sub3A_413 = vector.broadcast %sub3A_412 : f32 to vector<16xf32>
        %sub3A_414 = arith.subf %sub3A_413, %add3A_411 : vector<16xf32>
        %max3A_415 = arith.constant 1.000000e-15 : f32
        %max3A_416 = vector.broadcast %max3A_415 : f32 to vector<16xf32>
        %max3A_417 = arith.maximumf %sub3A_414, %max3A_416 : vector<16xf32>
        %div3A_418 = arith.constant 2.000000e+00 : f32
        %div3A_419 = vector.broadcast %div3A_418 : f32 to vector<16xf32>
        %div3A_420 = arith.divf %div3A_419, %max3A_417 : vector<16xf32>
        %mul3A_421 = arith.mulf %div3A_420, %get3A_380 : vector<16xf32>
        %add3A_422 = arith.addf %add3A_365, %mul3A_421 : vector<16xf32>
        %mul3A_423 = arith.mulf %div3A_420, %get3A_384 : vector<16xf32>
        %add3A_424 = arith.addf %add3A_367, %mul3A_423 : vector<16xf32>
        %mul3A_425 = arith.mulf %div3A_420, %get3A_388 : vector<16xf32>
        %add3A_426 = arith.addf %add3A_369, %mul3A_425 : vector<16xf32>
        %mul3A_427 = arith.mulf %div3A_420, %get3A_392 : vector<16xf32>
        %add3A_428 = arith.addf %add3A_371, %mul3A_427 : vector<16xf32>
        %add3A_429 = arith.addf %add3A_372, %div3A_420 : vector<16xf32>
        %mul3A_430 = arith.constant 16 : i32
        %mul3A_431 = arith.muli %mul3A_430, %scan3A_186 : i32
        %add3A_432 = arith.constant 4 : i32
        %add3A_433 = arith.addi %mul3A_431, %add3A_432 : i32
        %get3A_434 = arith.index_cast %add3A_433 : i32 to index
        %get3A_435 = arith.constant 0 : index
        %get3A_436 = tpu.vector_load %arg8[%get3A_434, %get3A_435] {strides = array<i32>} : memref<208x64xf32, #tpu.memory_space<vmem>>, vector<1x16xf32>,
        %get3A_437 = vector.shape_cast %get3A_436 : vector<1x16xf32> to vector<16xf32>
        %get3A_438 = arith.index_cast %add3A_433 : i32 to index
        %get3A_439 = arith.constant 16 : index
        %get3A_440 = tpu.vector_load %arg8[%get3A_438, %get3A_439] {strides = array<i32>} : memref<208x64xf32, #tpu.memory_space<vmem>>, vector<1x16xf32>,
        %get3A_441 = vector.shape_cast %get3A_440 : vector<1x16xf32> to vector<16xf32>
        %get3A_442 = arith.index_cast %add3A_433 : i32 to index
        %get3A_443 = arith.constant 32 : index
        %get3A_444 = tpu.vector_load %arg8[%get3A_442, %get3A_443] {strides = array<i32>} : memref<208x64xf32, #tpu.memory_space<vmem>>, vector<1x16xf32>,
        %get3A_445 = vector.shape_cast %get3A_444 : vector<1x16xf32> to vector<16xf32>
        %get3A_446 = arith.index_cast %add3A_433 : i32 to index
        %get3A_447 = arith.constant 48 : index
        %get3A_448 = tpu.vector_load %arg8[%get3A_446, %get3A_447] {strides = array<i32>} : memref<208x64xf32, #tpu.memory_space<vmem>>, vector<1x16xf32>,
        %get3A_449 = vector.shape_cast %get3A_448 : vector<1x16xf32> to vector<16xf32>
        %mul3A_450 = arith.mulf %get3A_437, %get3A_437 : vector<16xf32>
        %mul3A_451 = arith.mulf %get3A_441, %get3A_441 : vector<16xf32>
        %add3A_452 = arith.addf %mul3A_450, %mul3A_451 : vector<16xf32>
        %mul3A_453 = arith.mulf %get3A_445, %get3A_445 : vector<16xf32>
        %add3A_454 = arith.addf %add3A_452, %mul3A_453 : vector<16xf32>
        %mul3A_455 = arith.mulf %get3A_449, %get3A_449 : vector<16xf32>
        %add3A_456 = arith.addf %add3A_454, %mul3A_455 : vector<16xf32>
        %gather3A_457 = vector.shape_cast %reshape3A : vector<16x1xi32> to vector<16xi32>
        %gather3A_458 = tpu.dynamic_gather %add3A_456[%gather3A_457] in [0] : vector<16xf32>, vector<16xi32> -> vector<16xf32>
        %add3A_459 = arith.addf %add3A_456, %gather3A_458 : vector<16xf32>
        %gather3A_460 = vector.shape_cast %reshape3A_41 : vector<16x1xi32> to vector<16xi32>
        %gather3A_461 = tpu.dynamic_gather %add3A_459[%gather3A_460] in [0] : vector<16xf32>, vector<16xi32> -> vector<16xf32>
        %add3A_462 = arith.addf %add3A_459, %gather3A_461 : vector<16xf32>
        %gather3A_463 = vector.shape_cast %reshape3A_45 : vector<16x1xi32> to vector<16xi32>
        %gather3A_464 = tpu.dynamic_gather %add3A_462[%gather3A_463] in [0] : vector<16xf32>, vector<16xi32> -> vector<16xf32>
        %add3A_465 = arith.addf %add3A_462, %gather3A_464 : vector<16xf32>
        %gather3A_466 = vector.shape_cast %reshape3A_49 : vector<16x1xi32> to vector<16xi32>
        %gather3A_467 = tpu.dynamic_gather %add3A_465[%gather3A_466] in [0] : vector<16xf32>, vector<16xi32> -> vector<16xf32>
        %add3A_468 = arith.addf %add3A_465, %gather3A_467 : vector<16xf32>
        %sub3A_469 = arith.constant 1.000000e+00 : f32
        %sub3A_470 = vector.broadcast %sub3A_469 : f32 to vector<16xf32>
        %sub3A_471 = arith.subf %sub3A_470, %add3A_468 : vector<16xf32>
        %max3A_472 = arith.constant 1.000000e-15 : f32
        %max3A_473 = vector.broadcast %max3A_472 : f32 to vector<16xf32>
        %max3A_474 = arith.maximumf %sub3A_471, %max3A_473 : vector<16xf32>
        %div3A_475 = arith.constant 2.000000e+00 : f32
        %div3A_476 = vector.broadcast %div3A_475 : f32 to vector<16xf32>
        %div3A_477 = arith.divf %div3A_476, %max3A_474 : vector<16xf32>
        %mul3A_478 = arith.mulf %div3A_477, %get3A_437 : vector<16xf32>
        %add3A_479 = arith.addf %add3A_422, %mul3A_478 : vector<16xf32>
        %mul3A_480 = arith.mulf %div3A_477, %get3A_441 : vector<16xf32>
        %add3A_481 = arith.addf %add3A_424, %mul3A_480 : vector<16xf32>
        %mul3A_482 = arith.mulf %div3A_477, %get3A_445 : vector<16xf32>
        %add3A_483 = arith.addf %add3A_426, %mul3A_482 : vector<16xf32>
        %mul3A_484 = arith.mulf %div3A_477, %get3A_449 : vector<16xf32>
        %add3A_485 = arith.addf %add3A_428, %mul3A_484 : vector<16xf32>
        %add3A_486 = arith.addf %add3A_429, %div3A_477 : vector<16xf32>
        %mul3A_487 = arith.constant 16 : i32
        %mul3A_488 = arith.muli %mul3A_487, %scan3A_186 : i32
        %add3A_489 = arith.constant 5 : i32
        %add3A_490 = arith.addi %mul3A_488, %add3A_489 : i32
        %get3A_491 = arith.index_cast %add3A_490 : i32 to index
        %get3A_492 = arith.constant 0 : index
        %get3A_493 = tpu.vector_load %arg8[%get3A_491, %get3A_492] {strides = array<i32>} : memref<208x64xf32, #tpu.memory_space<vmem>>, vector<1x16xf32>,
        %get3A_494 = vector.shape_cast %get3A_493 : vector<1x16xf32> to vector<16xf32>
        %get3A_495 = arith.index_cast %add3A_490 : i32 to index
        %get3A_496 = arith.constant 16 : index
        %get3A_497 = tpu.vector_load %arg8[%get3A_495, %get3A_496] {strides = array<i32>} : memref<208x64xf32, #tpu.memory_space<vmem>>, vector<1x16xf32>,
        %get3A_498 = vector.shape_cast %get3A_497 : vector<1x16xf32> to vector<16xf32>
        %get3A_499 = arith.index_cast %add3A_490 : i32 to index
        %get3A_500 = arith.constant 32 : index
        %get3A_501 = tpu.vector_load %arg8[%get3A_499, %get3A_500] {strides = array<i32>} : memref<208x64xf32, #tpu.memory_space<vmem>>, vector<1x16xf32>,
        %get3A_502 = vector.shape_cast %get3A_501 : vector<1x16xf32> to vector<16xf32>
        %get3A_503 = arith.index_cast %add3A_490 : i32 to index
        %get3A_504 = arith.constant 48 : index
        %get3A_505 = tpu.vector_load %arg8[%get3A_503, %get3A_504] {strides = array<i32>} : memref<208x64xf32, #tpu.memory_space<vmem>>, vector<1x16xf32>,
        %get3A_506 = vector.shape_cast %get3A_505 : vector<1x16xf32> to vector<16xf32>
        %mul3A_507 = arith.mulf %get3A_494, %get3A_494 : vector<16xf32>
        %mul3A_508 = arith.mulf %get3A_498, %get3A_498 : vector<16xf32>
        %add3A_509 = arith.addf %mul3A_507, %mul3A_508 : vector<16xf32>
        %mul3A_510 = arith.mulf %get3A_502, %get3A_502 : vector<16xf32>
        %add3A_511 = arith.addf %add3A_509, %mul3A_510 : vector<16xf32>
        %mul3A_512 = arith.mulf %get3A_506, %get3A_506 : vector<16xf32>
        %add3A_513 = arith.addf %add3A_511, %mul3A_512 : vector<16xf32>
        %gather3A_514 = vector.shape_cast %reshape3A : vector<16x1xi32> to vector<16xi32>
        %gather3A_515 = tpu.dynamic_gather %add3A_513[%gather3A_514] in [0] : vector<16xf32>, vector<16xi32> -> vector<16xf32>
        %add3A_516 = arith.addf %add3A_513, %gather3A_515 : vector<16xf32>
        %gather3A_517 = vector.shape_cast %reshape3A_41 : vector<16x1xi32> to vector<16xi32>
        %gather3A_518 = tpu.dynamic_gather %add3A_516[%gather3A_517] in [0] : vector<16xf32>, vector<16xi32> -> vector<16xf32>
        %add3A_519 = arith.addf %add3A_516, %gather3A_518 : vector<16xf32>
        %gather3A_520 = vector.shape_cast %reshape3A_45 : vector<16x1xi32> to vector<16xi32>
        %gather3A_521 = tpu.dynamic_gather %add3A_519[%gather3A_520] in [0] : vector<16xf32>, vector<16xi32> -> vector<16xf32>
        %add3A_522 = arith.addf %add3A_519, %gather3A_521 : vector<16xf32>
        %gather3A_523 = vector.shape_cast %reshape3A_49 : vector<16x1xi32> to vector<16xi32>
        %gather3A_524 = tpu.dynamic_gather %add3A_522[%gather3A_523] in [0] : vector<16xf32>, vector<16xi32> -> vector<16xf32>
        %add3A_525 = arith.addf %add3A_522, %gather3A_524 : vector<16xf32>
        %sub3A_526 = arith.constant 1.000000e+00 : f32
        %sub3A_527 = vector.broadcast %sub3A_526 : f32 to vector<16xf32>
        %sub3A_528 = arith.subf %sub3A_527, %add3A_525 : vector<16xf32>
        %max3A_529 = arith.constant 1.000000e-15 : f32
        %max3A_530 = vector.broadcast %max3A_529 : f32 to vector<16xf32>
        %max3A_531 = arith.maximumf %sub3A_528, %max3A_530 : vector<16xf32>
        %div3A_532 = arith.constant 2.000000e+00 : f32
        %div3A_533 = vector.broadcast %div3A_532 : f32 to vector<16xf32>
        %div3A_534 = arith.divf %div3A_533, %max3A_531 : vector<16xf32>
        %mul3A_535 = arith.mulf %div3A_534, %get3A_494 : vector<16xf32>
        %add3A_536 = arith.addf %add3A_479, %mul3A_535 : vector<16xf32>
        %mul3A_537 = arith.mulf %div3A_534, %get3A_498 : vector<16xf32>
        %add3A_538 = arith.addf %add3A_481, %mul3A_537 : vector<16xf32>
        %mul3A_539 = arith.mulf %div3A_534, %get3A_502 : vector<16xf32>
        %add3A_540 = arith.addf %add3A_483, %mul3A_539 : vector<16xf32>
        %mul3A_541 = arith.mulf %div3A_534, %get3A_506 : vector<16xf32>
        %add3A_542 = arith.addf %add3A_485, %mul3A_541 : vector<16xf32>
        %add3A_543 = arith.addf %add3A_486, %div3A_534 : vector<16xf32>
        %mul3A_544 = arith.constant 16 : i32
        %mul3A_545 = arith.muli %mul3A_544, %scan3A_186 : i32
        %add3A_546 = arith.constant 6 : i32
        %add3A_547 = arith.addi %mul3A_545, %add3A_546 : i32
        %get3A_548 = arith.index_cast %add3A_547 : i32 to index
        %get3A_549 = arith.constant 0 : index
        %get3A_550 = tpu.vector_load %arg8[%get3A_548, %get3A_549] {strides = array<i32>} : memref<208x64xf32, #tpu.memory_space<vmem>>, vector<1x16xf32>,
        %get3A_551 = vector.shape_cast %get3A_550 : vector<1x16xf32> to vector<16xf32>
        %get3A_552 = arith.index_cast %add3A_547 : i32 to index
        %get3A_553 = arith.constant 16 : index
        %get3A_554 = tpu.vector_load %arg8[%get3A_552, %get3A_553] {strides = array<i32>} : memref<208x64xf32, #tpu.memory_space<vmem>>, vector<1x16xf32>,
        %get3A_555 = vector.shape_cast %get3A_554 : vector<1x16xf32> to vector<16xf32>
        %get3A_556 = arith.index_cast %add3A_547 : i32 to index
        %get3A_557 = arith.constant 32 : index
        %get3A_558 = tpu.vector_load %arg8[%get3A_556, %get3A_557] {strides = array<i32>} : memref<208x64xf32, #tpu.memory_space<vmem>>, vector<1x16xf32>,
        %get3A_559 = vector.shape_cast %get3A_558 : vector<1x16xf32> to vector<16xf32>
        %get3A_560 = arith.index_cast %add3A_547 : i32 to index
        %get3A_561 = arith.constant 48 : index
        %get3A_562 = tpu.vector_load %arg8[%get3A_560, %get3A_561] {strides = array<i32>} : memref<208x64xf32, #tpu.memory_space<vmem>>, vector<1x16xf32>,
        %get3A_563 = vector.shape_cast %get3A_562 : vector<1x16xf32> to vector<16xf32>
        %mul3A_564 = arith.mulf %get3A_551, %get3A_551 : vector<16xf32>
        %mul3A_565 = arith.mulf %get3A_555, %get3A_555 : vector<16xf32>
        %add3A_566 = arith.addf %mul3A_564, %mul3A_565 : vector<16xf32>
        %mul3A_567 = arith.mulf %get3A_559, %get3A_559 : vector<16xf32>
        %add3A_568 = arith.addf %add3A_566, %mul3A_567 : vector<16xf32>
        %mul3A_569 = arith.mulf %get3A_563, %get3A_563 : vector<16xf32>
        %add3A_570 = arith.addf %add3A_568, %mul3A_569 : vector<16xf32>
        %gather3A_571 = vector.shape_cast %reshape3A : vector<16x1xi32> to vector<16xi32>
        %gather3A_572 = tpu.dynamic_gather %add3A_570[%gather3A_571] in [0] : vector<16xf32>, vector<16xi32> -> vector<16xf32>
        %add3A_573 = arith.addf %add3A_570, %gather3A_572 : vector<16xf32>
        %gather3A_574 = vector.shape_cast %reshape3A_41 : vector<16x1xi32> to vector<16xi32>
        %gather3A_575 = tpu.dynamic_gather %add3A_573[%gather3A_574] in [0] : vector<16xf32>, vector<16xi32> -> vector<16xf32>
        %add3A_576 = arith.addf %add3A_573, %gather3A_575 : vector<16xf32>
        %gather3A_577 = vector.shape_cast %reshape3A_45 : vector<16x1xi32> to vector<16xi32>
        %gather3A_578 = tpu.dynamic_gather %add3A_576[%gather3A_577] in [0] : vector<16xf32>, vector<16xi32> -> vector<16xf32>
        %add3A_579 = arith.addf %add3A_576, %gather3A_578 : vector<16xf32>
        %gather3A_580 = vector.shape_cast %reshape3A_49 : vector<16x1xi32> to vector<16xi32>
        %gather3A_581 = tpu.dynamic_gather %add3A_579[%gather3A_580] in [0] : vector<16xf32>, vector<16xi32> -> vector<16xf32>
        %add3A_582 = arith.addf %add3A_579, %gather3A_581 : vector<16xf32>
        %sub3A_583 = arith.constant 1.000000e+00 : f32
        %sub3A_584 = vector.broadcast %sub3A_583 : f32 to vector<16xf32>
        %sub3A_585 = arith.subf %sub3A_584, %add3A_582 : vector<16xf32>
        %max3A_586 = arith.constant 1.000000e-15 : f32
        %max3A_587 = vector.broadcast %max3A_586 : f32 to vector<16xf32>
        %max3A_588 = arith.maximumf %sub3A_585, %max3A_587 : vector<16xf32>
        %div3A_589 = arith.constant 2.000000e+00 : f32
        %div3A_590 = vector.broadcast %div3A_589 : f32 to vector<16xf32>
        %div3A_591 = arith.divf %div3A_590, %max3A_588 : vector<16xf32>
        %mul3A_592 = arith.mulf %div3A_591, %get3A_551 : vector<16xf32>
        %add3A_593 = arith.addf %add3A_536, %mul3A_592 : vector<16xf32>
        %mul3A_594 = arith.mulf %div3A_591, %get3A_555 : vector<16xf32>
        %add3A_595 = arith.addf %add3A_538, %mul3A_594 : vector<16xf32>
        %mul3A_596 = arith.mulf %div3A_591, %get3A_559 : vector<16xf32>
        %add3A_597 = arith.addf %add3A_540, %mul3A_596 : vector<16xf32>
        %mul3A_598 = arith.mulf %div3A_591, %get3A_563 : vector<16xf32>
        %add3A_599 = arith.addf %add3A_542, %mul3A_598 : vector<16xf32>
        %add3A_600 = arith.addf %add3A_543, %div3A_591 : vector<16xf32>
        %mul3A_601 = arith.constant 16 : i32
        %mul3A_602 = arith.muli %mul3A_601, %scan3A_186 : i32
        %add3A_603 = arith.constant 7 : i32
        %add3A_604 = arith.addi %mul3A_602, %add3A_603 : i32
        %get3A_605 = arith.index_cast %add3A_604 : i32 to index
        %get3A_606 = arith.constant 0 : index
        %get3A_607 = tpu.vector_load %arg8[%get3A_605, %get3A_606] {strides = array<i32>} : memref<208x64xf32, #tpu.memory_space<vmem>>, vector<1x16xf32>,
        %get3A_608 = vector.shape_cast %get3A_607 : vector<1x16xf32> to vector<16xf32>
        %get3A_609 = arith.index_cast %add3A_604 : i32 to index
        %get3A_610 = arith.constant 16 : index
        %get3A_611 = tpu.vector_load %arg8[%get3A_609, %get3A_610] {strides = array<i32>} : memref<208x64xf32, #tpu.memory_space<vmem>>, vector<1x16xf32>,
        %get3A_612 = vector.shape_cast %get3A_611 : vector<1x16xf32> to vector<16xf32>
        %get3A_613 = arith.index_cast %add3A_604 : i32 to index
        %get3A_614 = arith.constant 32 : index
        %get3A_615 = tpu.vector_load %arg8[%get3A_613, %get3A_614] {strides = array<i32>} : memref<208x64xf32, #tpu.memory_space<vmem>>, vector<1x16xf32>,
        %get3A_616 = vector.shape_cast %get3A_615 : vector<1x16xf32> to vector<16xf32>
        %get3A_617 = arith.index_cast %add3A_604 : i32 to index
        %get3A_618 = arith.constant 48 : index
        %get3A_619 = tpu.vector_load %arg8[%get3A_617, %get3A_618] {strides = array<i32>} : memref<208x64xf32, #tpu.memory_space<vmem>>, vector<1x16xf32>,
        %get3A_620 = vector.shape_cast %get3A_619 : vector<1x16xf32> to vector<16xf32>
        %mul3A_621 = arith.mulf %get3A_608, %get3A_608 : vector<16xf32>
        %mul3A_622 = arith.mulf %get3A_612, %get3A_612 : vector<16xf32>
        %add3A_623 = arith.addf %mul3A_621, %mul3A_622 : vector<16xf32>
        %mul3A_624 = arith.mulf %get3A_616, %get3A_616 : vector<16xf32>
        %add3A_625 = arith.addf %add3A_623, %mul3A_624 : vector<16xf32>
        %mul3A_626 = arith.mulf %get3A_620, %get3A_620 : vector<16xf32>
        %add3A_627 = arith.addf %add3A_625, %mul3A_626 : vector<16xf32>
        %gather3A_628 = vector.shape_cast %reshape3A : vector<16x1xi32> to vector<16xi32>
        %gather3A_629 = tpu.dynamic_gather %add3A_627[%gather3A_628] in [0] : vector<16xf32>, vector<16xi32> -> vector<16xf32>
        %add3A_630 = arith.addf %add3A_627, %gather3A_629 : vector<16xf32>
        %gather3A_631 = vector.shape_cast %reshape3A_41 : vector<16x1xi32> to vector<16xi32>
        %gather3A_632 = tpu.dynamic_gather %add3A_630[%gather3A_631] in [0] : vector<16xf32>, vector<16xi32> -> vector<16xf32>
        %add3A_633 = arith.addf %add3A_630, %gather3A_632 : vector<16xf32>
        %gather3A_634 = vector.shape_cast %reshape3A_45 : vector<16x1xi32> to vector<16xi32>
        %gather3A_635 = tpu.dynamic_gather %add3A_633[%gather3A_634] in [0] : vector<16xf32>, vector<16xi32> -> vector<16xf32>
        %add3A_636 = arith.addf %add3A_633, %gather3A_635 : vector<16xf32>
        %gather3A_637 = vector.shape_cast %reshape3A_49 : vector<16x1xi32> to vector<16xi32>
        %gather3A_638 = tpu.dynamic_gather %add3A_636[%gather3A_637] in [0] : vector<16xf32>, vector<16xi32> -> vector<16xf32>
        %add3A_639 = arith.addf %add3A_636, %gather3A_638 : vector<16xf32>
        %sub3A_640 = arith.constant 1.000000e+00 : f32
        %sub3A_641 = vector.broadcast %sub3A_640 : f32 to vector<16xf32>
        %sub3A_642 = arith.subf %sub3A_641, %add3A_639 : vector<16xf32>
        %max3A_643 = arith.constant 1.000000e-15 : f32
        %max3A_644 = vector.broadcast %max3A_643 : f32 to vector<16xf32>
        %max3A_645 = arith.maximumf %sub3A_642, %max3A_644 : vector<16xf32>
        %div3A_646 = arith.constant 2.000000e+00 : f32
        %div3A_647 = vector.broadcast %div3A_646 : f32 to vector<16xf32>
        %div3A_648 = arith.divf %div3A_647, %max3A_645 : vector<16xf32>
        %mul3A_649 = arith.mulf %div3A_648, %get3A_608 : vector<16xf32>
        %add3A_650 = arith.addf %add3A_593, %mul3A_649 : vector<16xf32>
        %mul3A_651 = arith.mulf %div3A_648, %get3A_612 : vector<16xf32>
        %add3A_652 = arith.addf %add3A_595, %mul3A_651 : vector<16xf32>
        %mul3A_653 = arith.mulf %div3A_648, %get3A_616 : vector<16xf32>
        %add3A_654 = arith.addf %add3A_597, %mul3A_653 : vector<16xf32>
        %mul3A_655 = arith.mulf %div3A_648, %get3A_620 : vector<16xf32>
        %add3A_656 = arith.addf %add3A_599, %mul3A_655 : vector<16xf32>
        %add3A_657 = arith.addf %add3A_600, %div3A_648 : vector<16xf32>
        %mul3A_658 = arith.constant 16 : i32
        %mul3A_659 = arith.muli %mul3A_658, %scan3A_186 : i32
        %add3A_660 = arith.constant 8 : i32
        %add3A_661 = arith.addi %mul3A_659, %add3A_660 : i32
        %get3A_662 = arith.index_cast %add3A_661 : i32 to index
        %get3A_663 = arith.constant 0 : index
        %get3A_664 = tpu.vector_load %arg8[%get3A_662, %get3A_663] {strides = array<i32>} : memref<208x64xf32, #tpu.memory_space<vmem>>, vector<1x16xf32>,
        %get3A_665 = vector.shape_cast %get3A_664 : vector<1x16xf32> to vector<16xf32>
        %get3A_666 = arith.index_cast %add3A_661 : i32 to index
        %get3A_667 = arith.constant 16 : index
        %get3A_668 = tpu.vector_load %arg8[%get3A_666, %get3A_667] {strides = array<i32>} : memref<208x64xf32, #tpu.memory_space<vmem>>, vector<1x16xf32>,
        %get3A_669 = vector.shape_cast %get3A_668 : vector<1x16xf32> to vector<16xf32>
        %get3A_670 = arith.index_cast %add3A_661 : i32 to index
        %get3A_671 = arith.constant 32 : index
        %get3A_672 = tpu.vector_load %arg8[%get3A_670, %get3A_671] {strides = array<i32>} : memref<208x64xf32, #tpu.memory_space<vmem>>, vector<1x16xf32>,
        %get3A_673 = vector.shape_cast %get3A_672 : vector<1x16xf32> to vector<16xf32>
        %get3A_674 = arith.index_cast %add3A_661 : i32 to index
        %get3A_675 = arith.constant 48 : index
        %get3A_676 = tpu.vector_load %arg8[%get3A_674, %get3A_675] {strides = array<i32>} : memref<208x64xf32, #tpu.memory_space<vmem>>, vector<1x16xf32>,
        %get3A_677 = vector.shape_cast %get3A_676 : vector<1x16xf32> to vector<16xf32>
        %mul3A_678 = arith.mulf %get3A_665, %get3A_665 : vector<16xf32>
        %mul3A_679 = arith.mulf %get3A_669, %get3A_669 : vector<16xf32>
        %add3A_680 = arith.addf %mul3A_678, %mul3A_679 : vector<16xf32>
        %mul3A_681 = arith.mulf %get3A_673, %get3A_673 : vector<16xf32>
        %add3A_682 = arith.addf %add3A_680, %mul3A_681 : vector<16xf32>
        %mul3A_683 = arith.mulf %get3A_677, %get3A_677 : vector<16xf32>
        %add3A_684 = arith.addf %add3A_682, %mul3A_683 : vector<16xf32>
        %gather3A_685 = vector.shape_cast %reshape3A : vector<16x1xi32> to vector<16xi32>
        %gather3A_686 = tpu.dynamic_gather %add3A_684[%gather3A_685] in [0] : vector<16xf32>, vector<16xi32> -> vector<16xf32>
        %add3A_687 = arith.addf %add3A_684, %gather3A_686 : vector<16xf32>
        %gather3A_688 = vector.shape_cast %reshape3A_41 : vector<16x1xi32> to vector<16xi32>
        %gather3A_689 = tpu.dynamic_gather %add3A_687[%gather3A_688] in [0] : vector<16xf32>, vector<16xi32> -> vector<16xf32>
        %add3A_690 = arith.addf %add3A_687, %gather3A_689 : vector<16xf32>
        %gather3A_691 = vector.shape_cast %reshape3A_45 : vector<16x1xi32> to vector<16xi32>
        %gather3A_692 = tpu.dynamic_gather %add3A_690[%gather3A_691] in [0] : vector<16xf32>, vector<16xi32> -> vector<16xf32>
        %add3A_693 = arith.addf %add3A_690, %gather3A_692 : vector<16xf32>
        %gather3A_694 = vector.shape_cast %reshape3A_49 : vector<16x1xi32> to vector<16xi32>
        %gather3A_695 = tpu.dynamic_gather %add3A_693[%gather3A_694] in [0] : vector<16xf32>, vector<16xi32> -> vector<16xf32>
        %add3A_696 = arith.addf %add3A_693, %gather3A_695 : vector<16xf32>
        %sub3A_697 = arith.constant 1.000000e+00 : f32
        %sub3A_698 = vector.broadcast %sub3A_697 : f32 to vector<16xf32>
        %sub3A_699 = arith.subf %sub3A_698, %add3A_696 : vector<16xf32>
        %max3A_700 = arith.constant 1.000000e-15 : f32
        %max3A_701 = vector.broadcast %max3A_700 : f32 to vector<16xf32>
        %max3A_702 = arith.maximumf %sub3A_699, %max3A_701 : vector<16xf32>
        %div3A_703 = arith.constant 2.000000e+00 : f32
        %div3A_704 = vector.broadcast %div3A_703 : f32 to vector<16xf32>
        %div3A_705 = arith.divf %div3A_704, %max3A_702 : vector<16xf32>
        %mul3A_706 = arith.mulf %div3A_705, %get3A_665 : vector<16xf32>
        %add3A_707 = arith.addf %add3A_650, %mul3A_706 : vector<16xf32>
        %mul3A_708 = arith.mulf %div3A_705, %get3A_669 : vector<16xf32>
        %add3A_709 = arith.addf %add3A_652, %mul3A_708 : vector<16xf32>
        %mul3A_710 = arith.mulf %div3A_705, %get3A_673 : vector<16xf32>
        %add3A_711 = arith.addf %add3A_654, %mul3A_710 : vector<16xf32>
        %mul3A_712 = arith.mulf %div3A_705, %get3A_677 : vector<16xf32>
        %add3A_713 = arith.addf %add3A_656, %mul3A_712 : vector<16xf32>
        %add3A_714 = arith.addf %add3A_657, %div3A_705 : vector<16xf32>
        %mul3A_715 = arith.constant 16 : i32
        %mul3A_716 = arith.muli %mul3A_715, %scan3A_186 : i32
        %add3A_717 = arith.constant 9 : i32
        %add3A_718 = arith.addi %mul3A_716, %add3A_717 : i32
        %get3A_719 = arith.index_cast %add3A_718 : i32 to index
        %get3A_720 = arith.constant 0 : index
        %get3A_721 = tpu.vector_load %arg8[%get3A_719, %get3A_720] {strides = array<i32>} : memref<208x64xf32, #tpu.memory_space<vmem>>, vector<1x16xf32>,
        %get3A_722 = vector.shape_cast %get3A_721 : vector<1x16xf32> to vector<16xf32>
        %get3A_723 = arith.index_cast %add3A_718 : i32 to index
        %get3A_724 = arith.constant 16 : index
        %get3A_725 = tpu.vector_load %arg8[%get3A_723, %get3A_724] {strides = array<i32>} : memref<208x64xf32, #tpu.memory_space<vmem>>, vector<1x16xf32>,
        %get3A_726 = vector.shape_cast %get3A_725 : vector<1x16xf32> to vector<16xf32>
        %get3A_727 = arith.index_cast %add3A_718 : i32 to index
        %get3A_728 = arith.constant 32 : index
        %get3A_729 = tpu.vector_load %arg8[%get3A_727, %get3A_728] {strides = array<i32>} : memref<208x64xf32, #tpu.memory_space<vmem>>, vector<1x16xf32>,
        %get3A_730 = vector.shape_cast %get3A_729 : vector<1x16xf32> to vector<16xf32>
        %get3A_731 = arith.index_cast %add3A_718 : i32 to index
        %get3A_732 = arith.constant 48 : index
        %get3A_733 = tpu.vector_load %arg8[%get3A_731, %get3A_732] {strides = array<i32>} : memref<208x64xf32, #tpu.memory_space<vmem>>, vector<1x16xf32>,
        %get3A_734 = vector.shape_cast %get3A_733 : vector<1x16xf32> to vector<16xf32>
        %mul3A_735 = arith.mulf %get3A_722, %get3A_722 : vector<16xf32>
        %mul3A_736 = arith.mulf %get3A_726, %get3A_726 : vector<16xf32>
        %add3A_737 = arith.addf %mul3A_735, %mul3A_736 : vector<16xf32>
        %mul3A_738 = arith.mulf %get3A_730, %get3A_730 : vector<16xf32>
        %add3A_739 = arith.addf %add3A_737, %mul3A_738 : vector<16xf32>
        %mul3A_740 = arith.mulf %get3A_734, %get3A_734 : vector<16xf32>
        %add3A_741 = arith.addf %add3A_739, %mul3A_740 : vector<16xf32>
        %gather3A_742 = vector.shape_cast %reshape3A : vector<16x1xi32> to vector<16xi32>
        %gather3A_743 = tpu.dynamic_gather %add3A_741[%gather3A_742] in [0] : vector<16xf32>, vector<16xi32> -> vector<16xf32>
        %add3A_744 = arith.addf %add3A_741, %gather3A_743 : vector<16xf32>
        %gather3A_745 = vector.shape_cast %reshape3A_41 : vector<16x1xi32> to vector<16xi32>
        %gather3A_746 = tpu.dynamic_gather %add3A_744[%gather3A_745] in [0] : vector<16xf32>, vector<16xi32> -> vector<16xf32>
        %add3A_747 = arith.addf %add3A_744, %gather3A_746 : vector<16xf32>
        %gather3A_748 = vector.shape_cast %reshape3A_45 : vector<16x1xi32> to vector<16xi32>
        %gather3A_749 = tpu.dynamic_gather %add3A_747[%gather3A_748] in [0] : vector<16xf32>, vector<16xi32> -> vector<16xf32>
        %add3A_750 = arith.addf %add3A_747, %gather3A_749 : vector<16xf32>
        %gather3A_751 = vector.shape_cast %reshape3A_49 : vector<16x1xi32> to vector<16xi32>
        %gather3A_752 = tpu.dynamic_gather %add3A_750[%gather3A_751] in [0] : vector<16xf32>, vector<16xi32> -> vector<16xf32>
        %add3A_753 = arith.addf %add3A_750, %gather3A_752 : vector<16xf32>
        %sub3A_754 = arith.constant 1.000000e+00 : f32
        %sub3A_755 = vector.broadcast %sub3A_754 : f32 to vector<16xf32>
        %sub3A_756 = arith.subf %sub3A_755, %add3A_753 : vector<16xf32>
        %max3A_757 = arith.constant 1.000000e-15 : f32
        %max3A_758 = vector.broadcast %max3A_757 : f32 to vector<16xf32>
        %max3A_759 = arith.maximumf %sub3A_756, %max3A_758 : vector<16xf32>
        %div3A_760 = arith.constant 2.000000e+00 : f32
        %div3A_761 = vector.broadcast %div3A_760 : f32 to vector<16xf32>
        %div3A_762 = arith.divf %div3A_761, %max3A_759 : vector<16xf32>
        %mul3A_763 = arith.mulf %div3A_762, %get3A_722 : vector<16xf32>
        %add3A_764 = arith.addf %add3A_707, %mul3A_763 : vector<16xf32>
        %mul3A_765 = arith.mulf %div3A_762, %get3A_726 : vector<16xf32>
        %add3A_766 = arith.addf %add3A_709, %mul3A_765 : vector<16xf32>
        %mul3A_767 = arith.mulf %div3A_762, %get3A_730 : vector<16xf32>
        %add3A_768 = arith.addf %add3A_711, %mul3A_767 : vector<16xf32>
        %mul3A_769 = arith.mulf %div3A_762, %get3A_734 : vector<16xf32>
        %add3A_770 = arith.addf %add3A_713, %mul3A_769 : vector<16xf32>
        %add3A_771 = arith.addf %add3A_714, %div3A_762 : vector<16xf32>
        %mul3A_772 = arith.constant 16 : i32
        %mul3A_773 = arith.muli %mul3A_772, %scan3A_186 : i32
        %add3A_774 = arith.constant 10 : i32
        %add3A_775 = arith.addi %mul3A_773, %add3A_774 : i32
        %get3A_776 = arith.index_cast %add3A_775 : i32 to index
        %get3A_777 = arith.constant 0 : index
        %get3A_778 = tpu.vector_load %arg8[%get3A_776, %get3A_777] {strides = array<i32>} : memref<208x64xf32, #tpu.memory_space<vmem>>, vector<1x16xf32>,
        %get3A_779 = vector.shape_cast %get3A_778 : vector<1x16xf32> to vector<16xf32>
        %get3A_780 = arith.index_cast %add3A_775 : i32 to index
        %get3A_781 = arith.constant 16 : index
        %get3A_782 = tpu.vector_load %arg8[%get3A_780, %get3A_781] {strides = array<i32>} : memref<208x64xf32, #tpu.memory_space<vmem>>, vector<1x16xf32>,
        %get3A_783 = vector.shape_cast %get3A_782 : vector<1x16xf32> to vector<16xf32>
        %get3A_784 = arith.index_cast %add3A_775 : i32 to index
        %get3A_785 = arith.constant 32 : index
        %get3A_786 = tpu.vector_load %arg8[%get3A_784, %get3A_785] {strides = array<i32>} : memref<208x64xf32, #tpu.memory_space<vmem>>, vector<1x16xf32>,
        %get3A_787 = vector.shape_cast %get3A_786 : vector<1x16xf32> to vector<16xf32>
        %get3A_788 = arith.index_cast %add3A_775 : i32 to index
        %get3A_789 = arith.constant 48 : index
        %get3A_790 = tpu.vector_load %arg8[%get3A_788, %get3A_789] {strides = array<i32>} : memref<208x64xf32, #tpu.memory_space<vmem>>, vector<1x16xf32>,
        %get3A_791 = vector.shape_cast %get3A_790 : vector<1x16xf32> to vector<16xf32>
        %mul3A_792 = arith.mulf %get3A_779, %get3A_779 : vector<16xf32>
        %mul3A_793 = arith.mulf %get3A_783, %get3A_783 : vector<16xf32>
        %add3A_794 = arith.addf %mul3A_792, %mul3A_793 : vector<16xf32>
        %mul3A_795 = arith.mulf %get3A_787, %get3A_787 : vector<16xf32>
        %add3A_796 = arith.addf %add3A_794, %mul3A_795 : vector<16xf32>
        %mul3A_797 = arith.mulf %get3A_791, %get3A_791 : vector<16xf32>
        %add3A_798 = arith.addf %add3A_796, %mul3A_797 : vector<16xf32>
        %gather3A_799 = vector.shape_cast %reshape3A : vector<16x1xi32> to vector<16xi32>
        %gather3A_800 = tpu.dynamic_gather %add3A_798[%gather3A_799] in [0] : vector<16xf32>, vector<16xi32> -> vector<16xf32>
        %add3A_801 = arith.addf %add3A_798, %gather3A_800 : vector<16xf32>
        %gather3A_802 = vector.shape_cast %reshape3A_41 : vector<16x1xi32> to vector<16xi32>
        %gather3A_803 = tpu.dynamic_gather %add3A_801[%gather3A_802] in [0] : vector<16xf32>, vector<16xi32> -> vector<16xf32>
        %add3A_804 = arith.addf %add3A_801, %gather3A_803 : vector<16xf32>
        %gather3A_805 = vector.shape_cast %reshape3A_45 : vector<16x1xi32> to vector<16xi32>
        %gather3A_806 = tpu.dynamic_gather %add3A_804[%gather3A_805] in [0] : vector<16xf32>, vector<16xi32> -> vector<16xf32>
        %add3A_807 = arith.addf %add3A_804, %gather3A_806 : vector<16xf32>
        %gather3A_808 = vector.shape_cast %reshape3A_49 : vector<16x1xi32> to vector<16xi32>
        %gather3A_809 = tpu.dynamic_gather %add3A_807[%gather3A_808] in [0] : vector<16xf32>, vector<16xi32> -> vector<16xf32>
        %add3A_810 = arith.addf %add3A_807, %gather3A_809 : vector<16xf32>
        %sub3A_811 = arith.constant 1.000000e+00 : f32
        %sub3A_812 = vector.broadcast %sub3A_811 : f32 to vector<16xf32>
        %sub3A_813 = arith.subf %sub3A_812, %add3A_810 : vector<16xf32>
        %max3A_814 = arith.constant 1.000000e-15 : f32
        %max3A_815 = vector.broadcast %max3A_814 : f32 to vector<16xf32>
        %max3A_816 = arith.maximumf %sub3A_813, %max3A_815 : vector<16xf32>
        %div3A_817 = arith.constant 2.000000e+00 : f32
        %div3A_818 = vector.broadcast %div3A_817 : f32 to vector<16xf32>
        %div3A_819 = arith.divf %div3A_818, %max3A_816 : vector<16xf32>
        %mul3A_820 = arith.mulf %div3A_819, %get3A_779 : vector<16xf32>
        %add3A_821 = arith.addf %add3A_764, %mul3A_820 : vector<16xf32>
        %mul3A_822 = arith.mulf %div3A_819, %get3A_783 : vector<16xf32>
        %add3A_823 = arith.addf %add3A_766, %mul3A_822 : vector<16xf32>
        %mul3A_824 = arith.mulf %div3A_819, %get3A_787 : vector<16xf32>
        %add3A_825 = arith.addf %add3A_768, %mul3A_824 : vector<16xf32>
        %mul3A_826 = arith.mulf %div3A_819, %get3A_791 : vector<16xf32>
        %add3A_827 = arith.addf %add3A_770, %mul3A_826 : vector<16xf32>
        %add3A_828 = arith.addf %add3A_771, %div3A_819 : vector<16xf32>
        %mul3A_829 = arith.constant 16 : i32
        %mul3A_830 = arith.muli %mul3A_829, %scan3A_186 : i32
        %add3A_831 = arith.constant 11 : i32
        %add3A_832 = arith.addi %mul3A_830, %add3A_831 : i32
        %get3A_833 = arith.index_cast %add3A_832 : i32 to index
        %get3A_834 = arith.constant 0 : index
        %get3A_835 = tpu.vector_load %arg8[%get3A_833, %get3A_834] {strides = array<i32>} : memref<208x64xf32, #tpu.memory_space<vmem>>, vector<1x16xf32>,
        %get3A_836 = vector.shape_cast %get3A_835 : vector<1x16xf32> to vector<16xf32>
        %get3A_837 = arith.index_cast %add3A_832 : i32 to index
        %get3A_838 = arith.constant 16 : index
        %get3A_839 = tpu.vector_load %arg8[%get3A_837, %get3A_838] {strides = array<i32>} : memref<208x64xf32, #tpu.memory_space<vmem>>, vector<1x16xf32>,
        %get3A_840 = vector.shape_cast %get3A_839 : vector<1x16xf32> to vector<16xf32>
        %get3A_841 = arith.index_cast %add3A_832 : i32 to index
        %get3A_842 = arith.constant 32 : index
        %get3A_843 = tpu.vector_load %arg8[%get3A_841, %get3A_842] {strides = array<i32>} : memref<208x64xf32, #tpu.memory_space<vmem>>, vector<1x16xf32>,
        %get3A_844 = vector.shape_cast %get3A_843 : vector<1x16xf32> to vector<16xf32>
        %get3A_845 = arith.index_cast %add3A_832 : i32 to index
        %get3A_846 = arith.constant 48 : index
        %get3A_847 = tpu.vector_load %arg8[%get3A_845, %get3A_846] {strides = array<i32>} : memref<208x64xf32, #tpu.memory_space<vmem>>, vector<1x16xf32>,
        %get3A_848 = vector.shape_cast %get3A_847 : vector<1x16xf32> to vector<16xf32>
        %mul3A_849 = arith.mulf %get3A_836, %get3A_836 : vector<16xf32>
        %mul3A_850 = arith.mulf %get3A_840, %get3A_840 : vector<16xf32>
        %add3A_851 = arith.addf %mul3A_849, %mul3A_850 : vector<16xf32>
        %mul3A_852 = arith.mulf %get3A_844, %get3A_844 : vector<16xf32>
        %add3A_853 = arith.addf %add3A_851, %mul3A_852 : vector<16xf32>
        %mul3A_854 = arith.mulf %get3A_848, %get3A_848 : vector<16xf32>
        %add3A_855 = arith.addf %add3A_853, %mul3A_854 : vector<16xf32>
        %gather3A_856 = vector.shape_cast %reshape3A : vector<16x1xi32> to vector<16xi32>
        %gather3A_857 = tpu.dynamic_gather %add3A_855[%gather3A_856] in [0] : vector<16xf32>, vector<16xi32> -> vector<16xf32>
        %add3A_858 = arith.addf %add3A_855, %gather3A_857 : vector<16xf32>
        %gather3A_859 = vector.shape_cast %reshape3A_41 : vector<16x1xi32> to vector<16xi32>
        %gather3A_860 = tpu.dynamic_gather %add3A_858[%gather3A_859] in [0] : vector<16xf32>, vector<16xi32> -> vector<16xf32>
        %add3A_861 = arith.addf %add3A_858, %gather3A_860 : vector<16xf32>
        %gather3A_862 = vector.shape_cast %reshape3A_45 : vector<16x1xi32> to vector<16xi32>
        %gather3A_863 = tpu.dynamic_gather %add3A_861[%gather3A_862] in [0] : vector<16xf32>, vector<16xi32> -> vector<16xf32>
        %add3A_864 = arith.addf %add3A_861, %gather3A_863 : vector<16xf32>
        %gather3A_865 = vector.shape_cast %reshape3A_49 : vector<16x1xi32> to vector<16xi32>
        %gather3A_866 = tpu.dynamic_gather %add3A_864[%gather3A_865] in [0] : vector<16xf32>, vector<16xi32> -> vector<16xf32>
        %add3A_867 = arith.addf %add3A_864, %gather3A_866 : vector<16xf32>
        %sub3A_868 = arith.constant 1.000000e+00 : f32
        %sub3A_869 = vector.broadcast %sub3A_868 : f32 to vector<16xf32>
        %sub3A_870 = arith.subf %sub3A_869, %add3A_867 : vector<16xf32>
        %max3A_871 = arith.constant 1.000000e-15 : f32
        %max3A_872 = vector.broadcast %max3A_871 : f32 to vector<16xf32>
        %max3A_873 = arith.maximumf %sub3A_870, %max3A_872 : vector<16xf32>
        %div3A_874 = arith.constant 2.000000e+00 : f32
        %div3A_875 = vector.broadcast %div3A_874 : f32 to vector<16xf32>
        %div3A_876 = arith.divf %div3A_875, %max3A_873 : vector<16xf32>
        %mul3A_877 = arith.mulf %div3A_876, %get3A_836 : vector<16xf32>
        %add3A_878 = arith.addf %add3A_821, %mul3A_877 : vector<16xf32>
        %mul3A_879 = arith.mulf %div3A_876, %get3A_840 : vector<16xf32>
        %add3A_880 = arith.addf %add3A_823, %mul3A_879 : vector<16xf32>
        %mul3A_881 = arith.mulf %div3A_876, %get3A_844 : vector<16xf32>
        %add3A_882 = arith.addf %add3A_825, %mul3A_881 : vector<16xf32>
        %mul3A_883 = arith.mulf %div3A_876, %get3A_848 : vector<16xf32>
        %add3A_884 = arith.addf %add3A_827, %mul3A_883 : vector<16xf32>
        %add3A_885 = arith.addf %add3A_828, %div3A_876 : vector<16xf32>
        %mul3A_886 = arith.constant 16 : i32
        %mul3A_887 = arith.muli %mul3A_886, %scan3A_186 : i32
        %add3A_888 = arith.constant 12 : i32
        %add3A_889 = arith.addi %mul3A_887, %add3A_888 : i32
        %get3A_890 = arith.index_cast %add3A_889 : i32 to index
        %get3A_891 = arith.constant 0 : index
        %get3A_892 = tpu.vector_load %arg8[%get3A_890, %get3A_891] {strides = array<i32>} : memref<208x64xf32, #tpu.memory_space<vmem>>, vector<1x16xf32>,
        %get3A_893 = vector.shape_cast %get3A_892 : vector<1x16xf32> to vector<16xf32>
        %get3A_894 = arith.index_cast %add3A_889 : i32 to index
        %get3A_895 = arith.constant 16 : index
        %get3A_896 = tpu.vector_load %arg8[%get3A_894, %get3A_895] {strides = array<i32>} : memref<208x64xf32, #tpu.memory_space<vmem>>, vector<1x16xf32>,
        %get3A_897 = vector.shape_cast %get3A_896 : vector<1x16xf32> to vector<16xf32>
        %get3A_898 = arith.index_cast %add3A_889 : i32 to index
        %get3A_899 = arith.constant 32 : index
        %get3A_900 = tpu.vector_load %arg8[%get3A_898, %get3A_899] {strides = array<i32>} : memref<208x64xf32, #tpu.memory_space<vmem>>, vector<1x16xf32>,
        %get3A_901 = vector.shape_cast %get3A_900 : vector<1x16xf32> to vector<16xf32>
        %get3A_902 = arith.index_cast %add3A_889 : i32 to index
        %get3A_903 = arith.constant 48 : index
        %get3A_904 = tpu.vector_load %arg8[%get3A_902, %get3A_903] {strides = array<i32>} : memref<208x64xf32, #tpu.memory_space<vmem>>, vector<1x16xf32>,
        %get3A_905 = vector.shape_cast %get3A_904 : vector<1x16xf32> to vector<16xf32>
        %mul3A_906 = arith.mulf %get3A_893, %get3A_893 : vector<16xf32>
        %mul3A_907 = arith.mulf %get3A_897, %get3A_897 : vector<16xf32>
        %add3A_908 = arith.addf %mul3A_906, %mul3A_907 : vector<16xf32>
        %mul3A_909 = arith.mulf %get3A_901, %get3A_901 : vector<16xf32>
        %add3A_910 = arith.addf %add3A_908, %mul3A_909 : vector<16xf32>
        %mul3A_911 = arith.mulf %get3A_905, %get3A_905 : vector<16xf32>
        %add3A_912 = arith.addf %add3A_910, %mul3A_911 : vector<16xf32>
        %gather3A_913 = vector.shape_cast %reshape3A : vector<16x1xi32> to vector<16xi32>
        %gather3A_914 = tpu.dynamic_gather %add3A_912[%gather3A_913] in [0] : vector<16xf32>, vector<16xi32> -> vector<16xf32>
        %add3A_915 = arith.addf %add3A_912, %gather3A_914 : vector<16xf32>
        %gather3A_916 = vector.shape_cast %reshape3A_41 : vector<16x1xi32> to vector<16xi32>
        %gather3A_917 = tpu.dynamic_gather %add3A_915[%gather3A_916] in [0] : vector<16xf32>, vector<16xi32> -> vector<16xf32>
        %add3A_918 = arith.addf %add3A_915, %gather3A_917 : vector<16xf32>
        %gather3A_919 = vector.shape_cast %reshape3A_45 : vector<16x1xi32> to vector<16xi32>
        %gather3A_920 = tpu.dynamic_gather %add3A_918[%gather3A_919] in [0] : vector<16xf32>, vector<16xi32> -> vector<16xf32>
        %add3A_921 = arith.addf %add3A_918, %gather3A_920 : vector<16xf32>
        %gather3A_922 = vector.shape_cast %reshape3A_49 : vector<16x1xi32> to vector<16xi32>
        %gather3A_923 = tpu.dynamic_gather %add3A_921[%gather3A_922] in [0] : vector<16xf32>, vector<16xi32> -> vector<16xf32>
        %add3A_924 = arith.addf %add3A_921, %gather3A_923 : vector<16xf32>
        %sub3A_925 = arith.constant 1.000000e+00 : f32
        %sub3A_926 = vector.broadcast %sub3A_925 : f32 to vector<16xf32>
        %sub3A_927 = arith.subf %sub3A_926, %add3A_924 : vector<16xf32>
        %max3A_928 = arith.constant 1.000000e-15 : f32
        %max3A_929 = vector.broadcast %max3A_928 : f32 to vector<16xf32>
        %max3A_930 = arith.maximumf %sub3A_927, %max3A_929 : vector<16xf32>
        %div3A_931 = arith.constant 2.000000e+00 : f32
        %div3A_932 = vector.broadcast %div3A_931 : f32 to vector<16xf32>
        %div3A_933 = arith.divf %div3A_932, %max3A_930 : vector<16xf32>
        %mul3A_934 = arith.mulf %div3A_933, %get3A_893 : vector<16xf32>
        %add3A_935 = arith.addf %add3A_878, %mul3A_934 : vector<16xf32>
        %mul3A_936 = arith.mulf %div3A_933, %get3A_897 : vector<16xf32>
        %add3A_937 = arith.addf %add3A_880, %mul3A_936 : vector<16xf32>
        %mul3A_938 = arith.mulf %div3A_933, %get3A_901 : vector<16xf32>
        %add3A_939 = arith.addf %add3A_882, %mul3A_938 : vector<16xf32>
        %mul3A_940 = arith.mulf %div3A_933, %get3A_905 : vector<16xf32>
        %add3A_941 = arith.addf %add3A_884, %mul3A_940 : vector<16xf32>
        %add3A_942 = arith.addf %add3A_885, %div3A_933 : vector<16xf32>
        %mul3A_943 = arith.constant 16 : i32
        %mul3A_944 = arith.muli %mul3A_943, %scan3A_186 : i32
        %add3A_945 = arith.constant 13 : i32
        %add3A_946 = arith.addi %mul3A_944, %add3A_945 : i32
        %get3A_947 = arith.index_cast %add3A_946 : i32 to index
        %get3A_948 = arith.constant 0 : index
        %get3A_949 = tpu.vector_load %arg8[%get3A_947, %get3A_948] {strides = array<i32>} : memref<208x64xf32, #tpu.memory_space<vmem>>, vector<1x16xf32>,
        %get3A_950 = vector.shape_cast %get3A_949 : vector<1x16xf32> to vector<16xf32>
        %get3A_951 = arith.index_cast %add3A_946 : i32 to index
        %get3A_952 = arith.constant 16 : index
        %get3A_953 = tpu.vector_load %arg8[%get3A_951, %get3A_952] {strides = array<i32>} : memref<208x64xf32, #tpu.memory_space<vmem>>, vector<1x16xf32>,
        %get3A_954 = vector.shape_cast %get3A_953 : vector<1x16xf32> to vector<16xf32>
        %get3A_955 = arith.index_cast %add3A_946 : i32 to index
        %get3A_956 = arith.constant 32 : index
        %get3A_957 = tpu.vector_load %arg8[%get3A_955, %get3A_956] {strides = array<i32>} : memref<208x64xf32, #tpu.memory_space<vmem>>, vector<1x16xf32>,
        %get3A_958 = vector.shape_cast %get3A_957 : vector<1x16xf32> to vector<16xf32>
        %get3A_959 = arith.index_cast %add3A_946 : i32 to index
        %get3A_960 = arith.constant 48 : index
        %get3A_961 = tpu.vector_load %arg8[%get3A_959, %get3A_960] {strides = array<i32>} : memref<208x64xf32, #tpu.memory_space<vmem>>, vector<1x16xf32>,
        %get3A_962 = vector.shape_cast %get3A_961 : vector<1x16xf32> to vector<16xf32>
        %mul3A_963 = arith.mulf %get3A_950, %get3A_950 : vector<16xf32>
        %mul3A_964 = arith.mulf %get3A_954, %get3A_954 : vector<16xf32>
        %add3A_965 = arith.addf %mul3A_963, %mul3A_964 : vector<16xf32>
        %mul3A_966 = arith.mulf %get3A_958, %get3A_958 : vector<16xf32>
        %add3A_967 = arith.addf %add3A_965, %mul3A_966 : vector<16xf32>
        %mul3A_968 = arith.mulf %get3A_962, %get3A_962 : vector<16xf32>
        %add3A_969 = arith.addf %add3A_967, %mul3A_968 : vector<16xf32>
        %gather3A_970 = vector.shape_cast %reshape3A : vector<16x1xi32> to vector<16xi32>
        %gather3A_971 = tpu.dynamic_gather %add3A_969[%gather3A_970] in [0] : vector<16xf32>, vector<16xi32> -> vector<16xf32>
        %add3A_972 = arith.addf %add3A_969, %gather3A_971 : vector<16xf32>
        %gather3A_973 = vector.shape_cast %reshape3A_41 : vector<16x1xi32> to vector<16xi32>
        %gather3A_974 = tpu.dynamic_gather %add3A_972[%gather3A_973] in [0] : vector<16xf32>, vector<16xi32> -> vector<16xf32>
        %add3A_975 = arith.addf %add3A_972, %gather3A_974 : vector<16xf32>
        %gather3A_976 = vector.shape_cast %reshape3A_45 : vector<16x1xi32> to vector<16xi32>
        %gather3A_977 = tpu.dynamic_gather %add3A_975[%gather3A_976] in [0] : vector<16xf32>, vector<16xi32> -> vector<16xf32>
        %add3A_978 = arith.addf %add3A_975, %gather3A_977 : vector<16xf32>
        %gather3A_979 = vector.shape_cast %reshape3A_49 : vector<16x1xi32> to vector<16xi32>
        %gather3A_980 = tpu.dynamic_gather %add3A_978[%gather3A_979] in [0] : vector<16xf32>, vector<16xi32> -> vector<16xf32>
        %add3A_981 = arith.addf %add3A_978, %gather3A_980 : vector<16xf32>
        %sub3A_982 = arith.constant 1.000000e+00 : f32
        %sub3A_983 = vector.broadcast %sub3A_982 : f32 to vector<16xf32>
        %sub3A_984 = arith.subf %sub3A_983, %add3A_981 : vector<16xf32>
        %max3A_985 = arith.constant 1.000000e-15 : f32
        %max3A_986 = vector.broadcast %max3A_985 : f32 to vector<16xf32>
        %max3A_987 = arith.maximumf %sub3A_984, %max3A_986 : vector<16xf32>
        %div3A_988 = arith.constant 2.000000e+00 : f32
        %div3A_989 = vector.broadcast %div3A_988 : f32 to vector<16xf32>
        %div3A_990 = arith.divf %div3A_989, %max3A_987 : vector<16xf32>
        %mul3A_991 = arith.mulf %div3A_990, %get3A_950 : vector<16xf32>
        %add3A_992 = arith.addf %add3A_935, %mul3A_991 : vector<16xf32>
        %mul3A_993 = arith.mulf %div3A_990, %get3A_954 : vector<16xf32>
        %add3A_994 = arith.addf %add3A_937, %mul3A_993 : vector<16xf32>
        %mul3A_995 = arith.mulf %div3A_990, %get3A_958 : vector<16xf32>
        %add3A_996 = arith.addf %add3A_939, %mul3A_995 : vector<16xf32>
        %mul3A_997 = arith.mulf %div3A_990, %get3A_962 : vector<16xf32>
        %add3A_998 = arith.addf %add3A_941, %mul3A_997 : vector<16xf32>
        %add3A_999 = arith.addf %add3A_942, %div3A_990 : vector<16xf32>
        %mul3A_1000 = arith.constant 16 : i32
        %mul3A_1001 = arith.muli %mul3A_1000, %scan3A_186 : i32
        %add3A_1002 = arith.constant 14 : i32
        %add3A_1003 = arith.addi %mul3A_1001, %add3A_1002 : i32
        %get3A_1004 = arith.index_cast %add3A_1003 : i32 to index
        %get3A_1005 = arith.constant 0 : index
        %get3A_1006 = tpu.vector_load %arg8[%get3A_1004, %get3A_1005] {strides = array<i32>} : memref<208x64xf32, #tpu.memory_space<vmem>>, vector<1x16xf32>,
        %get3A_1007 = vector.shape_cast %get3A_1006 : vector<1x16xf32> to vector<16xf32>
        %get3A_1008 = arith.index_cast %add3A_1003 : i32 to index
        %get3A_1009 = arith.constant 16 : index
        %get3A_1010 = tpu.vector_load %arg8[%get3A_1008, %get3A_1009] {strides = array<i32>} : memref<208x64xf32, #tpu.memory_space<vmem>>, vector<1x16xf32>,
        %get3A_1011 = vector.shape_cast %get3A_1010 : vector<1x16xf32> to vector<16xf32>
        %get3A_1012 = arith.index_cast %add3A_1003 : i32 to index
        %get3A_1013 = arith.constant 32 : index
        %get3A_1014 = tpu.vector_load %arg8[%get3A_1012, %get3A_1013] {strides = array<i32>} : memref<208x64xf32, #tpu.memory_space<vmem>>, vector<1x16xf32>,
        %get3A_1015 = vector.shape_cast %get3A_1014 : vector<1x16xf32> to vector<16xf32>
        %get3A_1016 = arith.index_cast %add3A_1003 : i32 to index
        %get3A_1017 = arith.constant 48 : index
        %get3A_1018 = tpu.vector_load %arg8[%get3A_1016, %get3A_1017] {strides = array<i32>} : memref<208x64xf32, #tpu.memory_space<vmem>>, vector<1x16xf32>,
        %get3A_1019 = vector.shape_cast %get3A_1018 : vector<1x16xf32> to vector<16xf32>
        %mul3A_1020 = arith.mulf %get3A_1007, %get3A_1007 : vector<16xf32>
        %mul3A_1021 = arith.mulf %get3A_1011, %get3A_1011 : vector<16xf32>
        %add3A_1022 = arith.addf %mul3A_1020, %mul3A_1021 : vector<16xf32>
        %mul3A_1023 = arith.mulf %get3A_1015, %get3A_1015 : vector<16xf32>
        %add3A_1024 = arith.addf %add3A_1022, %mul3A_1023 : vector<16xf32>
        %mul3A_1025 = arith.mulf %get3A_1019, %get3A_1019 : vector<16xf32>
        %add3A_1026 = arith.addf %add3A_1024, %mul3A_1025 : vector<16xf32>
        %gather3A_1027 = vector.shape_cast %reshape3A : vector<16x1xi32> to vector<16xi32>
        %gather3A_1028 = tpu.dynamic_gather %add3A_1026[%gather3A_1027] in [0] : vector<16xf32>, vector<16xi32> -> vector<16xf32>
        %add3A_1029 = arith.addf %add3A_1026, %gather3A_1028 : vector<16xf32>
        %gather3A_1030 = vector.shape_cast %reshape3A_41 : vector<16x1xi32> to vector<16xi32>
        %gather3A_1031 = tpu.dynamic_gather %add3A_1029[%gather3A_1030] in [0] : vector<16xf32>, vector<16xi32> -> vector<16xf32>
        %add3A_1032 = arith.addf %add3A_1029, %gather3A_1031 : vector<16xf32>
        %gather3A_1033 = vector.shape_cast %reshape3A_45 : vector<16x1xi32> to vector<16xi32>
        %gather3A_1034 = tpu.dynamic_gather %add3A_1032[%gather3A_1033] in [0] : vector<16xf32>, vector<16xi32> -> vector<16xf32>
        %add3A_1035 = arith.addf %add3A_1032, %gather3A_1034 : vector<16xf32>
        %gather3A_1036 = vector.shape_cast %reshape3A_49 : vector<16x1xi32> to vector<16xi32>
        %gather3A_1037 = tpu.dynamic_gather %add3A_1035[%gather3A_1036] in [0] : vector<16xf32>, vector<16xi32> -> vector<16xf32>
        %add3A_1038 = arith.addf %add3A_1035, %gather3A_1037 : vector<16xf32>
        %sub3A_1039 = arith.constant 1.000000e+00 : f32
        %sub3A_1040 = vector.broadcast %sub3A_1039 : f32 to vector<16xf32>
        %sub3A_1041 = arith.subf %sub3A_1040, %add3A_1038 : vector<16xf32>
        %max3A_1042 = arith.constant 1.000000e-15 : f32
        %max3A_1043 = vector.broadcast %max3A_1042 : f32 to vector<16xf32>
        %max3A_1044 = arith.maximumf %sub3A_1041, %max3A_1043 : vector<16xf32>
        %div3A_1045 = arith.constant 2.000000e+00 : f32
        %div3A_1046 = vector.broadcast %div3A_1045 : f32 to vector<16xf32>
        %div3A_1047 = arith.divf %div3A_1046, %max3A_1044 : vector<16xf32>
        %mul3A_1048 = arith.mulf %div3A_1047, %get3A_1007 : vector<16xf32>
        %add3A_1049 = arith.addf %add3A_992, %mul3A_1048 : vector<16xf32>
        %mul3A_1050 = arith.mulf %div3A_1047, %get3A_1011 : vector<16xf32>
        %add3A_1051 = arith.addf %add3A_994, %mul3A_1050 : vector<16xf32>
        %mul3A_1052 = arith.mulf %div3A_1047, %get3A_1015 : vector<16xf32>
        %add3A_1053 = arith.addf %add3A_996, %mul3A_1052 : vector<16xf32>
        %mul3A_1054 = arith.mulf %div3A_1047, %get3A_1019 : vector<16xf32>
        %add3A_1055 = arith.addf %add3A_998, %mul3A_1054 : vector<16xf32>
        %add3A_1056 = arith.addf %add3A_999, %div3A_1047 : vector<16xf32>
        %mul3A_1057 = arith.constant 16 : i32
        %mul3A_1058 = arith.muli %mul3A_1057, %scan3A_186 : i32
        %add3A_1059 = arith.constant 15 : i32
        %add3A_1060 = arith.addi %mul3A_1058, %add3A_1059 : i32
        %get3A_1061 = arith.index_cast %add3A_1060 : i32 to index
        %get3A_1062 = arith.constant 0 : index
        %get3A_1063 = tpu.vector_load %arg8[%get3A_1061, %get3A_1062] {strides = array<i32>} : memref<208x64xf32, #tpu.memory_space<vmem>>, vector<1x16xf32>,
        %get3A_1064 = vector.shape_cast %get3A_1063 : vector<1x16xf32> to vector<16xf32>
        %get3A_1065 = arith.index_cast %add3A_1060 : i32 to index
        %get3A_1066 = arith.constant 16 : index
        %get3A_1067 = tpu.vector_load %arg8[%get3A_1065, %get3A_1066] {strides = array<i32>} : memref<208x64xf32, #tpu.memory_space<vmem>>, vector<1x16xf32>,
        %get3A_1068 = vector.shape_cast %get3A_1067 : vector<1x16xf32> to vector<16xf32>
        %get3A_1069 = arith.index_cast %add3A_1060 : i32 to index
        %get3A_1070 = arith.constant 32 : index
        %get3A_1071 = tpu.vector_load %arg8[%get3A_1069, %get3A_1070] {strides = array<i32>} : memref<208x64xf32, #tpu.memory_space<vmem>>, vector<1x16xf32>,
        %get3A_1072 = vector.shape_cast %get3A_1071 : vector<1x16xf32> to vector<16xf32>
        %get3A_1073 = arith.index_cast %add3A_1060 : i32 to index
        %get3A_1074 = arith.constant 48 : index
        %get3A_1075 = tpu.vector_load %arg8[%get3A_1073, %get3A_1074] {strides = array<i32>} : memref<208x64xf32, #tpu.memory_space<vmem>>, vector<1x16xf32>,
        %get3A_1076 = vector.shape_cast %get3A_1075 : vector<1x16xf32> to vector<16xf32>
        %mul3A_1077 = arith.mulf %get3A_1064, %get3A_1064 : vector<16xf32>
        %mul3A_1078 = arith.mulf %get3A_1068, %get3A_1068 : vector<16xf32>
        %add3A_1079 = arith.addf %mul3A_1077, %mul3A_1078 : vector<16xf32>
        %mul3A_1080 = arith.mulf %get3A_1072, %get3A_1072 : vector<16xf32>
        %add3A_1081 = arith.addf %add3A_1079, %mul3A_1080 : vector<16xf32>
        %mul3A_1082 = arith.mulf %get3A_1076, %get3A_1076 : vector<16xf32>
        %add3A_1083 = arith.addf %add3A_1081, %mul3A_1082 : vector<16xf32>
        %gather3A_1084 = vector.shape_cast %reshape3A : vector<16x1xi32> to vector<16xi32>
        %gather3A_1085 = tpu.dynamic_gather %add3A_1083[%gather3A_1084] in [0] : vector<16xf32>, vector<16xi32> -> vector<16xf32>
        %add3A_1086 = arith.addf %add3A_1083, %gather3A_1085 : vector<16xf32>
        %gather3A_1087 = vector.shape_cast %reshape3A_41 : vector<16x1xi32> to vector<16xi32>
        %gather3A_1088 = tpu.dynamic_gather %add3A_1086[%gather3A_1087] in [0] : vector<16xf32>, vector<16xi32> -> vector<16xf32>
        %add3A_1089 = arith.addf %add3A_1086, %gather3A_1088 : vector<16xf32>
        %gather3A_1090 = vector.shape_cast %reshape3A_45 : vector<16x1xi32> to vector<16xi32>
        %gather3A_1091 = tpu.dynamic_gather %add3A_1089[%gather3A_1090] in [0] : vector<16xf32>, vector<16xi32> -> vector<16xf32>
        %add3A_1092 = arith.addf %add3A_1089, %gather3A_1091 : vector<16xf32>
        %gather3A_1093 = vector.shape_cast %reshape3A_49 : vector<16x1xi32> to vector<16xi32>
        %gather3A_1094 = tpu.dynamic_gather %add3A_1092[%gather3A_1093] in [0] : vector<16xf32>, vector<16xi32> -> vector<16xf32>
        %add3A_1095 = arith.addf %add3A_1092, %gather3A_1094 : vector<16xf32>
        %sub3A_1096 = arith.constant 1.000000e+00 : f32
        %sub3A_1097 = vector.broadcast %sub3A_1096 : f32 to vector<16xf32>
        %sub3A_1098 = arith.subf %sub3A_1097, %add3A_1095 : vector<16xf32>
        %max3A_1099 = arith.constant 1.000000e-15 : f32
        %max3A_1100 = vector.broadcast %max3A_1099 : f32 to vector<16xf32>
        %max3A_1101 = arith.maximumf %sub3A_1098, %max3A_1100 : vector<16xf32>
        %div3A_1102 = arith.constant 2.000000e+00 : f32
        %div3A_1103 = vector.broadcast %div3A_1102 : f32 to vector<16xf32>
        %div3A_1104 = arith.divf %div3A_1103, %max3A_1101 : vector<16xf32>
        %mul3A_1105 = arith.mulf %div3A_1104, %get3A_1064 : vector<16xf32>
        %add3A_1106 = arith.addf %add3A_1049, %mul3A_1105 : vector<16xf32>
        %mul3A_1107 = arith.mulf %div3A_1104, %get3A_1068 : vector<16xf32>
        %add3A_1108 = arith.addf %add3A_1051, %mul3A_1107 : vector<16xf32>
        %mul3A_1109 = arith.mulf %div3A_1104, %get3A_1072 : vector<16xf32>
        %add3A_1110 = arith.addf %add3A_1053, %mul3A_1109 : vector<16xf32>
        %mul3A_1111 = arith.mulf %div3A_1104, %get3A_1076 : vector<16xf32>
        %add3A_1112 = arith.addf %add3A_1055, %mul3A_1111 : vector<16xf32>
        %add3A_1113 = arith.addf %add3A_1056, %div3A_1104 : vector<16xf32>
        scf.yield %add3A_1106, %add3A_1108, %add3A_1110, %add3A_1112, %add3A_1113, %add3A_205 : vector<16xf32>, vector<16xf32>, vector<16xf32>, vector<16xf32>, vector<16xf32>, vector<16xf32>
      }
      %scan3A_148 = arith.constant 13 : i32
      %swap3A_149 = arith.index_cast %add3A_120 : i32 to index
      %swap3A_150 = arith.constant 0 : index
      %swap3A_151 = tpu.vector_load %arg9[%swap3A_149, %swap3A_150] {strides = array<i32>} : memref<128x64xf32, #tpu.memory_space<vmem>>, vector<1x16xf32>,
      %swap3A_152 = vector.shape_cast %swap3A_151 : vector<1x16xf32> to vector<16xf32>
      %swap3A_153 = vector.shape_cast %scan3A_147#0 : vector<16xf32> to vector<1x16xf32>
      tpu.vector_store %arg9[%swap3A_149, %swap3A_150], %swap3A_153 {strides = array<i32>} : memref<128x64xf32, #tpu.memory_space<vmem>>, vector<1x16xf32>,
      %swap3A_154 = arith.index_cast %add3A_120 : i32 to index
      %swap3A_155 = arith.constant 16 : index
      %swap3A_156 = tpu.vector_load %arg9[%swap3A_154, %swap3A_155] {strides = array<i32>} : memref<128x64xf32, #tpu.memory_space<vmem>>, vector<1x16xf32>,
      %swap3A_157 = vector.shape_cast %swap3A_156 : vector<1x16xf32> to vector<16xf32>
      %swap3A_158 = vector.shape_cast %scan3A_147#1 : vector<16xf32> to vector<1x16xf32>
      tpu.vector_store %arg9[%swap3A_154, %swap3A_155], %swap3A_158 {strides = array<i32>} : memref<128x64xf32, #tpu.memory_space<vmem>>, vector<1x16xf32>,
      %swap3A_159 = arith.index_cast %add3A_120 : i32 to index
      %swap3A_160 = arith.constant 32 : index
      %swap3A_161 = tpu.vector_load %arg9[%swap3A_159, %swap3A_160] {strides = array<i32>} : memref<128x64xf32, #tpu.memory_space<vmem>>, vector<1x16xf32>,
      %swap3A_162 = vector.shape_cast %swap3A_161 : vector<1x16xf32> to vector<16xf32>
      %swap3A_163 = vector.shape_cast %scan3A_147#2 : vector<16xf32> to vector<1x16xf32>
      tpu.vector_store %arg9[%swap3A_159, %swap3A_160], %swap3A_163 {strides = array<i32>} : memref<128x64xf32, #tpu.memory_space<vmem>>, vector<1x16xf32>,
      %swap3A_164 = arith.index_cast %add3A_120 : i32 to index
      %swap3A_165 = arith.constant 48 : index
      %swap3A_166 = tpu.vector_load %arg9[%swap3A_164, %swap3A_165] {strides = array<i32>} : memref<128x64xf32, #tpu.memory_space<vmem>>, vector<1x16xf32>,
      %swap3A_167 = vector.shape_cast %swap3A_166 : vector<1x16xf32> to vector<16xf32>
      %swap3A_168 = vector.shape_cast %scan3A_147#3 : vector<16xf32> to vector<1x16xf32>
      tpu.vector_store %arg9[%swap3A_164, %swap3A_165], %swap3A_168 {strides = array<i32>} : memref<128x64xf32, #tpu.memory_space<vmem>>, vector<1x16xf32>,
      %swap3A_169 = arith.index_cast %add3A_120 : i32 to index
      %swap3A_170 = arith.constant 0 : index
      %swap3A_171 = tpu.vector_load %arg10[%swap3A_169, %swap3A_170] {strides = array<i32>} : memref<128x32xf32, #tpu.memory_space<vmem>>, vector<1x16xf32>,
      %swap3A_172 = vector.shape_cast %swap3A_171 : vector<1x16xf32> to vector<16xf32>
      %swap3A_173 = vector.shape_cast %scan3A_147#4 : vector<16xf32> to vector<1x16xf32>
      tpu.vector_store %arg10[%swap3A_169, %swap3A_170], %swap3A_173 {strides = array<i32>} : memref<128x32xf32, #tpu.memory_space<vmem>>, vector<1x16xf32>,
      %swap3A_174 = arith.index_cast %add3A_120 : i32 to index
      %swap3A_175 = arith.constant 16 : index
      %swap3A_176 = tpu.vector_load %arg10[%swap3A_174, %swap3A_175] {strides = array<i32>} : memref<128x32xf32, #tpu.memory_space<vmem>>, vector<1x16xf32>,
      %swap3A_177 = vector.shape_cast %swap3A_176 : vector<1x16xf32> to vector<16xf32>
      %swap3A_178 = vector.shape_cast %scan3A_147#5 : vector<16xf32> to vector<1x16xf32>
      tpu.vector_store %arg10[%swap3A_174, %swap3A_175], %swap3A_178 {strides = array<i32>} : memref<128x32xf32, #tpu.memory_space<vmem>>, vector<1x16xf32>,
      %add3A_179 = arith.constant 2 : i32
      %add3A_180 = arith.addi %add3A_120, %add3A_179 : i32
      %lt3A_181 = arith.constant 128 : i32
      %lt3A_182 = arith.cmpi slt, %add3A_180, %lt3A_181 : i32
      %convert_element_type3A_183 = arith.extui %lt3A_182 : i1 to i32
      %cond3A_184 = arith.constant 0 : i32
      %cond3A_185 = arith.cmpi ne, %convert_element_type3A_183, %cond3A_184 : i32
      scf.if %cond3A_185 {
        %add3A_186 = arith.constant 2 : i32
        %add3A_187 = arith.addi %add3A_120, %add3A_186 : i32
        %mul3A_188 = arith.constant 208 : i32
        %mul3A_189 = arith.muli %add3A_187, %mul3A_188 : i32
        %dma_start3A_190 = arith.constant 0 : i32
        %dma_start3A_191 = arith.constant 0 : i32
        %dma_start3A_192 = tpu.memref_slice %arg8[%dma_start3A_190, %dma_start3A_191] : memref<208x64xf32, #tpu.memory_space<vmem>> -> memref<104x64xf32, #tpu.memory_space<vmem>>
        %dma_start3A_193 = tpu.memref_slice %arg6[%mul3A_189] : memref<26624xi32, #tpu.memory_space<vmem>> -> memref<104xi32, #tpu.memory_space<vmem>>
        %dma_start3A_194 = arith.constant 0 : i32
        %dma_start3A_195 = arith.constant 0 : i32
        %dma_start3A_196 = tpu.memref_slice %arg3[%dma_start3A_194, %dma_start3A_195] : memref<100000x64xf32, #tpu.memory_space<hbm>> -> memref<100000x64xf32, #tpu.memory_space<hbm>>
        tpu.enqueue_indirect_dma source(%dma_start3A_196 : memref<100000x64xf32, #tpu.memory_space<hbm>>) target(%dma_start3A_192 : memref<104x64xf32, #tpu.memory_space<vmem>>) offsets(%dma_start3A_193 : memref<104xi32, #tpu.memory_space<vmem>>) semaphore(%arg12 : memref<!tpu.dma_semaphore, #tpu.memory_space<semaphore_mem>>)
        %mul3A_197 = arith.constant 208 : i32
        %mul3A_198 = arith.muli %add3A_187, %mul3A_197 : i32
        %add3A_199 = arith.constant 104 : i32
        %add3A_200 = arith.addi %mul3A_198, %add3A_199 : i32
        %dma_start3A_201 = arith.constant 104 : i32
        %dma_start3A_202 = arith.constant 0 : i32
        %dma_start3A_203 = tpu.memref_slice %arg8[%dma_start3A_201, %dma_start3A_202] : memref<208x64xf32, #tpu.memory_space<vmem>> -> memref<104x64xf32, #tpu.memory_space<vmem>>
        %dma_start3A_204 = tpu.memref_slice %arg6[%add3A_200] : memref<26624xi32, #tpu.memory_space<vmem>> -> memref<104xi32, #tpu.memory_space<vmem>>
        %dma_start3A_205 = arith.constant 0 : i32
        %dma_start3A_206 = arith.constant 0 : i32
        %dma_start3A_207 = tpu.memref_slice %arg3[%dma_start3A_205, %dma_start3A_206] : memref<100000x64xf32, #tpu.memory_space<hbm>> -> memref<100000x64xf32, #tpu.memory_space<hbm>>
        tpu.enqueue_indirect_dma source(%dma_start3A_207 : memref<100000x64xf32, #tpu.memory_space<hbm>>) target(%dma_start3A_203 : memref<104x64xf32, #tpu.memory_space<vmem>>) offsets(%dma_start3A_204 : memref<104xi32, #tpu.memory_space<vmem>>) semaphore(%arg12 : memref<!tpu.dma_semaphore, #tpu.memory_space<semaphore_mem>>)
      } else {
      }
    }
    %scan3A_54 = arith.constant 64 : i32
    "tpu.region"() ({
      %run_scoped3A = tpu.sem_alloc : memref<!tpu.dma_semaphore, #tpu.memory_space<semaphore_mem>>
      %dma_start3A_55 = arith.constant 0 : i32
      %dma_start3A_56 = tpu.memref_slice %arg4[%mul3A_2, %dma_start3A_55] : memref<4096x64xf32, #tpu.memory_space<hbm>> -> memref<128x64xf32, #tpu.memory_space<hbm>>
      %dma_start3A_57 = arith.constant 0 : i32
      %dma_start3A_58 = tpu.memref_slice %arg4[%mul3A_2, %dma_start3A_57] : memref<4096x64xf32, #tpu.memory_space<hbm>> -> memref<128x64xf32, #tpu.memory_space<hbm>>
      tpu.enqueue_dma source(%arg9 : memref<128x64xf32, #tpu.memory_space<vmem>>) target(%dma_start3A_58 : memref<128x64xf32, #tpu.memory_space<hbm>>) target_semaphore(%run_scoped3A : memref<!tpu.dma_semaphore, #tpu.memory_space<semaphore_mem>>)
      %dma_wait3A = arith.constant 0 : i32
      %dma_wait3A_59 = tpu.memref_slice %arg4[%mul3A_2, %dma_wait3A] : memref<4096x64xf32, #tpu.memory_space<hbm>> -> memref<128x64xf32, #tpu.memory_space<hbm>>
      %dma_wait3A_60 = arith.constant 0 : i32
      %dma_wait3A_61 = tpu.memref_slice %arg4[%mul3A_2, %dma_wait3A_60] : memref<4096x64xf32, #tpu.memory_space<hbm>> -> memref<128x64xf32, #tpu.memory_space<hbm>>
      tpu.wait_dma2 semaphore(%run_scoped3A : memref<!tpu.dma_semaphore, #tpu.memory_space<semaphore_mem>>) src(%arg9 : memref<128x64xf32, #tpu.memory_space<vmem>>) dst(%dma_wait3A_61 : memref<128x64xf32, #tpu.memory_space<hbm>>)
      tpu.yield
    }) : () -> ()
    "tpu.region"() ({
      %run_scoped3A = tpu.sem_alloc : memref<!tpu.dma_semaphore, #tpu.memory_space<semaphore_mem>>
      %dma_start3A_55 = arith.constant 0 : i32
      %dma_start3A_56 = tpu.memref_slice %arg5[%mul3A_2, %dma_start3A_55] : memref<4096x32xf32, #tpu.memory_space<hbm>> -> memref<128x32xf32, #tpu.memory_space<hbm>>
      %dma_start3A_57 = arith.constant 0 : i32
      %dma_start3A_58 = tpu.memref_slice %arg5[%mul3A_2, %dma_start3A_57] : memref<4096x32xf32, #tpu.memory_space<hbm>> -> memref<128x32xf32, #tpu.memory_space<hbm>>
      tpu.enqueue_dma source(%arg10 : memref<128x32xf32, #tpu.memory_space<vmem>>) target(%dma_start3A_58 : memref<128x32xf32, #tpu.memory_space<hbm>>) target_semaphore(%run_scoped3A : memref<!tpu.dma_semaphore, #tpu.memory_space<semaphore_mem>>)
      %dma_wait3A = arith.constant 0 : i32
      %dma_wait3A_59 = tpu.memref_slice %arg5[%mul3A_2, %dma_wait3A] : memref<4096x32xf32, #tpu.memory_space<hbm>> -> memref<128x32xf32, #tpu.memory_space<hbm>>
      %dma_wait3A_60 = arith.constant 0 : i32
      %dma_wait3A_61 = tpu.memref_slice %arg5[%mul3A_2, %dma_wait3A_60] : memref<4096x32xf32, #tpu.memory_space<hbm>> -> memref<128x32xf32, #tpu.memory_space<hbm>>
      tpu.wait_dma2 semaphore(%run_scoped3A : memref<!tpu.dma_semaphore, #tpu.memory_space<semaphore_mem>>) src(%arg10 : memref<128x32xf32, #tpu.memory_space<vmem>>) dst(%dma_wait3A_61 : memref<128x32xf32, #tpu.memory_space<hbm>>)
      tpu.yield
    }) : () -> ()
    return
  }
}

module attributes {stable_mosaic.version = 14 : i64} {
  func.func @_fin_body(%arg0: memref<4096x64xf32, #tpu.memory_space<vmem>>, %arg1: memref<4096x32xf32, #tpu.memory_space<vmem>>, %arg2: memref<1x64xf32, #tpu.memory_space<vmem>>, %arg3: memref<4096x64xf32, #tpu.memory_space<vmem>>) attributes {dimension_semantics = [], scalar_prefetch = 0 : i64, scratch_operands = 0 : i64, tpu.core_type = #tpu.core_type<tc>} {
    %get3A = arith.constant 0 : index
    %get3A_0 = arith.constant 0 : index
    %get3A_1 = vector.load %arg0[%get3A, %get3A_0] : memref<4096x64xf32, #tpu.memory_space<vmem>>, vector<4096x64xf32>
    %get3A_2 = arith.constant 0 : index
    %get3A_3 = arith.constant 0 : index
    %get3A_4 = vector.load %arg1[%get3A_2, %get3A_3] : memref<4096x32xf32, #tpu.memory_space<vmem>>, vector<4096x1xf32>
    %get3A_5 = arith.constant 0 : index
    %get3A_6 = arith.constant 16 : index
    %get3A_7 = vector.load %arg1[%get3A_5, %get3A_6] : memref<4096x32xf32, #tpu.memory_space<vmem>>, vector<4096x16xf32>
    %reduce_sum3A = arith.constant dense<0.000000e+00> : vector<4096xf32>
    %reduce_sum3A_8 = vector.multi_reduction <add>, %get3A_7, %reduce_sum3A [1] : vector<4096x16xf32> to vector<4096xf32>
    %broadcast_in_dim3A = vector.shape_cast %reduce_sum3A_8 : vector<4096xf32> to vector<4096x1xf32>
    %get3A_9 = arith.constant 0 : index
    %get3A_10 = arith.constant 0 : index
    %get3A_11 = vector.load %arg2[%get3A_9, %get3A_10] : memref<1x64xf32, #tpu.memory_space<vmem>>, vector<1x64xf32>
    %mul3A = arith.mulf %get3A_11, %get3A_11 : vector<1x64xf32>
    %reduce_sum3A_12 = arith.constant dense<0.000000e+00> : vector<1xf32>
    %reduce_sum3A_13 = vector.multi_reduction <add>, %mul3A, %reduce_sum3A_12 [1] : vector<1x64xf32> to vector<1xf32>
    %broadcast_in_dim3A_14 = vector.shape_cast %reduce_sum3A_13 : vector<1xf32> to vector<1x1xf32>
    %sub3A = arith.constant 1.000000e+00 : f32
    %sub3A_15 = vector.broadcast %sub3A : f32 to vector<1x1xf32>
    %sub3A_16 = arith.subf %sub3A_15, %broadcast_in_dim3A_14 : vector<1x1xf32>
    %max3A = arith.constant 1.000000e-15 : f32
    %max3A_17 = vector.broadcast %max3A : f32 to vector<1x1xf32>
    %max3A_18 = arith.maximumf %sub3A_16, %max3A_17 : vector<1x1xf32>
    %div3A = arith.constant 2.000000e+00 : f32
    %div3A_19 = vector.broadcast %div3A : f32 to vector<1x1xf32>
    %div3A_20 = arith.divf %div3A_19, %max3A_18 : vector<1x1xf32>
    %sub3A_21 = arith.constant 2.080000e+02 : f32
    %sub3A_22 = vector.broadcast %sub3A_21 : f32 to vector<4096x1xf32>
    %sub3A_23 = arith.subf %sub3A_22, %broadcast_in_dim3A : vector<4096x1xf32>
    %mul3A_24 = vector.broadcast %div3A_20 : vector<1x1xf32> to vector<4096x1xf32>
    %mul3A_25 = arith.mulf %sub3A_23, %mul3A_24 : vector<4096x1xf32>
    %mul3A_26 = vector.broadcast %mul3A_25 : vector<4096x1xf32> to vector<4096x64xf32>
    %mul3A_27 = vector.broadcast %get3A_11 : vector<1x64xf32> to vector<4096x64xf32>
    %mul3A_28 = arith.mulf %mul3A_26, %mul3A_27 : vector<4096x64xf32>
    %sub3A_29 = arith.subf %get3A_1, %mul3A_28 : vector<4096x64xf32>
    %mul3A_30 = vector.broadcast %div3A_20 : vector<1x1xf32> to vector<4096x1xf32>
    %mul3A_31 = arith.mulf %sub3A_23, %mul3A_30 : vector<4096x1xf32>
    %sub3A_32 = arith.subf %get3A_4, %mul3A_31 : vector<4096x1xf32>
    %sub3A_33 = arith.subf %sub3A_32, %broadcast_in_dim3A : vector<4096x1xf32>
    %eq3A = arith.constant 0.000000e+00 : f32
    %eq3A_34 = vector.broadcast %eq3A : f32 to vector<4096x1xf32>
    %eq3A_35 = arith.cmpf oeq, %broadcast_in_dim3A, %eq3A_34 : vector<4096x1xf32>
    %jit3A = arith.constant 1.000000e+00 : f32
    %broadcast_in_dim3A_36 = vector.broadcast %jit3A : f32 to vector<4096x1xf32>
    %select_n3A = arith.select %eq3A_35, %broadcast_in_dim3A_36, %broadcast_in_dim3A : vector<4096x1xi1>, vector<4096x1xf32>
    %div3A_37 = vector.broadcast %select_n3A : vector<4096x1xf32> to vector<4096x64xf32>
    %div3A_38 = arith.divf %sub3A_29, %div3A_37 : vector<4096x64xf32>
    %div3A_39 = arith.divf %sub3A_33, %select_n3A : vector<4096x1xf32>
    %abs3A = math.absf %div3A_39 : vector<4096x1xf32>
    %lt3A = arith.constant 1.000000e-10 : f32
    %lt3A_40 = vector.broadcast %lt3A : f32 to vector<4096x1xf32>
    %lt3A_41 = arith.cmpf olt, %abs3A, %lt3A_40 : vector<4096x1xf32>
    %jit3A_42 = arith.constant 1.000000e-10 : f32
    %broadcast_in_dim3A_43 = vector.broadcast %jit3A_42 : f32 to vector<4096x1xf32>
    %select_n3A_44 = arith.select %lt3A_41, %broadcast_in_dim3A_43, %div3A_39 : vector<4096x1xi1>, vector<4096x1xf32>
    %div3A_45 = vector.broadcast %select_n3A_44 : vector<4096x1xf32> to vector<4096x64xf32>
    %div3A_46 = arith.divf %div3A_38, %div3A_45 : vector<4096x64xf32>
    %mul3A_47 = arith.mulf %div3A_46, %div3A_46 : vector<4096x64xf32>
    %reduce_sum3A_48 = arith.constant dense<0.000000e+00> : vector<4096xf32>
    %reduce_sum3A_49 = vector.multi_reduction <add>, %mul3A_47, %reduce_sum3A_48 [1] : vector<4096x64xf32> to vector<4096xf32>
    %broadcast_in_dim3A_50 = vector.shape_cast %reduce_sum3A_49 : vector<4096xf32> to vector<4096x1xf32>
    %jit3A_51 = arith.constant 1.000000e-15 : f32
    %max3A_52 = vector.broadcast %jit3A_51 : f32 to vector<4096x1xf32>
    %max3A_53 = arith.maximumf %max3A_52, %broadcast_in_dim3A_50 : vector<4096x1xf32>
    %sqrt3A = math.sqrt %max3A_53 : vector<4096x1xf32>
    %min3A = arith.constant 0.999989986 : f32
    %min3A_54 = vector.broadcast %min3A : f32 to vector<4096x1xf32>
    %min3A_55 = arith.minimumf %sqrt3A, %min3A_54 : vector<4096x1xf32>
    %mul3A_56 = arith.mulf %min3A_55, %min3A_55 : vector<4096x1xf32>
    %sub3A_57 = arith.constant 1.000000e+00 : f32
    %sub3A_58 = vector.broadcast %sub3A_57 : f32 to vector<4096x1xf32>
    %sub3A_59 = arith.subf %sub3A_58, %mul3A_56 : vector<4096x1xf32>
    %max3A_60 = arith.constant 0.000000e+00 : f32
    %max3A_61 = vector.broadcast %max3A_60 : f32 to vector<4096x1xf32>
    %max3A_62 = arith.maximumf %sub3A_59, %max3A_61 : vector<4096x1xf32>
    %sqrt3A_63 = math.sqrt %max3A_62 : vector<4096x1xf32>
    %add3A = arith.constant 1.000000e+00 : f32
    %add3A_64 = vector.broadcast %add3A : f32 to vector<4096x1xf32>
    %add3A_65 = arith.addf %add3A_64, %sqrt3A_63 : vector<4096x1xf32>
    %div3A_66 = arith.divf %min3A_55, %add3A_65 : vector<4096x1xf32>
    %mul3A_67 = vector.broadcast %div3A_66 : vector<4096x1xf32> to vector<4096x64xf32>
    %mul3A_68 = arith.mulf %mul3A_67, %div3A_46 : vector<4096x64xf32>
    %div3A_69 = vector.broadcast %sqrt3A : vector<4096x1xf32> to vector<4096x64xf32>
    %div3A_70 = arith.divf %mul3A_68, %div3A_69 : vector<4096x64xf32>
    %mul3A_71 = arith.mulf %div3A_70, %div3A_70 : vector<4096x64xf32>
    %reduce_sum3A_72 = arith.constant dense<0.000000e+00> : vector<4096xf32>
    %reduce_sum3A_73 = vector.multi_reduction <add>, %mul3A_71, %reduce_sum3A_72 [1] : vector<4096x64xf32> to vector<4096xf32>
    %broadcast_in_dim3A_74 = vector.shape_cast %reduce_sum3A_73 : vector<4096xf32> to vector<4096x1xf32>
    %jit3A_75 = arith.constant 1.000000e-15 : f32
    %max3A_76 = vector.broadcast %jit3A_75 : f32 to vector<4096x1xf32>
    %max3A_77 = arith.maximumf %max3A_76, %broadcast_in_dim3A_74 : vector<4096x1xf32>
    %sqrt3A_78 = math.sqrt %max3A_77 : vector<4096x1xf32>
    %min3A_79 = arith.constant 0.999989986 : f32
    %min3A_80 = vector.broadcast %min3A_79 : f32 to vector<4096x1xf32>
    %min3A_81 = arith.minimumf %sqrt3A_78, %min3A_80 : vector<4096x1xf32>
    %add3A_82 = arith.constant 1.000000e+00 : f32
    %add3A_83 = vector.broadcast %add3A_82 : f32 to vector<4096x1xf32>
    %add3A_84 = arith.addf %add3A_83, %min3A_81 : vector<4096x1xf32>
    %sub3A_85 = arith.constant 1.000000e+00 : f32
    %sub3A_86 = vector.broadcast %sub3A_85 : f32 to vector<4096x1xf32>
    %sub3A_87 = arith.subf %sub3A_86, %min3A_81 : vector<4096x1xf32>
    %div3A_88 = arith.divf %add3A_84, %sub3A_87 : vector<4096x1xf32>
    %log3A = math.log %div3A_88 : vector<4096x1xf32>
    %mul3A_89 = arith.constant 5.000000e-01 : f32
    %mul3A_90 = vector.broadcast %mul3A_89 : f32 to vector<4096x1xf32>
    %mul3A_91 = arith.mulf %mul3A_90, %log3A : vector<4096x1xf32>
    %mul3A_92 = vector.broadcast %mul3A_91 : vector<4096x1xf32> to vector<4096x64xf32>
    %mul3A_93 = arith.mulf %mul3A_92, %div3A_70 : vector<4096x64xf32>
    %div3A_94 = vector.broadcast %sqrt3A_78 : vector<4096x1xf32> to vector<4096x64xf32>
    %div3A_95 = arith.divf %mul3A_93, %div3A_94 : vector<4096x64xf32>
    %eq3A_96 = arith.constant 0.000000e+00 : f32
    %eq3A_97 = vector.broadcast %eq3A_96 : f32 to vector<4096x1xf32>
    %eq3A_98 = arith.cmpf oeq, %broadcast_in_dim3A, %eq3A_97 : vector<4096x1xf32>
    %jit3A_99 = arith.constant 0.000000e+00 : f32
    %broadcast_in_dim3A_100 = vector.shape_cast %eq3A_98 : vector<4096x1xi1> to vector<4096x1xi1>
    %broadcast_in_dim3A_101 = vector.broadcast %broadcast_in_dim3A_100 : vector<4096x1xi1> to vector<4096x64xi1>
    %broadcast_in_dim3A_102 = vector.broadcast %jit3A_99 : f32 to vector<4096x64xf32>
    %select_n3A_103 = arith.select %broadcast_in_dim3A_101, %broadcast_in_dim3A_102, %div3A_95 : vector<4096x64xi1>, vector<4096x64xf32>
    %swap3A = arith.constant 0 : index
    %swap3A_104 = arith.constant 0 : index
    %swap3A_105 = vector.load %arg3[%swap3A, %swap3A_104] : memref<4096x64xf32, #tpu.memory_space<vmem>>, vector<4096x64xf32>
    tpu.vector_store %arg3[%swap3A, %swap3A_104], %select_n3A_103 {strides = array<i32>} : memref<4096x64xf32, #tpu.memory_space<vmem>>, vector<4096x64xf32>,
    return
  }
}

</mosaic_0001>

<sc_bundles>
// kernel: kernel.4.cloned.1.call-start
scs
__scs_entry_jumppad:
0x0: {  	(pc) =	sbr.rel $0x88, $3  }
0x1: {  	(tag) =	ssettag $0x0;
	lr =	simm.s32 $0x1  }
0x2: {  	[smem:$0x3F9F] =	sst lr;
	_ =	strace $0xD0000000  }
0x3: {  	_ = 	snop  }
0x4: {  	_ = 	snop  }
0x5: {  	_ = 	snop  }
0x6: {  	_ = 	snop  }
0x7: {  	_ = 	snop  }
__scs_overlays_trampoline_lowered:
0x8: {  	[smem:$0x3FAE] =	sst s0  }
0x9: {  	[smem:$0x3FAF] =	sst s1  }
0xa: {  	[smem:$0x3FB0] =	sst s2  }
0xb: {  	[smem:$0x3FB1] =	sst s3  }
0xc: {  	[smem:$0x3FB2] =	sst s4  }
0xd: {  	[smem:$0x3FB3] =	sst s5  }
0xe: {  	[smem:$0x3FB4] =	sst s6  }
0xf: {  	[smem:$0x3FB5] =	sst s7  }
0x10: {  	[smem:$0x3FB6] =	sst s8  }
0x11: {  	[smem:$0x3FB7] =	sst s9;
	s0 =	simm.s32 @!p0 $0x0  }
0x12: {  	s1 =	sld [smem:$0x3F9D];
	s0 =	simm.s32 @p0 $0x1  }
0x13: {  	[smem:$0x3FB8] =	sst s0;
	s0 =	simm.s32 @!p1 $0x0  }
0x14: {  	s2 =	sld [smem:$0x3F9C];
	s0 =	simm.s32 @p1 $0x1  }
0x15: {  	[smem:$0x3FB9] =	sst s0;
	s0 =	simm.s32 @!p2 $0x0  }
0x16: {  	s3 =	sld [smem:$0x3FDB];
	s0 =	simm.s32 @p2 $0x1  }
0x17: {  	s4 =	simm.s32 $0x1BF5;
	[smem:$0x3FBB] =	sst s0  }
0x18: {  	s0 =	sld [smem:$0x3F9E];
	_ =	swait.ge [sflag:s4], $0x0  }
0x19: {  	s7 =	sld [smem:$0x3F9F]  }
0x1a: {  	s8 =	sadd.s32 $0xFFFFE003, lr  }
0x1b: {  	s9 =	sadd.s32 $0xFFFFFEF7, lr;
	s5 =	simm.s32 $0xFFFFFFFF;
	p2 =	slt.u32 s8, $0xFFFFF086  }
0x1c: {  	p1 =	slt.u32 s9, $0xF7A;
	s5 =	simm.s32 @!p2 $0x0  }
0x1d: {  	s5 =	simm.s32 @p1 $0x1;
	p0 =	seq.s32 s7, s2  }
0x1e: {  	s7 =	smul.u32 @!p0 $0xF7A, s2;
	p2 =	seq.s32 @!p0 s5, $0x0  }
0x1f: {  	s9 =	smul.u32 $0xF7A, s1;
	s8 =	simm.s32 @!p0 $0x1BF5;
	p2 =	por !p2, p0  }
0x20: {  	[sflag:s8] =	ssyncset.s32 @!p0 $0xFFFFF086;
	s6 =	sadd.s32 @!p0 s3, s7;
	s7 =	simm.s32 @!p0 $0x108  }
0x21: {  	s3 =	sadd.s32 s3, s9;
	s6 =	sadd.s32 @!p0 $0x88, s6;
	s7 =	simm.s32 @p2 $0x1082  }
0x22: {  	[simem:s7], [sflag:s8] =	dma.local @!p0 [hbm:s6], $0xF7A  }
0x23: {  	s9 =	sor.u32 $0xD0000000, s2;
	s6 =	simm.s32 $0x108;
	_ =	swait.ge @!p0 [sflag:s8], $0x0  }
0x24: {  	s3 =	sadd.s32 $0x88, s3;
	s6 =	simm.s32 @!p1 $0x1082;
	[sflag:s4] =	ssyncset.s32 $0xFFFFF086  }
0x25: {  	[simem:s6], [sflag:s4] =	dma.local [hbm:s3], $0xF7A  }
0x26: {  	[smem:$0x3F9F] =	sst s1;
	(tag) =	ssettag s2;
	_ =	strace s9  }
0x27: {  	s1 =	sld [smem:$0x3FAF]  }
0x28: {  	s2 =	sld [smem:$0x3FB0]  }
0x29: {  	s4 =	sld [smem:$0x3FB2]  }
0x2a: {  	p0 =	seq.s32 s5, $0x0;
	s5 =	sld [smem:$0x3FB3]  }
0x2b: {  	s6 =	sld [smem:$0x3FB4]  }
0x2c: {  	s7 =	sld [smem:$0x3FB5]  }
0x2d: {  	s3 =	simm.s32 $0x108;
	s8 =	sld [smem:$0x3FB6]  }
0x2e: {  	s3 =	simm.s32 @!p0 $0x1082;
	s9 =	sld [smem:$0x3FB7]  }
0x2f: {  	lr =	sadd.s32 s0, s3;
	s0 =	sld [smem:$0x3FAE]  }
0x30: {  	s3 =	sld [smem:$0x3FB1]  }
0x31: {  	[smem:$0x3FBA] =	sst s10  }
0x32: {  	s10 =	sld [smem:$0x3FB8];
	_ =	sdelay $0x3  }
0x33: {  	p0 =	seq.s32 s10, $0x1;
	s10 =	sld [smem:$0x3FBA];
	_ =	sdelay $0x3  }
0x34: {  	[smem:$0x3FBA] =	sst s10  }
0x35: {  	s10 =	sld [smem:$0x3FB9];
	_ =	sdelay $0x3  }
0x36: {  	p1 =	seq.s32 s10, $0x1;
	s10 =	sld [smem:$0x3FBA];
	_ =	sdelay $0x3  }
0x37: {  	[smem:$0x3FBA] =	sst s10  }
0x38: {  	s10 =	sld [smem:$0x3FBB]  }
0x39: {  	_ = 	snop;
	(pc) =	sbr.ind lr, $3  }
0x3a: {  	_ = 	snop  }
0x3b: {  	_ = 	snop  }
0x3c: {  	p2 =	seq.s32 s10, $0x1;
	s10 =	sld [smem:$0x3FBA]  }
0x3d: {  	_ =	shalt  }
0x3e: {  	_ =	shalt  }
0x3f: {  	_ =	shalt  }
0x40: {  	_ =	shalt  }
0x41: {  	_ =	shalt  }
0x42: {  	_ =	shalt  }
0x43: {  	_ =	shalt  }
0x44: {  	_ =	shalt  }
0x45: {  	_ =	shalt  }
0x46: {  	_ =	shalt  }
0x47: {  	_ =	shalt  }
0x48: {  	_ =	shalt  }
0x49: {  	_ =	shalt  }
0x4a: {  	_ =	shalt  }
0x4b: {  	_ =	shalt  }
0x4c: {  	_ =	shalt  }
0x4d: {  	_ =	shalt  }
0x4e: {  	_ =	shalt  }
0x4f: {  	_ =	shalt  }
0x50: {  	_ =	shalt  }
0x51: {  	_ =	shalt  }
0x52: {  	_ =	shalt  }
0x53: {  	_ =	shalt  }
0x54: {  	_ =	shalt  }
0x55: {  	_ =	shalt  }
0x56: {  	_ =	shalt  }
0x57: {  	_ =	shalt  }
0x58: {  	_ =	shalt  }
0x59: {  	_ =	shalt  }
0x5a: {  	_ =	shalt  }
0x5b: {  	_ =	shalt  }
0x5c: {  	_ =	shalt  }
0x5d: {  	_ =	shalt  }
0x5e: {  	_ =	shalt  }
0x5f: {  	_ =	shalt  }
0x60: {  	_ =	shalt  }
0x61: {  	_ =	shalt  }
0x62: {  	_ =	shalt  }
0x63: {  	_ =	shalt  }
0x64: {  	_ =	shalt  }
0x65: {  	_ =	shalt  }
0x66: {  	_ =	shalt  }
0x67: {  	_ =	shalt  }
0x68: {  	_ =	shalt  }
0x69: {  	_ =	shalt  }
0x6a: {  	_ =	shalt  }
0x6b: {  	_ =	shalt  }
0x6c: {  	_ =	shalt  }
0x6d: {  	_ =	shalt  }
0x6e: {  	_ =	shalt  }
0x6f: {  	_ =	shalt  }
0x70: {  	_ =	shalt  }
0x71: {  	_ =	shalt  }
0x72: {  	_ =	shalt  }
0x73: {  	_ =	shalt  }
0x74: {  	_ =	shalt  }
0x75: {  	_ =	shalt  }
0x76: {  	_ =	shalt  }
0x77: {  	_ =	shalt  }
0x78: {  	_ =	shalt  }
0x79: {  	_ =	shalt  }
0x7a: {  	_ =	shalt  }
0x7b: {  	_ =	shalt  }
0x7c: {  	_ =	shalt  }
0x7d: {  	_ =	shalt  }
0x7e: {  	_ =	shalt  }
0x7f: {  	_ =	shalt  }
0x80: {  	_ =	shalt  }
0x81: {  	_ =	shalt  }
0x82: {  	_ =	shalt  }
0x83: {  	_ =	shalt  }
0x84: {  	_ =	shalt  }
0x85: {  	_ =	shalt  }
0x86: {  	_ =	shalt  }
0x87: {  	_ =	shalt  }
.Lfunc_end0:
.L_simem_size_0:
called_computation_lowered:
.L_overlay_start_0:
0x88: {  	s2 =	sld [smem:$0x3FD9]  }
0x89: {  	s3 =	sld [smem:$0x3FFE];
	_ =	sdelay $0x1  }
0x8a: {  	s1 =	srdreg.scid  }
0x8b: {  	s0 =	sand.u32 $0x1, s1  }
0x8c: {  	s17 =	sshll.u32 s0, $0xA;
	s2 =	sadd.s32 s3, s2  }
0x8d: {  	s2 =	sadd.s32 s2, s17  }
0x8e: {  	[smem:$0x3FC6] =	sst s2  }
0x8f: {  	_ = 	snop  }
0x90: {  	s2 =	sld [smem:$0x3FD0];
	(tm) =	ssettm $0x1  }
0x91: {  	s18 =	sld [smem:$0x3FFB];
	_ =	sdelay $0x3  }
0x92: {  	_ =	strace s18  }
0x93: {  	s3 =	sld [smem:$0x3FFC];
	_ =	sdelay $0x3  }
0x94: {  	_ =	strace s3  }
0x95: {  	s3 =	sld [smem:$0x3FFD];
	_ =	sdelay $0x3  }
0x96: {  	_ =	strace s3  }
0x97: {  	_ =	strace $0x8FFFFFFF  }
0x98: {  	s19 =	sld [smem:$0x3FDB];
	_ =	sdelay $0x1  }
0x99: {  	s4 =	simm.s32 $_scs_section_size  }
0x9a: {  	s5 =	simm.s32 $_size__tile_overlayer_lowered;
	s6 =	simm.s32 $_tile_overlayer_lowered  }
0x9b: {  	s22 =	simm.s32 $0x1BFF;
	s21 =	sshll.u32 s6, $0x1;
	s3 =	sadd.s32 s4, s19  }
0x9c: {  	s7 =	simm.s32 $0x0;
	s20 =	sshll.u32 s5, $0x1;
	s5 =	sadd.s32 s21, s3  }
0x9d: {  	[timem:s7], [sflag:s22] =	dma.local [hbm:s5], s20  }
0x9e: {  	_ =	swait.ge [sflag:s22], s20  }
0x9f: {  	s4 =	ssub.s32 $0x0, s20;
	[sflag:s22] =	ssyncset.done $0x0  }
0xa0: {  	[sflag:s22] =	ssyncadd.s32 s4;
	_ =	sdelay $0x1  }
0xa1: {  	s23 =	simm.s32 $0x1B8B  }
0xa2: {  	_ =	swait.ge [sflag:s23], $0x1  }
0xa3: {  	[sflag:s23] =	ssyncset.done $0x0  }
0xa4: {  	s25 =	simm.s32 $0x1B8E;
	s24 =	sld [smem:$0x3FFE];
	[sflag:s23] =	ssyncadd.s32 $0xFFFFFFFF  }
0xa5: {  	s26 =	simm.s32 $execute0_lowered;
	[smem:$0x3FD2] =	sst s25  }
0xa6: {  	s5 =	sshll.u32 s26, $0x1;
	_ =	strace $0x80000046;
	[dreg:$0x1] =	wrdreg $0xFFFFFFFF  }
0xa7: {  	s28 =	simm.s32 $_size_execute0_lowered;
	s3 =	sadd.s32 s3, s5;
	[dreg:$0x0] =	wrdreg $0x0  }
0xa8: {  	s5 =	sshll.u32 s28, $0x1;
	[dreg:$0x2] =	wrdreg s3  }
0xa9: {  	[dreg:$0x3] =	wrdreg s5  }
0xaa: {  	[dreg:$0x4] =	wrdreg $0xC0  }
0xab: {  	_ =	task [dreg:s7], $0x5FFFF  }
0xac: {  	[dreg:$0x1] =	wrdreg $0xFFFFFFFF  }
0xad: {  	[dreg:$0x0] =	wrdreg $0x60  }
0xae: {  	[dreg:$0x2] =	wrdreg s24  }
0xaf: {  	[dreg:$0x3] =	wrdreg s2  }
0xb0: {  	[dreg:$0x4] =	wrdreg $0x9  }
0xb1: {  	_ =	task.clear_ibuf [dreg:s7], $0x5FFFF;
	_ =	strace $0x90000046  }
0xb2: {  	s29 =	simm.s32 $0x9;
	_ =	strace $0x80000048  }
0xb3: {  	_ =	swait.ge [sflag:s29], $0x1  }
0xb4: {  	[sflag:s29] =	ssyncadd.s32 $0xFFFFFFFF  }
0xb5: {  	_ =	strace $0x90000048  }
0xb6: {  	_ =	sfence  }
0xb7: {  	s30 =	sld [smem:$0x0];
	_ =	sdelay $0x2  }
0xb8: {  	s31 =	sshll.u32 s1, $0xD;
	s1 =	sshrl.u32 s1, $0x2  }
0xb9: {  	s3 =	sand.u32 $0x4000, s31;
	s1 =	sadd.s32 s1, s30  }
0xba: {  	s0 =	sor.u32 s3, s0;
	s1 =	sshll.u32 s1, $0x11  }
0xbb: {  	s0 =	sor.u32 s1, s0  }
0xbc: {  	s0 =	sadd.s32 $0x8F2B, s0  }
0xbd: {  	[sflag:s0] =	ssyncadd.remote.s32 $0x1  }
0xbe: {  	_ =	sfence.sel $0xFFFF  }
0xbf: {  	[dreg:$0x0] =	wrdreg $0xFFFFFFFF;
	(pc) =	sbr.abs _section_cstart, $3  }
0xc0: {  	[dreg:$0x1] =	wrdreg $0xFFFFFFFF  }
0xc1: {  	_ =	task.clear_ibuf [dreg:s7], $0x2FFFF;
	_ =	strace $0x9FFFFFFF  }
0xc2: {  	(tm) =	ssettm $0x7FFFFFFF  }
0xc3: {  	_ =	shalt  }
tec
execute0_lowered:
.L_overlay_start_1:
0x0: {  	(tag) =	ssettag $0x1  }
0x1: {  	s4 =	rddreg [dreg:$0x0];
	s1 =	srdreg.scid;
	v0 =	vimm.s32 $0xEFCDAB89  }
0x2: {  	s0 =	stileid.u32;
	s5 =	rddreg [dreg:$0x1];
	v1 =	vimm.s32 $0x67452301;
	v2 =	vimm.s32 $0xDCFE98BA;
	v3 =	vimm.s32 $0x54761032  }
0x3: {  	s2 =	simm.s32 $0x0;
	v4 =	vimm.s32 $0xBA98FEDC;
	v5 =	vimm.s32 $0x32107654;
	s10 =	simm.s32 $0x6800;
	s11 =	simm.s32 $0x8200  }
0x4: {  	v6 =	vimm.s32 $0xFEDCBA98;
	s12 =	simm.s32 $0x9C00;
	s13 =	simm.s32 $0x138;
	s14 =	simm.s32 $0xB600  }
0x5: {  	v7 =	vimm.s32 $0x76543210;
	s15 =	simm.s32 $0x1;
	s16 =	simm.s32 $0x2;
	s17 =	simm.s32 $0xD000;
	v0 =	vunpack.c.l.s4.s8 v0;
	v1 =	vunpack.c.l.s4.s8 v1  }
0x6: {  	s18 =	simm.s32 $0xF000;
	s3 =	sand.u32 $0x1, s1;
	s6 =	sshll.u32 s0, $0x1;
	v2 =	vunpack.c.l.s4.s8 v2;
	v3 =	vunpack.c.l.s4.s8 v3;
	v4 =	vunpack.c.l.s4.s8 v4  }
0x7: {  	s19 =	simm.s32 $0x0;
	[smem:$0x7FF] =	sst s2;
	v5 =	vunpack.c.l.s4.s8 v5;
	v6 =	vunpack.c.l.s4.s8 v6;
	v7 =	vunpack.c.l.s4.s8 v7;
	s6 =	sor.u32 s3, s6  }
0x8: {  	s1 =	rddreg [dreg:$0x2];
	_ =	strace $0x80000047;
	s7 =	smul.u32 $0xD00, s6;
	v0 =	vunpack.c.0.s8.s32 v0;
	v1 =	vunpack.c.0.s8.s32 v1;
	v2 =	vunpack.c.0.s8.s32 v2  }
.Ltmp0:
0x9: {  	s9 =	ssub.s32 $0x2, s3;
	s3 =	sadd.s32 $0x1A1200, s4;
	v3 =	vunpack.c.0.s8.s32 v3;
	v4 =	vunpack.c.0.s8.s32 v4;
	v5 =	vunpack.c.0.s8.s32 v5;
	(pc) =	sbr.rel .LBB2_1-.Ltmp0, $4  }
0xa: {  	s8 =	sshll.u32 s6, $0x9;
	s31 =	sshrl.u32 s9, $0x1;
	s6 =	sshll.u32 s6, $0xA;
	v6 =	vunpack.c.0.s8.s32 v6;
	v0 =	vcombine.low v1, v0  }
0xb: {  	s8 =	sadd.s32 s8, s4;
	s9 =	ssub.s32 s9, s31;
	s5 =	sadd.s32 s5, s6;
	v2 =	vcombine.low v3, v2;
	v3 =	vcombine.low v5, v4;
	v4 =	vunpack.c.0.s8.s32 v7  }
0xc: {  	v49 =	vimm.f32 $1.000000000e+00;
	s7 =	sadd.s32 s7, s4;
	s6 =	sadd.s32 $0x264800, s8;
	s8 =	simm.s32 $0x3;
	v1 =	vand.u32 $0xF, v0;
	v0 =	vand.u32 $0xF, v6  }
0xd: {  	s4 =	sadd.s32 $0x800, s7;
	s7 =	smax.u32 s9, $0x1;
	s9 =	simm.s32 $0x68;
	v2 =	vand.u32 $0xF, v2;
	v3 =	vand.u32 $0xF, v3;
	v4 =	vcombine.low v0, v4  }
.LBB2_8:
0xe: {  	[hbm4b:s5+s2] =	stream.linear.scatter [tilespmem:s17], [sflag:$0x3], $0x2000, $0x38;
	[tilespmem:$0x10000] =	vst v63  }
0xf: {  	s19 =	sadd.s32 $0x1, s19;
	_ =	swait.ge [sflag:s8], $0x2000  }
0x10: {  	p0 =	sne.s32 s19, s7;
	[sflag:s8] =	ssyncset.done $0x0  }
.Ltmp1:
0x11: {  	[sflag:s8] =	ssyncadd.s32 $0xFFFFE000;
	(pc) =	sbr.rel @!p0 .LBB2_9-.Ltmp1, $4  }
0x12: {  	[hbm4b:s6+s2] =	stream.linear.scatter [tilespmem:s18], [sflag:$0x3], $0x1000, $0x38;
	[tilespmem:$0x10000] =	vst v63  }
0x13: {  	_ =	swait.ge [sflag:s8], $0x1000  }
0x14: {  	[sflag:s8] =	ssyncset.done $0x0  }
0x15: {  	[sflag:s8] =	ssyncadd.s32 $0xFFFFF000  }
.LBB2_1:
0x16: {  	[tilespmem:s2], [sflag:$0x3] =	stream.linear.gather [hbm4b:s4+s2], $0x6800, $0x38;
	[tilespmem:$0x10000] =	vst v63  }
0x17: {  	_ =	swait.ge [sflag:s8], $0x6800  }
0x18: {  	[sflag:s8] =	ssyncset.done $0x0  }
0x19: {  	[sflag:s8] =	ssyncadd.s32 $0xFFFF9800  }
0x1a: {  	[tilespmem:s10], [sflag:$0x1] =	stream.indirect.gather [hbm4b:s3+s9], $0x40, s2, s9, $0xb8;
	[tilespmem:$0x10000] =	vst v63  }
0x1b: {  	_ = 	snop  }
0x1c: {  	[tilespmem:s11], [sflag:$0x1] =	stream.indirect.gather [hbm4b:s3+s9], $0x40, s9, s9, $0xb8;
	[tilespmem:$0x10000] =	vst v63  }
0x1d: {  	s20 =	simm.s32 $0xD0  }
0x1e: {  	[tilespmem:s12], [sflag:$0x2] =	stream.indirect.gather [hbm4b:s3+s9], $0x40, s20, s9, $0xb8;
	[tilespmem:$0x10000] =	vst v63  }
0x1f: {  	s21 =	simm.s32 $0x0;
	s22 =	simm.s32 $0x0  }
0x20: {  	[tilespmem:s14], [sflag:$0x2] =	stream.indirect.gather [hbm4b:s3+s9], $0x40, s13, s9, $0xb8;
	[tilespmem:$0x10000] =	vst v63  }
.LBB2_2:
0x21: {  	_ =	swait.ge [sflag:s15], $0x1A00  }
0x22: {  	[sflag:s15] =	ssyncset.done $0x0  }
0x23: {  	[sflag:s15] =	ssyncadd.s32 $0xFFFFE600  }
0x24: {  	_ =	swait.ge [sflag:s15], $0x1A00  }
0x25: {  	[sflag:s15] =	ssyncset.done $0x0  }
0x26: {  	s24 =	simm.s32 $0x6A00;
	[sflag:s15] =	ssyncadd.s32 $0xFFFFE600  }
0x27: {  	v31 =	vld [tilespmem:s24+$0x1F0]  }
0x28: {  	v32 =	vld [tilespmem:s24+$0x1B0]  }
0x29: {  	v0 =	vld [tilespmem:s24+$0x1E0]  }
0x2a: {  	v34 =	vld [tilespmem:s24+$0x170]  }
0x2b: {  	v33 =	vld [tilespmem:s24+$0x1A0]  }
0x2c: {  	v43 =	vld [tilespmem:s24+$0x1C0]  }
0x2d: {  	v42 =	vld [tilespmem:s24+$0x1D0]  }
0x2e: {  	v36 =	vld [tilespmem:s24+$0x130]  }
0x2f: {  	v35 =	vld [tilespmem:s24+$0x160]  }
0x30: {  	v45 =	vld [tilespmem:s24+$0x180]  }
0x31: {  	v47 =	vld [tilespmem:s24+$0x190]  }
0x32: {  	v38 =	vld [tilespmem:s24+$0xF0]  }
0x33: {  	v37 =	vld [tilespmem:s24+$0x120]  }
0x34: {  	v5 =	vld [tilespmem:s24+$0x140]  }
0x35: {  	v53 =	vld [tilespmem:s24+$0x150]  }
0x36: {  	v41 =	vld [tilespmem:s24+$0xE0]  }
0x37: {  	v13 =	vld [tilespmem:s24+$0x100]  }
0x38: {  	v12 =	vld [tilespmem:s24+$0x110]  }
0x39: {  	v39 =	vld [tilespmem:s24+$0xA0]  }
0x3a: {  	v15 =	vld [tilespmem:s24+$0xC0]  }
0x3b: {  	v16 =	vld [tilespmem:s24+$0xD0]  }
0x3c: {  	v40 =	vld [tilespmem:s24+$0x80]  }
0x3d: {  	v17 =	vld [tilespmem:s24+$0x90]  }
0x3e: {  	v21 =	vld [tilespmem:s24+$0x40]  }
0x3f: {  	v22 =	vld [tilespmem:s24+$0x50]  }
0x40: {  	v50 =	vld [tilespmem:s24+$0x0]  }
0x41: {  	v24 =	vld [tilespmem:s24+$0x10]  }
0x42: {  	v52 =	vld [tilespmem:s24+$0xFFFFFFC0]  }
0x43: {  	v26 =	vld [tilespmem:s24+$0xFFFFFFD0];
	[tilespmem:$0x1FD60] =	vst v0;
	v0 =	vmul.f32 v0, v0  }
0x44: {  	v46 =	vld [tilespmem:s24+$0xFFFFFF80];
	v6 =	vmul.f32 v43, v43;
	v7 =	vmul.f32 v42, v42  }
0x45: {  	v28 =	vld [tilespmem:s24+$0xFFFFFF90];
	v8 =	vmul.f32 v45, v45;
	v9 =	vmul.f32 v47, v47  }
0x46: {  	v60 =	vld [tilespmem:s24+$0xFFFFFF40];
	v10 =	vmul.f32 v5, v5;
	v11 =	vmul.f32 v53, v53;
	[tilespmem:$0x1FD80] =	vst v13  }
0x47: {  	v63 =	vld [tilespmem:s24+$0xFFFFFF00];
	v13 =	vmul.f32 v13, v13;
	[tilespmem:$0x1FD90] =	vst v12;
	v14 =	vmul.f32 v12, v12  }
0x48: {  	v44 =	vld [tilespmem:s24+$0xFFFFFF10];
	[tilespmem:$0x1FDA0] =	vst v15;
	v15 =	vmul.f32 v15, v15;
	v18 =	vmul.f32 v16, v16  }
0x49: {  	v51 =	vld [tilespmem:s24+$0xFFFFFED0];
	v19 =	vmul.f32 v40, v40;
	v20 =	vmul.f32 v17, v17;
	[tilespmem:$0x1FDD0] =	vst v21  }
0x4a: {  	v54 =	vld [tilespmem:s24+$0xFFFFFE90];
	v21 =	vmul.f32 v21, v21;
	[tilespmem:$0x1FDE0] =	vst v22;
	v22 =	vmul.f32 v22, v22  }
0x4b: {  	v55 =	vld [tilespmem:s24+$0xFFFFFE50];
	v23 =	vmul.f32 v50, v50;
	[tilespmem:$0x1FDF0] =	vst v24;
	v24 =	vmul.f32 v24, v24  }
0x4c: {  	v61 =	vld [tilespmem:s24+$0x60];
	v25 =	vmul.f32 v52, v52;
	[tilespmem:$0x1FE00] =	vst v26;
	v26 =	vmul.f32 v26, v26  }
0x4d: {  	v12 =	vld [tilespmem:s24+$0xFFFFFF50];
	v27 =	vmul.f32 v46, v46;
	[tilespmem:$0x1FE10] =	vst v28;
	v28 =	vmul.f32 v28, v28;
	v6 =	vadd.f32 v7, v6  }
0x4e: {  	[tilespmem:$0x1FD70] =	vst v5;
	v5 =	vld [tilespmem:s24+$0xFFFFFEC0];
	v29 =	vmul.f32 v60, v60;
	v10 =	vadd.f32 v11, v10;
	v8 =	vadd.f32 v9, v8  }
0x4f: {  	[tilespmem:$0x1FDC0] =	vst v17;
	v17 =	vld [tilespmem:s24+$0xFFFFFE40];
	v48 =	vmul.f32 v44, v44;
	v9 =	vadd.f32 v18, v15;
	v13 =	vadd.f32 v14, v13  }
0x50: {  	[tilespmem:$0x1FDB0] =	vst v16;
	v16 =	vld [tilespmem:s24+$0xFFFFFE80];
	v7 =	vmul.f32 v63, v63;
	v14 =	vadd.f32 v22, v21;
	v18 =	vadd.f32 v20, v19  }
0x51: {  	v62 =	vld [tilespmem:s24+$0x20];
	v19 =	vmul.f32 v51, v51;
	v20 =	vadd.f32 v26, v25;
	v21 =	vadd.f32 v24, v23  }
0x52: {  	v11 =	vld [tilespmem:s24+$0xFFFFFE10];
	v24 =	vadd.f32 v28, v27;
	v25 =	vmul.f32 v55, v55;
	v27 =	vmul.f32 v54, v54  }
0x53: {  	v7 =	vadd.f32 v48, v7;
	[tilespmem:$0x1FE20] =	vst v12;
	v30 =	vmul.f32 v12, v12;
	v12 =	vld [tilespmem:s24+$0xFFFFFE00];
	v15 =	vmul.f32 v5, v5  }
0x54: {  	[tilespmem:$0x1FE60] =	vst v54;
	v54 =	vld [tilespmem:s24+$0xFFFFFEE0];
	v0 =	vadd.f32 v0, v6;
	v6 =	vmul.f32 v41, v41;
	v22 =	vmul.f32 v17, v17  }
0x55: {  	v23 =	vadd.f32 v30, v29;
	v15 =	vadd.f32 v19, v15;
	v19 =	vmul.f32 v16, v16;
	v30 =	vld [tilespmem:s24+$0xFFFFFF60]  }
0x56: {  	v6 =	vadd.f32 v6, v9;
	v9 =	vmul.f32 v39, v39;
	v29 =	vld [tilespmem:s24+$0xFFFFFFE0];
	v22 =	vadd.f32 v25, v22  }
0x57: {  	v48 =	vld [tilespmem:s24+$0xFFFFFFA0];
	v28 =	vadd.f32 v27, v19;
	v19 =	vmul.f32 v33, v33;
	v27 =	vmul.f32 v35, v35  }
0x58: {  	[tilespmem:$0x1FE70] =	vst v33;
	v26 =	vmul.f32 v11, v11;
	v9 =	vadd.f32 v9, v18;
	v33 =	vld [tilespmem:s24+$0xFFFFFF20];
	v25 =	vmul.f32 v12, v12  }
0x59: {  	v59 =	vld [tilespmem:s24+$0xFFFFFE60];
	v10 =	vadd.f32 v27, v10;
	v8 =	vadd.f32 v19, v8;
	v19 =	vmul.f32 v37, v37  }
0x5a: {  	v56 =	vld [tilespmem:s24+$0xFFFFFEA0];
	[tilespmem:$0x1FE30] =	vst v44;
	v25 =	vadd.f32 v26, v25;
	v26 =	vmul.f32 v61, v61;
	v18 =	vmul.f32 v30, v30  }
0x5b: {  	[tilespmem:$0x1FED0] =	vst v62;
	v27 =	vmul.f32 v29, v29;
	v13 =	vadd.f32 v19, v13;
	v19 =	vmul.f32 v62, v62;
	v62 =	vld [tilespmem:s24+$0xFFFFFE20]  }
0x5c: {  	v58 =	vld [tilespmem:s24+$0xFFFFFF30];
	[tilespmem:$0x1FE40] =	vst v51;
	v14 =	vadd.f32 v26, v14;
	v18 =	vadd.f32 v18, v23;
	v26 =	vmul.f32 v54, v54  }
0x5d: {  	[tilespmem:$0x1FE80] =	vst v35;
	v35 =	vld [tilespmem:s24+$0x30];
	v23 =	vmul.f32 v33, v33;
	v19 =	vadd.f32 v19, v21;
	v21 =	vmul.f32 v48, v48  }
0x5e: {  	[tilespmem:$0x1FEE0] =	vst v29;
	v29 =	vld [tilespmem:s24+$0xB0];
	v20 =	vadd.f32 v27, v20;
	v27 =	vmul.f32 v59, v59;
	v15 =	vadd.f32 v26, v15  }
0x5f: {  	v51 =	vmovc v30;
	v30 =	vld [tilespmem:s24+$0x70];
	v23 =	vadd.f32 v23, v7;
	v21 =	vadd.f32 v21, v24;
	v24 =	vmul.f32 v56, v56  }
0x60: {  	[tilespmem:$0x1FE50] =	vst v55;
	v55 =	vld [tilespmem:s24+$0xFFFFFF70];
	v22 =	vadd.f32 v27, v22;
	v26 =	vmul.f32 v34, v34;
	v7 =	vmul.f32 v62, v62  }
0x61: {  	v44 =	vld [tilespmem:s24+$0xFFFFFFB0];
	[tilespmem:$0x1FEF0] =	vst v48;
	v27 =	vmul.f32 v36, v36;
	v48 =	vadd.f32 v24, v28;
	v24 =	vmul.f32 v31, v31  }
0x62: {  	[tilespmem:$0x1FEA0] =	vst v37;
	v37 =	vld [tilespmem:s24+$0xFFFFFFF0];
	v10 =	vadd.f32 v26, v10;
	v25 =	vadd.f32 v7, v25;
	v7 =	vmul.f32 v32, v32  }
0x63: {  	[tilespmem:$0x1FEC0] =	vst v61;
	v13 =	vadd.f32 v27, v13;
	v26 =	vmul.f32 v29, v29;
	v24 =	vadd.f32 v24, v0;
	v0 =	vld [tilespmem:s24+$0xFFFFFEB0]  }
0x64: {  	[tilespmem:$0x1FF50] =	vst v38;
	v61 =	vld [tilespmem:s24+$0xFFFFFEF0];
	v27 =	vmul.f32 v35, v35;
	v8 =	vadd.f32 v7, v8;
	v7 =	vmul.f32 v30, v30  }
0x65: {  	[tilespmem:$0x1FF70] =	vst v29;
	v29 =	vmul.f32 v55, v55;
	v28 =	vmul.f32 v38, v38;
	v38 =	vld [tilespmem:s24+$0xFFFFFE70];
	v9 =	vadd.f32 v26, v9  }
0x66: {  	v19 =	vadd.f32 v27, v19;
	v27 =	vmul.f32 v58, v58;
	v14 =	vadd.f32 v7, v14;
	v7 =	vld [tilespmem:s24+$0xFFFFFE30]  }
0x67: {  	v26 =	vmul.f32 v44, v44;
	v6 =	vadd.f32 v28, v6;
	v28 =	vmul.f32 v37, v37  }
0x68: {  	v18 =	vadd.f32 v29, v18;
	v23 =	vadd.f32 v27, v23;
	v27 =	vmul.f32 v0, v0  }
0x69: {  	v21 =	vadd.f32 v26, v21;
	v26 =	vmul.f32 v61, v61;
	v20 =	vadd.f32 v28, v20  }
0x6a: {  	[tilespmem:$0x1FF60] =	vst v30;
	v28 =	vmul.f32 v38, v38;
	v30 =	vadd.f32 v27, v48;
	v27 =	vperm.xlane v24, v1  }
0x6b: {  	v15 =	vadd.f32 v26, v15;
	v29 =	vperm.xlane v8, v1;
	v26 =	vmul.f32 v7, v7  }
0x6c: {  	v22 =	vadd.f32 v28, v22;
	v24 =	vadd.f32 v24, v27;
	v27 =	vperm.xlane v10, v1  }
0x6d: {  	v8 =	vadd.f32 v8, v29;
	v25 =	vadd.f32 v26, v25;
	v26 =	vperm.xlane v13, v1  }
0x6e: {  	v28 =	vperm.xlane v9, v1;
	v10 =	vadd.f32 v10, v27;
	v27 =	vperm.xlane v14, v1  }
0x6f: {  	v29 =	vperm.xlane v19, v1;
	v13 =	vadd.f32 v13, v26;
	v26 =	vperm.xlane v6, v1  }
0x70: {  	v9 =	vadd.f32 v9, v28;
	v14 =	vadd.f32 v14, v27;
	v27 =	vperm.xlane v20, v1  }
0x71: {  	v19 =	vadd.f32 v19, v29;
	v6 =	vadd.f32 v6, v26;
	v26 =	vperm.xlane v21, v1  }
0x72: {  	v28 =	vperm.xlane v23, v1;
	v20 =	vadd.f32 v20, v27;
	v27 =	vperm.xlane v30, v1  }
0x73: {  	v29 =	vperm.xlane v15, v1;
	v21 =	vadd.f32 v21, v26;
	v26 =	vperm.xlane v18, v1  }
0x74: {  	v23 =	vadd.f32 v23, v28;
	v30 =	vadd.f32 v30, v27;
	v27 =	vperm.xlane v25, v1  }
0x75: {  	v15 =	vadd.f32 v15, v29;
	v18 =	vadd.f32 v18, v26;
	v26 =	vperm.xlane v22, v1  }
0x76: {  	v29 =	vperm.xlane v8, v2;
	v25 =	vadd.f32 v25, v27;
	v27 =	vperm.xlane v6, v2  }
0x77: {  	v28 =	vperm.xlane v24, v2;
	v22 =	vadd.f32 v22, v26;
	v26 =	vperm.xlane v10, v2  }
0x78: {  	v8 =	vadd.f32 v8, v29;
	v6 =	vadd.f32 v6, v27;
	v27 =	vperm.xlane v14, v2  }
0x79: {  	v29 =	vperm.xlane v19, v2;
	v10 =	vadd.f32 v10, v26;
	v26 =	vperm.xlane v13, v2  }
0x7a: {  	v24 =	vadd.f32 v24, v28;
	v14 =	vadd.f32 v14, v27;
	v27 =	vperm.xlane v18, v2  }
0x7b: {  	v28 =	vperm.xlane v9, v2;
	v13 =	vadd.f32 v13, v26;
	v26 =	vperm.xlane v20, v2  }
0x7c: {  	v19 =	vadd.f32 v19, v29;
	v18 =	vadd.f32 v18, v27;
	v27 =	vperm.xlane v23, v2  }
0x7d: {  	v9 =	vadd.f32 v9, v28;
	v20 =	vadd.f32 v20, v26;
	v26 =	vperm.xlane v21, v2  }
0x7e: {  	v28 =	vperm.xlane v15, v2;
	v23 =	vadd.f32 v23, v27;
	v27 =	vperm.xlane v25, v2  }
0x7f: {  	v29 =	vperm.xlane v22, v2;
	v21 =	vadd.f32 v21, v26;
	v26 =	vperm.xlane v30, v2  }
0x80: {  	v15 =	vadd.f32 v15, v28;
	v25 =	vadd.f32 v25, v27;
	v27 =	vperm.xlane v8, v3  }
0x81: {  	[tilespmem:$0x1FF10] =	vst v31;
	v22 =	vadd.f32 v22, v29;
	v31 =	vadd.f32 v30, v26;
	v26 =	vperm.xlane v24, v3  }
0x82: {  	v28 =	vperm.xlane v10, v3;
	v8 =	vadd.f32 v8, v27;
	v27 =	vperm.xlane v14, v3  }
0x83: {  	v29 =	vperm.xlane v6, v3;
	v26 =	vadd.f32 v24, v26;
	v24 =	vperm.xlane v13, v3  }
0x84: {  	v10 =	vadd.f32 v10, v28;
	v27 =	vadd.f32 v14, v27;
	v14 =	vperm.xlane v19, v3  }
0x85: {  	v6 =	vadd.f32 v6, v29;
	v13 =	vadd.f32 v13, v24;
	v24 =	vperm.xlane v9, v3  }
0x86: {  	v29 =	vperm.xlane v18, v3;
	v28 =	vperm.xlane v20, v3;
	v30 =	vadd.f32 v19, v14  }
0x87: {  	v14 =	vperm.xlane v23, v3;
	v9 =	vadd.f32 v9, v24;
	v24 =	vperm.xlane v21, v3  }
0x88: {  	v28 =	vadd.f32 v20, v28;
	v20 =	vadd.f32 v18, v29;
	v18 =	vperm.xlane v25, v3  }
0x89: {  	v19 =	vadd.f32 v21, v24;
	v21 =	vadd.f32 v23, v14;
	v14 =	vperm.xlane v15, v3  }
0x8a: {  	v18 =	vadd.f32 v25, v18;
	v29 =	vperm.xlane v8, v4;
	v23 =	vperm.xlane v31, v3  }
0x8b: {  	[tilespmem:$0x1FE90] =	vst v41;
	v25 =	vperm.xlane v22, v3;
	v24 =	vadd.f32 v15, v14;
	v14 =	vperm.xlane v26, v4  }
0x8c: {  	[tilespmem:$0x1FEB0] =	vst v39;
	v31 =	vadd.f32 v31, v23;
	v23 =	vadd.f32 v8, v29;
	v8 =	vperm.xlane v18, v4  }
0x8d: {  	[tilespmem:$0x1FF20] =	vst v32;
	v15 =	vadd.f32 v22, v25;
	v25 =	vadd.f32 v26, v14;
	v14 =	vperm.xlane v10, v4  }
0x8e: {  	[tilespmem:$0x1FF30] =	vst v34;
	v26 =	vperm.xlane v6, v4;
	v8 =	vadd.f32 v18, v8;
	v18 =	vperm.xlane v13, v4  }
0x8f: {  	[tilespmem:$0x1FF40] =	vst v36;
	v34 =	vimm.f32 $0.0e+00;
	v29 =	vperm.xlane v15, v4;
	v22 =	vadd.f32 v10, v14  }
0x90: {  	[tilespmem:$0x1FF00] =	vst v33;
	v33 =	vperm.xlane v24, v4;
	v14 =	vadd.f32 v6, v26;
	v13 =	vadd.f32 v13, v18  }
0x91: {  	[tilespmem:$0x1FFA0] =	vst v44;
	v6 =	vadd.f32 v15, v29;
	v10 =	vperm.xlane v27, v4;
	v15 =	vperm.xlane v9, v4  }
0x92: {  	[tilespmem:$0x1FF80] =	vst v35;
	v8 =	vsub.f32 $1.000000000e+00, v8;
	v26 =	vperm.xlane v31, v4;
	v29 =	vperm.xlane v20, v4  }
0x93: {  	[tilespmem:$0x1FF90] =	vst v37;
	v18 =	vadd.f32 v27, v10;
	v32 =	vsub.f32 $1.000000000e+00, v6;
	v6 =	vmov s21  }
0x94: {  	v10 =	vperm.xlane v28, v4;
	v27 =	vperm.xlane v30, v4;
	[tilespmem:$0x1FFB0] =	vst v6;
	v6 =	vimm.f32 $0.0e+00  }
0x95: {  	v15 =	vadd.f32 v9, v15;
	v8 =	vmax.f32 v8, $1.000000000e-15;
	[tilespmem:$0x1FFC0] =	vst v6;
	v6 =	vimm.f32 $0.0e+00  }
0x96: {  	s23 =	smul.u32 $0x680, s22;
	v31 =	vadd.f32 v31, v26;
	(erf) = vrcp.f32 v8;
	[tilespmem:$0x1FFD0] =	vst v6;
	v6 =	vimm.f32 $0.0e+00  }
0x97: {  	v26 =	vadd.f32 v28, v10;
	v27 =	vadd.f32 v30, v27;
	[tilespmem:$0x1FFE0] =	vst v6;
	v6 =	vimm.f32 $0.0e+00  }
0x98: {  	s25 =	simm.s32 $0x0;
	s26 =	simm.s32 $0x40;
	s23 =	sshra.s32 s23, $0x2;
	v10 =	vimm.f32 $0.0e+00;
	v28 =	vperm.xlane v19, v4;
	v30 =	vperm.xlane v21, v4;
	[tilespmem:$0x1FFF0] =	vst v6  }
.LBB2_3:
0x99: {  	_ = 	snop  }
0x9a: {  	v23 =	vsub.f32 $1.000000000e+00, v23;
	v32 =	vmax.f32 v32, $1.000000000e-15;
	v24 =	vadd.f32 v24, v33  }
0x9b: {  	v25 =	vsub.f32 $1.000000000e+00, v25;
	v31 =	vsub.f32 $1.000000000e+00, v31;
	(erf) = vrcp.f32 v32  }
0x9c: {  	v21 =	vadd.f32 v21, v30;
	v24 =	vsub.f32 $1.000000000e+00, v24  }
0x9d: {  	v20 =	vadd.f32 v20, v29;
	v19 =	vadd.f32 v19, v28;
	v28 =	vmax.f32 v31, $1.000000000e-15  }
0x9e: {  	v21 =	vsub.f32 $1.000000000e+00, v21;
	(erf) = vrcp.f32 v28;
	v24 =	vmax.f32 v24, $1.000000000e-15  }
0x9f: {  	v22 =	vsub.f32 $1.000000000e+00, v22;
	v25 =	vmax.f32 v25, $1.000000000e-15;
	(erf) = vrcp.f32 v24  }
0xa0: {  	v20 =	vsub.f32 $1.000000000e+00, v20;
	v6 =	vmax.f32 v21, $1.000000000e-15;
	(erf) = vrcp.f32 v25  }
0xa1: {  	v19 =	vsub.f32 $1.000000000e+00, v19;
	(erf) = vrcp.f32 v6  }
0xa2: {  	v27 =	vsub.f32 $1.000000000e+00, v27;
	v23 =	vmax.f32 v23, $1.000000000e-15;
	v20 =	vmax.f32 v20, $1.000000000e-15;
	v21 =	vpop (erf)  }
0xa3: {  	v19 =	vmax.f32 v19, $1.000000000e-15;
	(erf) = vrcp.f32 v23;
	v25 =	vadd.f32 v21, v21  }
0xa4: {  	v24 =	vsub.f32 $1.000000000e+00, v26;
	v21 =	vmax.f32 v22, $1.000000000e-15;
	(erf) = vrcp.f32 v20;
	v22 =	vpop (erf)  }
0xa5: {  	(erf) = vrcp.f32 v21;
	v12 =	vmul.f32 v25, v12;
	v26 =	vadd.f32 v22, v22  }
0xa6: {  	v18 =	vsub.f32 $1.000000000e+00, v18;
	(erf) = vrcp.f32 v19  }
0xa7: {  	v19 =	vmax.f32 v27, $1.000000000e-15;
	v21 =	vpop (erf);
	v10 =	vadd.f32 v12, v10;
	v12 =	vmul.f32 v26, v17  }
0xa8: {  	s24 =	sadd.s32 $0x400, s24;
	v20 =	vmax.f32 v24, $1.000000000e-15;
	v17 =	vmax.f32 v18, $1.000000000e-15;
	v18 =	vsub.f32 $1.000000000e+00, v15;
	v15 =	vpop (erf)  }
0xa9: {  	(erf) = vrcp.f32 v20;
	v10 =	vadd.f32 v12, v10;
	v15 =	vadd.f32 v15, v15;
	v23 =	vpop (erf);
	v12 =	vld [tilespmem:s24+$0x1F0]  }
0xaa: {  	(erf) = vrcp.f32 v19;
	v19 =	vpop (erf)  }
0xab: {  	(erf) = vrcp.f32 v17;
	v17 =	vmul.f32 v15, v5;
	v29 =	vadd.f32 v19, v19;
	v5 =	vld [tilespmem:s24+$0x1B0];
	_ =	sdelay $0x1  }
0xac: {  	v20 =	vmul.f32 v29, v63;
	v63 =	vld [tilespmem:s24+$0x170]  }
0xad: {  	v6 =	vmul.f32 v12, v12;
	_ =	sdelay $0x1  }
0xae: {  	v14 =	vsub.f32 $1.000000000e+00, v14;
	v24 =	vpop (erf);
	[tilespmem:$0x1FD00] =	vst v6;
	v6 =	vmul.f32 v5, v5  }
0xaf: {  	v19 =	vpop (erf)  }
0xb0: {  	v14 =	vmax.f32 v14, $1.000000000e-15;
	v18 =	vmax.f32 v18, $1.000000000e-15;
	v31 =	vpop (erf);
	[tilespmem:$0x1FD20] =	vst v6;
	v6 =	vmul.f32 v63, v63  }
0xb1: {  	v57 =	vld [tilespmem:s24+$0x130];
	(erf) = vrcp.f32 v18;
	v18 =	vadd.f32 v19, v19;
	v19 =	vpop (erf)  }
0xb2: {  	v33 =	vadd.f32 v19, v19;
	v19 =	vpop (erf);
	[tilespmem:$0x1FD10] =	vst v6;
	v6 =	vld [tilespmem:$0x1FDD0]  }
0xb3: {  	(erf) = vrcp.f32 v14;
	v14 =	vpop (erf)  }
0xb4: {  	v27 =	vadd.f32 v21, v21;
	v21 =	vpop (erf)  }
0xb5: {  	v30 =	vadd.f32 v21, v21;
	_ =	sdelay $0x1  }
0xb6: {  	v41 =	vmul.f32 v30, v6;
	v6 =	vmul.f32 v57, v57  }
0xb7: {  	v16 =	vmul.f32 v27, v16  }
0xb8: {  	[tilespmem:$0x1FD30] =	vst v6;
	v6 =	vld [tilespmem:$0x1FFB0]  }
0xb9: {  	v10 =	vadd.f32 v16, v10;
	_ =	sdelay $0x1  }
0xba: {  	v13 =	vsub.f32 $1.000000000e+00, v13;
	v10 =	vadd.f32 v17, v10;
	_ =	sdelay $0x1  }
0xbb: {  	v13 =	vmax.f32 v13, $1.000000000e-15;
	v10 =	vadd.f32 v20, v10;
	v8 =	vmul.f32 v18, v60  }
0xbc: {  	(erf) = vrcp.f32 v13  }
0xbd: {  	s28 =	sshra.s32 s25, $0x2;
	v37 =	vld [tilespmem:s24+$0x1D0];
	v35 =	vadd.f32 v19, v19;
	v10 =	vadd.f32 v8, v10;
	v13 =	vmul.f32 v33, v46  }
0xbe: {  	v39 =	vld.idx.msk [tilespmem:v6+s28+$0x0 ss:$0x1], $0xffff  }
0xbf: {  	v32 =	vadd.f32 v14, v14;
	v10 =	vadd.f32 v13, v10;
	v13 =	vmul.f32 v35, v52;
	v28 =	vpop (erf);
	v6 =	vld [tilespmem:$0x1FDA0]  }
0xc0: {  	v28 =	vadd.f32 v28, v28  }
0xc1: {  	v10 =	vadd.f32 v13, v10;
	v13 =	vmul.f32 v32, v50;
	v44 =	vpop (erf)  }
0xc2: {  	v50 =	vadd.f32 v23, v23;
	v23 =	vmul.f32 v28, v40;
	v40 =	vadd.f32 v44, v44;
	_ =	sdelay $0x1  }
0xc3: {  	v46 =	vadd.f32 v31, v31;
	v31 =	vmul.f32 v40, v6;
	v6 =	vmov v37  }
0xc4: {  	[tilespmem:$0x1FD40] =	vst v6;
	v6 =	vld [tilespmem:$0x1FD80];
	_ =	sdelay $0x1  }
0xc5: {  	v52 =	vadd.f32 v24, v24;
	v24 =	vpop (erf)  }
0xc6: {  	v24 =	vadd.f32 v24, v24;
	_ =	sdelay $0x1  }
0xc7: {  	v48 =	vmul.f32 v24, v6;
	v6 =	vld [tilespmem:$0x1FD70];
	_ =	sdelay $0x3  }
0xc8: {  	v36 =	vld [tilespmem:s24+$0x1C0]  }
0xc9: {  	v10 =	vadd.f32 v13, v10;
	v44 =	vmul.f32 v46, v6;
	v6 =	vld [tilespmem:$0x1FD90];
	_ =	sdelay $0x1  }
0xca: {  	v10 =	vadd.f32 v41, v10;
	_ =	sdelay $0x1  }
0xcb: {  	v10 =	vadd.f32 v23, v10  }
0xcc: {  	v8 =	vmov v36;
	v21 =	vmul.f32 v36, v36;
	v36 =	vmul.f32 v24, v6;
	v6 =	vld [tilespmem:$0x1FDC0]  }
0xcd: {  	v10 =	vadd.f32 v31, v10;
	_ =	sdelay $0x1  }
0xce: {  	v10 =	vadd.f32 v48, v10  }
0xcf: {  	v60 =	vmul.f32 v50, v42  }
0xd0: {  	v42 =	vmul.f32 v52, v45;
	v10 =	vadd.f32 v44, v10;
	v45 =	vmul.f32 v28, v6;
	v6 =	vld [tilespmem:$0x1FDB0];
	_ =	sdelay $0x1  }
0xd1: {  	v41 =	vmul.f32 v50, v43;
	v10 =	vadd.f32 v42, v10;
	_ =	sdelay $0x1  }
0xd2: {  	v14 =	vadd.f32 v41, v10;
	v10 =	vld [tilespmem:$0x1FFC0]  }
0xd3: {  	v22 =	vmul.f32 v37, v37;
	vm0 =	veq.s32 v39, $0x0;
	v37 =	vmul.f32 v40, v6;
	v6 =	vld [tilespmem:$0x1FDF0]  }
0xd4: {  	v31 =	vmul.f32 v46, v53;
	v53 =	vsel vm0, $0x0, v49  }
0xd5: {  	v13 =	vadd.f32 v53, v34;
	v34 =	vmul.f32 v25, v11;
	_ =	sdelay $0x1  }
0xd6: {  	v34 =	vadd.f32 v34, v10;
	v10 =	vld [tilespmem:$0x1FFD0]  }
0xd7: {  	v39 =	vmul.f32 v32, v6;
	v6 =	vld [tilespmem:$0x1FDE0];
	_ =	sdelay $0x1  }
0xd8: {  	v62 =	vmul.f32 v25, v62;
	_ =	sdelay $0x1  }
0xd9: {  	v42 =	vadd.f32 v62, v10;
	v10 =	vld [tilespmem:$0x1FFE0]  }
0xda: {  	v43 =	vmul.f32 v30, v6;
	v6 =	vld [tilespmem:$0x1FE10];
	_ =	sdelay $0x1  }
0xdb: {  	v7 =	vmul.f32 v25, v7  }
0xdc: {  	v11 =	vld [tilespmem:$0x1FE50]  }
0xdd: {  	v7 =	vadd.f32 v7, v10;
	v10 =	vld [tilespmem:$0x1FFF0]  }
0xde: {  	v23 =	vmul.f32 v52, v47;
	v47 =	vmul.f32 v33, v6;
	v6 =	vld [tilespmem:$0x1FE00]  }
0xdf: {  	[tilespmem:$0x1FD50] =	vst v8;
	v8 =	vld [tilespmem:$0x1FE60]  }
0xe0: {  	v9 =	vld [tilespmem:$0x1FE40];
	_ =	sdelay $0x1  }
0xe1: {  	v0 =	vmul.f32 v27, v0;
	v53 =	vmul.f32 v26, v11  }
0xe2: {  	v11 =	vadd.f32 v25, v10;
	v25 =	vmul.f32 v26, v38;
	v48 =	vmul.f32 v35, v6;
	v6 =	vld [tilespmem:$0x1FE30]  }
0xe3: {  	v8 =	vmul.f32 v27, v8;
	v34 =	vadd.f32 v53, v34;
	v62 =	vmul.f32 v26, v59  }
0xe4: {  	v9 =	vmul.f32 v15, v9;
	v10 =	vld [tilespmem:$0x1FF00];
	v7 =	vadd.f32 v25, v7;
	v11 =	vadd.f32 v26, v11  }
0xe5: {  	v8 =	vadd.f32 v8, v34;
	v59 =	vmul.f32 v27, v56;
	v53 =	vadd.f32 v62, v42  }
0xe6: {  	v0 =	vadd.f32 v0, v7;
	v7 =	vadd.f32 v27, v11;
	v11 =	vmul.f32 v15, v61  }
0xe7: {  	v25 =	vadd.f32 v59, v53;
	v26 =	vmul.f32 v15, v54;
	v49 =	vmul.f32 v29, v6;
	v6 =	vld [tilespmem:$0x1FE20]  }
0xe8: {  	v0 =	vadd.f32 v11, v0;
	v11 =	vmul.f32 v29, v58  }
0xe9: {  	v8 =	vadd.f32 v9, v8;
	v9 =	vadd.f32 v26, v25;
	v25 =	vmul.f32 v29, v10  }
0xea: {  	v0 =	vadd.f32 v11, v0;
	v11 =	vmul.f32 v18, v55  }
0xeb: {  	v9 =	vadd.f32 v25, v9;
	v25 =	vmul.f32 v18, v51  }
0xec: {  	v0 =	vadd.f32 v11, v0;
	v11 =	vld [tilespmem:$0x1FFA0];
	v8 =	vadd.f32 v49, v8;
	v6 =	vmul.f32 v18, v6;
	_ =	sdelay $0x1  }
0xed: {  	v6 =	vadd.f32 v6, v8;
	v8 =	vadd.f32 v25, v9;
	v9 =	vld [tilespmem:$0x1FEF0];
	_ =	sdelay $0x2  }
0xee: {  	v11 =	vmul.f32 v33, v11;
	_ =	sdelay $0x1  }
0xef: {  	v0 =	vadd.f32 v11, v0;
	v11 =	vld [tilespmem:$0x1FF90];
	v9 =	vmul.f32 v33, v9;
	_ =	sdelay $0x1  }
0xf0: {  	v8 =	vadd.f32 v9, v8;
	v9 =	vld [tilespmem:$0x1FEE0];
	_ =	sdelay $0x2  }
0xf1: {  	v11 =	vmul.f32 v35, v11;
	_ =	sdelay $0x1  }
0xf2: {  	v0 =	vadd.f32 v11, v0;
	v11 =	vld [tilespmem:$0x1FF80];
	v9 =	vmul.f32 v35, v9;
	_ =	sdelay $0x1  }
0xf3: {  	v8 =	vadd.f32 v9, v8;
	v9 =	vld [tilespmem:$0x1FED0];
	_ =	sdelay $0x2  }
0xf4: {  	v11 =	vmul.f32 v32, v11  }
0xf5: {  	v16 =	vld [tilespmem:s24+$0x1E0]  }
0xf6: {  	v0 =	vadd.f32 v11, v0;
	v11 =	vld [tilespmem:$0x1FF60];
	v9 =	vmul.f32 v32, v9  }
0xf7: {  	v17 =	vld [tilespmem:s24+$0x1A0]  }
0xf8: {  	v8 =	vadd.f32 v9, v8;
	v9 =	vld [tilespmem:$0x1FEC0]  }
0xf9: {  	v41 =	vld [tilespmem:s24+$0x140]  }
0xfa: {  	v56 =	vmov v63;
	v63 =	vld [tilespmem:s24+$0xFFFFFF00]  }
0xfb: {  	v42 =	vld [tilespmem:s24+$0x100];
	v11 =	vmul.f32 v30, v11  }
0xfc: {  	v62 =	vld [tilespmem:s24+$0xC0]  }
0xfd: {  	v0 =	vadd.f32 v11, v0;
	v11 =	vld [tilespmem:$0x1FF70];
	v9 =	vmul.f32 v30, v9  }
0xfe: {  	v38 =	vld [tilespmem:s24+$0x70]  }
0xff: {  	v8 =	vadd.f32 v9, v8;
	v9 =	vld [tilespmem:$0x1FEB0]  }
0x100: {  	v53 =	vld [tilespmem:s24+$0x150]  }
0x101: {  	v59 =	vld [tilespmem:s24+$0xFFFFFFF0]  }
0x102: {  	v54 =	vld [tilespmem:s24+$0xFFFFFF50];
	v11 =	vmul.f32 v28, v11  }
0x103: {  	v26 =	vld [tilespmem:s24+$0xB0]  }
0x104: {  	v0 =	vadd.f32 v11, v0;
	v11 =	vld [tilespmem:$0x1FF50];
	v9 =	vmul.f32 v28, v9  }
0x105: {  	v27 =	vld [tilespmem:s24+$0xE0]  }
0x106: {  	v8 =	vadd.f32 v9, v8;
	v9 =	vld [tilespmem:$0x1FE90]  }
0x107: {  	v10 =	vld [tilespmem:s24+$0x180];
	v7 =	vadd.f32 v15, v7  }
0x108: {  	v15 =	vld [tilespmem:s24+$0x160]  }
0x109: {  	v58 =	vld [tilespmem:s24+$0x90];
	v7 =	vadd.f32 v29, v7;
	v11 =	vmul.f32 v40, v11  }
0x10a: {  	v51 =	vld [tilespmem:s24+$0xFFFFFF60]  }
0x10b: {  	v7 =	vadd.f32 v18, v7;
	v0 =	vadd.f32 v11, v0;
	v11 =	vld [tilespmem:$0x1FF40];
	v9 =	vmul.f32 v40, v9  }
0x10c: {  	v55 =	vmov v57;
	v57 =	vld [tilespmem:s24+$0x80];
	v6 =	vadd.f32 v47, v6  }
0x10d: {  	v7 =	vadd.f32 v33, v7;
	v8 =	vadd.f32 v9, v8;
	v9 =	vld [tilespmem:$0x1FEA0]  }
0x10e: {  	v18 =	vld [tilespmem:s24+$0x120];
	v6 =	vadd.f32 v48, v6  }
0x10f: {  	v7 =	vadd.f32 v35, v7;
	v25 =	vld [tilespmem:s24+$0xF0]  }
0x110: {  	[tilespmem:$0x1FD70] =	vst v41;
	v47 =	vld [tilespmem:s24+$0xFFFFFFD0];
	v6 =	vadd.f32 v39, v6;
	v11 =	vmul.f32 v24, v11  }
0x111: {  	[tilespmem:$0x1FD80] =	vst v42;
	v7 =	vadd.f32 v32, v7;
	v48 =	vld [tilespmem:s24+$0xFFFFFF90]  }
0x112: {  	[tilespmem:$0x1FDA0] =	vst v62;
	v6 =	vadd.f32 v43, v6;
	v0 =	vadd.f32 v11, v0;
	v11 =	vld [tilespmem:$0x1FF30];
	v9 =	vmul.f32 v24, v9  }
0x113: {  	[tilespmem:$0x1FDC0] =	vst v58;
	v7 =	vadd.f32 v30, v7;
	v39 =	vld [tilespmem:s24+$0x110]  }
0x114: {  	[tilespmem:$0x1FE20] =	vst v54;
	v6 =	vadd.f32 v45, v6;
	v8 =	vadd.f32 v9, v8;
	v9 =	vld [tilespmem:$0x1FE80]  }
0x115: {  	v19 =	vmul.f32 v16, v16;
	v21 =	vadd.f32 v22, v21;
	[tilespmem:$0x1FF90] =	vst v59;
	v43 =	vld [tilespmem:s24+$0xD0]  }
0x116: {  	v7 =	vadd.f32 v28, v7;
	[tilespmem:$0x1FE00] =	vst v47;
	v6 =	vadd.f32 v37, v6;
	v37 =	vld [tilespmem:s24+$0x30]  }
0x117: {  	v20 =	vmul.f32 v17, v17;
	v19 =	vadd.f32 v19, v21;
	[tilespmem:$0x1FE10] =	vst v48;
	v32 =	vld [tilespmem:s24+$0xA0];
	v11 =	vmul.f32 v46, v11  }
0x118: {  	v21 =	vmul.f32 v51, v51;
	v7 =	vadd.f32 v40, v7;
	v6 =	vadd.f32 v36, v6;
	[tilespmem:$0x1FF30] =	vst v56;
	v56 =	vld [tilespmem:s24+$0xFFFFFF10]  }
0x119: {  	v54 =	vmul.f32 v54, v54;
	[tilespmem:$0x1FF60] =	vst v38;
	v0 =	vadd.f32 v11, v0;
	v11 =	vld [tilespmem:$0x1FF20];
	v9 =	vmul.f32 v46, v9  }
0x11a: {  	v7 =	vadd.f32 v24, v7;
	[tilespmem:$0x1FDB0] =	vst v43;
	v6 =	vadd.f32 v31, v6;
	v40 =	vld [tilespmem:s24+$0x40];
	v24 =	vmovc v17;
	v17 =	vmov v5  }
0x11b: {  	v33 =	vmul.f32 v57, v57;
	v28 =	vmov v15;
	[tilespmem:$0x1FF20] =	vst v17;
	v8 =	vadd.f32 v9, v8;
	v9 =	vld [tilespmem:$0x1FE70]  }
0x11c: {  	v23 =	vadd.f32 v23, v6;
	v30 =	vmovc v25;
	v5 =	vmov v27;
	v17 =	vld [tilespmem:s24+$0x20];
	[tilespmem:$0x1FE80] =	vst v28;
	v28 =	vmul.f32 v15, v28  }
0x11d: {  	v7 =	vadd.f32 v46, v7;
	[tilespmem:$0x1FE90] =	vst v5;
	v15 =	vmul.f32 v25, v30;
	v25 =	vmul.f32 v27, v5;
	v5 =	vld [tilespmem:s24+$0xFFFFFEC0]  }
0x11e: {  	v46 =	vld [tilespmem:s24+$0xFFFFFF80];
	[tilespmem:$0x1FE70] =	vst v24;
	v24 =	vmul.f32 v52, v11;
	v11 =	vmov v12;
	v12 =	vadd.f32 v60, v23  }
0x11f: {  	v48 =	vmul.f32 v48, v48;
	v45 =	vmul.f32 v47, v47;
	[tilespmem:$0x1FF40] =	vst v55;
	v60 =	vld [tilespmem:s24+$0xFFFFFF40]  }
0x120: {  	v36 =	vmul.f32 v58, v58;
	[tilespmem:$0x1FFC0] =	vst v12;
	v12 =	vld [tilespmem:s24+$0xFFFFFFB0];
	v31 =	vmul.f32 v52, v9  }
0x121: {  	v55 =	vmul.f32 v63, v63;
	[tilespmem:$0x1FE30] =	vst v56;
	v56 =	vmul.f32 v56, v56;
	v9 =	vmov v16;
	v16 =	vld [tilespmem:s24+$0x10]  }
0x122: {  	[tilespmem:$0x1FF50] =	vst v30;
	v27 =	vmul.f32 v39, v39;
	v30 =	vmul.f32 v62, v62;
	v6 =	vadd.f32 v31, v8;
	v8 =	vld [tilespmem:$0x1FD60]  }
0x123: {  	v7 =	vadd.f32 v52, v7;
	v58 =	vmul.f32 v5, v5;
	v23 =	vmul.f32 v38, v38;
	[tilespmem:$0x1FD60] =	vst v9;
	v9 =	vld [tilespmem:$0x1FF10]  }
0x124: {  	[tilespmem:$0x1FF80] =	vst v37;
	v38 =	vmul.f32 v40, v40;
	v0 =	vadd.f32 v24, v0;
	v24 =	vmul.f32 v37, v37;
	v52 =	vld [tilespmem:s24+$0xFFFFFFC0]  }
0x125: {  	v37 =	vmul.f32 v17, v17;
	v47 =	vmul.f32 v46, v46;
	[tilespmem:$0x1FF10] =	vst v11;
	v11 =	vld [tilespmem:s24+$0x50]  }
0x126: {  	v31 =	vmul.f32 v43, v43;
	[tilespmem:$0x1FDF0] =	vst v16;
	v43 =	vmul.f32 v16, v16;
	v16 =	vld [tilespmem:s24+$0xFFFFFE80]  }
0x127: {  	[tilespmem:$0x1FD90] =	vst v39;
	v49 =	vmul.f32 v60, v60;
	v8 =	vmul.f32 v50, v8  }
0x128: {  	[tilespmem:$0x1FEB0] =	vst v32;
	v39 =	vmul.f32 v12, v12;
	v9 =	vmul.f32 v50, v9  }
0x129: {  	v35 =	vld [tilespmem:s24+$0x60];
	[tilespmem:$0x1FDD0] =	vst v40;
	v44 =	vmul.f32 v52, v52;
	v6 =	vadd.f32 v8, v6;
	v8 =	vmul.f32 v41, v41  }
0x12a: {  	[tilespmem:$0x1FED0] =	vst v17;
	v40 =	vld [tilespmem:s24+$0xFFFFFE50];
	v0 =	vadd.f32 v9, v0;
	v9 =	vmul.f32 v53, v53;
	v41 =	vmul.f32 v11, v11  }
0x12b: {  	v34 =	vld [tilespmem:s24+$0x190];
	v61 =	vmovc v26;
	v29 =	vmov v18;
	v22 =	vmul.f32 v16, v16;
	[tilespmem:$0x1FFD0] =	vst v6;
	v6 =	vmul.f32 v10, v10  }
0x12c: {  	v17 =	vld [tilespmem:s24+$0xFFFFFE40];
	[tilespmem:$0x1FFE0] =	vst v0;
	v0 =	vadd.f32 v50, v7;
	v7 =	vmul.f32 v18, v29;
	v18 =	vmul.f32 v26, v61  }
0x12d: {  	[tilespmem:$0x1FEA0] =	vst v29;
	v26 =	vmul.f32 v42, v42;
	v29 =	vmul.f32 v32, v32  }
0x12e: {  	[tilespmem:$0x1FDE0] =	vst v11;
	v11 =	vld [tilespmem:s24+$0xFFFFFED0];
	v32 =	vmul.f32 v35, v35;
	v8 =	vadd.f32 v9, v8;
	v9 =	vadd.f32 v31, v30  }
0x12f: {  	[tilespmem:$0x1FF70] =	vst v61;
	v62 =	vld [tilespmem:s24+$0xFFFFFFA0];
	v30 =	vadd.f32 v41, v38;
	v31 =	vadd.f32 v36, v33;
	v33 =	vmul.f32 v40, v40  }
0x130: {  	v50 =	vld [tilespmem:s24+$0x0];
	v36 =	vadd.f32 v45, v44;
	[tilespmem:$0x1FFF0] =	vst v0;
	v0 =	vmul.f32 v34, v34;
	v26 =	vadd.f32 v27, v26  }
0x131: {  	[tilespmem:$0x1FEC0] =	vst v35;
	v61 =	vld [tilespmem:s24+$0xFFFFFE90];
	v27 =	vmul.f32 v17, v17;
	v8 =	vadd.f32 v28, v8;
	v9 =	vadd.f32 v25, v9  }
0x132: {  	[tilespmem:$0x1FFA0] =	vst v12;
	v12 =	vld [tilespmem:s24+$0xFFFFFE00];
	v35 =	vmul.f32 v59, v59;
	v29 =	vadd.f32 v29, v31;
	v0 =	vadd.f32 v0, v6  }
0x133: {  	[tilespmem:$0x1FE50] =	vst v40;
	v40 =	vld [tilespmem:s24+$0xFFFFFF20];
	v59 =	vmul.f32 v11, v11;
	v27 =	vadd.f32 v33, v27;
	v25 =	vadd.f32 v7, v26  }
0x134: {  	v44 =	vmul.f32 v62, v62;
	[tilespmem:$0x1FE40] =	vst v11;
	v11 =	vld [tilespmem:s24+$0xFFFFFE10];
	v26 =	vadd.f32 v32, v30;
	v9 =	vadd.f32 v15, v9  }
0x135: {  	[tilespmem:$0x1FEF0] =	vst v62;
	v62 =	vld [tilespmem:s24+$0xFFFFFE20];
	v18 =	vadd.f32 v18, v29;
	v42 =	vmul.f32 v50, v50;
	v45 =	vadd.f32 v59, v58  }
0x136: {  	[tilespmem:$0x1FE60] =	vst v61;
	v6 =	vmul.f32 v61, v61;
	v61 =	vld [tilespmem:s24+$0xFFFFFFE0];
	v20 =	vadd.f32 v20, v0;
	v23 =	vadd.f32 v23, v26  }
0x137: {  	v41 =	vmul.f32 v12, v12;
	v59 =	vld [tilespmem:s24+$0xFFFFFE60];
	v38 =	vadd.f32 v43, v42;
	v42 =	vadd.f32 v54, v49  }
0x138: {  	v28 =	vmul.f32 v40, v40;
	v43 =	vadd.f32 v48, v47;
	v54 =	vld [tilespmem:s24+$0xFFFFFEE0];
	v47 =	vadd.f32 v56, v55  }
0x139: {  	v56 =	vld [tilespmem:s24+$0xFFFFFEA0];
	v6 =	vadd.f32 v6, v22;
	v48 =	vmul.f32 v11, v11;
	v31 =	vadd.f32 v37, v38  }
0x13a: {  	v58 =	vld [tilespmem:s24+$0xFFFFFF30];
	v49 =	vimm.f32 $1.000000000e+00;
	v21 =	vadd.f32 v21, v42;
	v28 =	vadd.f32 v28, v47  }
0x13b: {  	[tilespmem:$0x1FF00] =	vst v40;
	v55 =	vld [tilespmem:s24+$0xFFFFFF70];
	v37 =	vperm.xlane v18, v1;
	v22 =	vmul.f32 v61, v61;
	v33 =	vadd.f32 v48, v41  }
0x13c: {  	v38 =	vld [tilespmem:s24+$0xFFFFFE70];
	v32 =	vmul.f32 v59, v59;
	v48 =	vmul.f32 v62, v62;
	v47 =	vmovc v34;
	v24 =	vadd.f32 v24, v31  }
0x13d: {  	v34 =	vmovc v13;
	v13 =	vld [tilespmem:$0x1FD00];
	v18 =	vadd.f32 v18, v37;
	v7 =	vmul.f32 v54, v54;
	v22 =	vadd.f32 v22, v36  }
0x13e: {  	[tilespmem:$0x1FEE0] =	vst v61;
	v61 =	vld [tilespmem:s24+$0xFFFFFEF0];
	v30 =	vmul.f32 v56, v56;
	v36 =	vadd.f32 v44, v43;
	v27 =	vadd.f32 v32, v27  }
0x13f: {  	v40 =	vmovc v57;
	v42 =	vadd.f32 v48, v33;
	v43 =	vmul.f32 v58, v58;
	v57 =	vadd.f32 v7, v45  }
0x140: {  	v6 =	vadd.f32 v30, v6;
	v30 =	vmul.f32 v55, v55;
	v22 =	vadd.f32 v35, v22  }
0x141: {  	v15 =	vmul.f32 v38, v38;
	v26 =	vadd.f32 v39, v36;
	v28 =	vadd.f32 v43, v28  }
0x142: {  	v35 =	vperm.xlane v9, v1;
	v39 =	vperm.xlane v24, v1;
	v19 =	vadd.f32 v13, v19;
	v13 =	vld [tilespmem:$0x1FD10]  }
0x143: {  	v44 =	vmul.f32 v61, v61;
	v21 =	vadd.f32 v30, v21;
	v15 =	vadd.f32 v15, v27  }
0x144: {  	v27 =	vperm.xlane v22, v1;
	v48 =	vperm.xlane v26, v1;
	v9 =	vadd.f32 v9, v35  }
0x145: {  	v24 =	vadd.f32 v24, v39;
	v33 =	vadd.f32 v44, v57;
	v29 =	vperm.xlane v19, v1  }
0x146: {  	v57 =	vperm.xlane v28, v1;
	v26 =	vadd.f32 v26, v48;
	v22 =	vadd.f32 v22, v27  }
0x147: {  	v32 =	vperm.xlane v21, v1;
	v19 =	vadd.f32 v19, v29;
	v8 =	vadd.f32 v13, v8;
	v13 =	vld [tilespmem:$0x1FD20]  }
0x148: {  	v0 =	vld [tilespmem:s24+$0xFFFFFEB0];
	v27 =	vadd.f32 v28, v57;
	v57 =	vperm.xlane v24, v2;
	v29 =	vperm.xlane v33, v1  }
0x149: {  	v21 =	vadd.f32 v21, v32;
	v41 =	vperm.xlane v26, v2;
	v28 =	vperm.xlane v19, v2  }
0x14a: {  	v24 =	vadd.f32 v24, v57;
	v29 =	vadd.f32 v33, v29;
	v30 =	vperm.xlane v8, v1  }
0x14b: {  	v45 =	vmovc v10;
	v44 =	vperm.xlane v21, v2;
	v26 =	vadd.f32 v26, v41;
	v19 =	vadd.f32 v19, v28  }
0x14c: {  	v10 =	vmovc v14;
	v7 =	vld [tilespmem:s24+$0xFFFFFE30];
	v28 =	vperm.xlane v27, v2;
	v8 =	vadd.f32 v8, v30;
	v14 =	vadd.f32 v13, v20  }
0x14d: {  	v21 =	vadd.f32 v21, v44;
	v20 =	vmul.f32 v0, v0;
	v13 =	vld [tilespmem:$0x1FD30];
	v57 =	vperm.xlane v19, v3  }
0x14e: {  	v27 =	vadd.f32 v27, v28;
	v32 =	vperm.xlane v8, v2;
	v31 =	vperm.xlane v14, v1  }
0x14f: {  	v6 =	vadd.f32 v20, v6;
	v20 =	vperm.xlane v23, v1;
	v33 =	vadd.f32 v19, v57  }
0x150: {  	v41 =	vperm.xlane v27, v3;
	v8 =	vadd.f32 v8, v32;
	v14 =	vadd.f32 v14, v31  }
0x151: {  	v30 =	vperm.xlane v6, v1;
	v31 =	vperm.xlane v15, v1;
	v20 =	vadd.f32 v23, v20  }
0x152: {  	v13 =	vadd.f32 v13, v25;
	v25 =	vmul.f32 v7, v7;
	v48 =	vperm.xlane v14, v2  }
0x153: {  	v6 =	vadd.f32 v6, v30;
	v30 =	vperm.xlane v9, v2;
	v15 =	vadd.f32 v15, v31  }
0x154: {  	v31 =	vperm.xlane v20, v2;
	v36 =	vperm.xlane v13, v1;
	v25 =	vadd.f32 v25, v42  }
0x155: {  	v14 =	vadd.f32 v14, v48;
	v48 =	vperm.xlane v29, v2;
	v9 =	vadd.f32 v9, v30  }
0x156: {  	v30 =	vperm.xlane v6, v2;
	v20 =	vadd.f32 v20, v31;
	v31 =	vperm.xlane v15, v2  }
0x157: {  	v13 =	vadd.f32 v13, v36;
	v23 =	vperm.xlane v25, v1;
	v36 =	vperm.xlane v18, v2  }
0x158: {  	v28 =	vperm.xlane v14, v3;
	v29 =	vadd.f32 v29, v48;
	v6 =	vadd.f32 v6, v30  }
0x159: {  	v15 =	vadd.f32 v15, v31;
	v31 =	vperm.xlane v24, v3;
	v37 =	vperm.xlane v20, v3  }
0x15a: {  	v48 =	vperm.xlane v21, v3;
	v35 =	vperm.xlane v13, v2;
	v23 =	vadd.f32 v25, v23  }
0x15b: {  	v25 =	vperm.xlane v22, v2;
	v18 =	vadd.f32 v18, v36;
	v36 =	vperm.xlane v9, v3  }
0x15c: {  	v57 =	vperm.xlane v29, v3;
	v14 =	vadd.f32 v14, v28;
	v13 =	vadd.f32 v13, v35  }
0x15d: {  	v22 =	vadd.f32 v22, v25;
	v25 =	vperm.xlane v23, v2;
	v35 =	vperm.xlane v8, v3  }
0x15e: {  	v28 =	vperm.xlane v6, v3;
	v30 =	vperm.xlane v18, v3;
	v9 =	vadd.f32 v9, v36  }
0x15f: {  	v32 =	vperm.xlane v13, v3;
	v23 =	vadd.f32 v23, v25;
	v8 =	vadd.f32 v8, v35  }
0x160: {  	v25 =	vperm.xlane v26, v3;
	v35 =	vadd.f32 v20, v37;
	v36 =	vadd.f32 v18, v30  }
0x161: {  	v39 =	vperm.xlane v22, v3;
	v20 =	vadd.f32 v21, v48;
	v21 =	vadd.f32 v27, v41  }
0x162: {  	v27 =	vperm.xlane v9, v4;
	v13 =	vadd.f32 v13, v32;
	v32 =	vperm.xlane v15, v3  }
0x163: {  	v18 =	vperm.xlane v23, v3;
	v37 =	vadd.f32 v22, v39;
	v39 =	vadd.f32 v24, v31  }
0x164: {  	v19 =	vadd.f32 v26, v25;
	v22 =	vperm.xlane v33, v4;
	v26 =	vperm.xlane v8, v4  }
0x165: {  	v25 =	vperm.xlane v14, v4;
	v24 =	vadd.f32 v29, v57;
	v41 =	vperm.xlane v35, v4  }
0x166: {  	v42 =	vperm.xlane v36, v4;
	v29 =	vperm.xlane v20, v4;
	v18 =	vadd.f32 v23, v18  }
0x167: {  	v6 =	vadd.f32 v6, v28;
	v31 =	vperm.xlane v13, v4;
	v48 =	vperm.xlane v37, v4  }
0x168: {  	v15 =	vadd.f32 v15, v32;
	v23 =	vadd.f32 v14, v25;
	v30 =	vperm.xlane v18, v4  }
0x169: {  	v25 =	vadd.f32 v33, v22;
	v22 =	vadd.f32 v8, v26;
	v26 =	vperm.xlane v6, v4  }
0x16a: {  	p0 =	sne.s32 s26, $0x300;
	v57 =	vperm.xlane v39, v4;
	v14 =	vadd.f32 v9, v27;
	v18 =	vadd.f32 v18, v30  }
.Ltmp2:
0x16b: {  	v32 =	vperm.xlane v15, v4;
	v13 =	vadd.f32 v13, v31;
	v31 =	vadd.f32 v6, v26;
	(pc) =	sbr.rel @p0 .LBB2_3-.Ltmp2, $4  }
0x16c: {  	v28 =	vperm.xlane v19, v4;
	v26 =	vadd.f32 v37, v48;
	v8 =	vsub.f32 $1.000000000e+00, v18  }
0x16d: {  	v33 =	vperm.xlane v24, v4;
	v27 =	vadd.f32 v39, v57;
	v9 =	vadd.f32 v15, v32  }
0x16e: {  	v43 =	vld [tilespmem:$0x1FD50];
	v30 =	vperm.xlane v21, v4;
	v15 =	vadd.f32 v36, v42;
	v8 =	vmax.f32 v8, $1.000000000e-15  }
0x16f: {  	s25 =	smov.u32 s26;
	s26 =	sadd.s32 $0x40, s26;
	v42 =	vld [tilespmem:$0x1FD40];
	v18 =	vadd.f32 v35, v41;
	v32 =	vsub.f32 $1.000000000e+00, v9;
	(erf) = vrcp.f32 v8  }
0x170: {  	v6 =	vadd.f32 v24, v33  }
0x171: {  	v9 =	vsub.f32 $1.000000000e+00, v31;
	v8 =	vmax.f32 v32, $1.000000000e-15  }
0x172: {  	(erf) = vrcp.f32 v8;
	v8 =	vadd.f32 v21, v30;
	v6 =	vsub.f32 $1.000000000e+00, v6  }
0x173: {  	v20 =	vadd.f32 v20, v29;
	v9 =	vmax.f32 v9, $1.000000000e-15;
	v21 =	vsub.f32 $1.000000000e+00, v25  }
0x174: {  	(erf) = vrcp.f32 v9;
	v6 =	vmax.f32 v6, $1.000000000e-15;
	v8 =	vsub.f32 $1.000000000e+00, v8  }
0x175: {  	v9 =	vmax.f32 v21, $1.000000000e-15;
	(erf) = vrcp.f32 v6;
	v6 =	vsub.f32 $1.000000000e+00, v23  }
0x176: {  	(erf) = vrcp.f32 v9;
	v8 =	vmax.f32 v8, $1.000000000e-15;
	v9 =	vsub.f32 $1.000000000e+00, v20  }
0x177: {  	(erf) = vrcp.f32 v8;
	v6 =	vmax.f32 v6, $1.000000000e-15  }
0x178: {  	(erf) = vrcp.f32 v6;
	v6 =	vsub.f32 $1.000000000e+00, v22;
	v8 =	vmax.f32 v9, $1.000000000e-15;
	_ =	sdelay $0x1  }
0x179: {  	v19 =	vadd.f32 v19, v28;
	v6 =	vmax.f32 v6, $1.000000000e-15  }
0x17a: {  	(erf) = vrcp.f32 v8;
	v8 =	vpop (erf)  }
0x17b: {  	v9 =	vsub.f32 $1.000000000e+00, v19;
	v8 =	vadd.f32 v8, v8  }
0x17c: {  	(erf) = vrcp.f32 v6;
	v6 =	vpop (erf)  }
0x17d: {  	v9 =	vmax.f32 v9, $1.000000000e-15;
	v12 =	vmul.f32 v8, v12;
	v6 =	vadd.f32 v6, v6  }
0x17e: {  	(erf) = vrcp.f32 v9  }
0x17f: {  	v9 =	vsub.f32 $1.000000000e+00, v26;
	v19 =	vpop (erf);
	v10 =	vadd.f32 v12, v10;
	v12 =	vmul.f32 v6, v17  }
0x180: {  	v17 =	vadd.f32 v19, v19;
	v19 =	vsub.f32 $1.000000000e+00, v27;
	_ =	sdelay $0x1  }
0x181: {  	v9 =	vmax.f32 v9, $1.000000000e-15  }
0x182: {  	(erf) = vrcp.f32 v9;
	v9 =	vadd.f32 v12, v10;
	v10 =	vmul.f32 v17, v16;
	v12 =	vpop (erf)  }
0x183: {  	v18 =	vsub.f32 $1.000000000e+00, v18;
	v16 =	vmax.f32 v19, $1.000000000e-15;
	v12 =	vadd.f32 v12, v12;
	v19 =	vpop (erf)  }
0x184: {  	(erf) = vrcp.f32 v16;
	v9 =	vadd.f32 v10, v9;
	v10 =	vsub.f32 $1.000000000e+00, v15;
	v15 =	vpop (erf)  }
0x185: {  	v16 =	vmax.f32 v18, $1.000000000e-15;
	v5 =	vmul.f32 v12, v5;
	v15 =	vadd.f32 v15, v15  }
0x186: {  	v10 =	vmax.f32 v10, $1.000000000e-15  }
0x187: {  	v5 =	vadd.f32 v5, v9;
	v9 =	vmul.f32 v15, v63  }
0x188: {  	v13 =	vsub.f32 $1.000000000e+00, v13;
	(erf) = vrcp.f32 v16;
	v16 =	vpop (erf)  }
0x189: {  	v14 =	vsub.f32 $1.000000000e+00, v14;
	(erf) = vrcp.f32 v10;
	v10 =	vpop (erf)  }
0x18a: {  	v13 =	vmax.f32 v13, $1.000000000e-15;
	v10 =	vadd.f32 v10, v10;
	v18 =	vpop (erf)  }
0x18b: {  	v14 =	vmax.f32 v14, $1.000000000e-15;
	v5 =	vadd.f32 v9, v5;
	v9 =	vpop (erf)  }
0x18c: {  	(erf) = vrcp.f32 v14;
	v14 =	vmul.f32 v10, v60;
	v9 =	vadd.f32 v9, v9  }
0x18d: {  	(erf) = vrcp.f32 v13;
	v13 =	vpop (erf)  }
0x18e: {  	v5 =	vadd.f32 v14, v5;
	v13 =	vadd.f32 v13, v13;
	v14 =	vmul.f32 v9, v46  }
0x18f: {  	v20 =	vpop (erf)  }
0x190: {  	v20 =	vadd.f32 v20, v20;
	v5 =	vadd.f32 v14, v5;
	v14 =	vmul.f32 v13, v52  }
0x191: {  	v28 =	vmul.f32 v8, v11;
	v11 =	vld [tilespmem:$0x1FFC0]  }
0x192: {  	v5 =	vadd.f32 v14, v5;
	v14 =	vmul.f32 v20, v50;
	_ =	sdelay $0x1  }
0x193: {  	v5 =	vadd.f32 v14, v5;
	v14 =	vld [tilespmem:$0x1FDD0];
	_ =	sdelay $0x1  }
0x194: {  	v28 =	vadd.f32 v28, v11;
	v11 =	vld [tilespmem:$0x1FDC0];
	v21 =	vpop (erf)  }
0x195: {  	v21 =	vadd.f32 v21, v21  }
0x196: {  	v22 =	vpop (erf)  }
0x197: {  	v22 =	vadd.f32 v22, v22;
	v14 =	vmul.f32 v21, v14;
	_ =	sdelay $0x1  }
0x198: {  	v23 =	vpop (erf);
	v30 =	vmul.f32 v22, v11;
	v11 =	vld [tilespmem:$0x1FFD0];
	v5 =	vadd.f32 v14, v5;
	v14 =	vmul.f32 v22, v40  }
0x199: {  	v24 =	vpop (erf)  }
0x19a: {  	v5 =	vadd.f32 v14, v5;
	v14 =	vadd.f32 v24, v24;
	v24 =	vld [tilespmem:$0x1FDA0]  }
0x19b: {  	v29 =	vmul.f32 v8, v62;
	_ =	sdelay $0x1  }
0x19c: {  	v23 =	vadd.f32 v23, v23;
	v29 =	vadd.f32 v29, v11;
	v11 =	vld [tilespmem:$0x1FDB0];
	_ =	sdelay $0x1  }
0x19d: {  	v24 =	vmul.f32 v23, v24;
	_ =	sdelay $0x1  }
0x19e: {  	v5 =	vadd.f32 v24, v5;
	v24 =	vld [tilespmem:$0x1FD80]  }
0x19f: {  	v31 =	vmul.f32 v23, v11;
	v11 =	vld [tilespmem:$0x1FDF0];
	_ =	sdelay $0x3  }
0x1a0: {  	v24 =	vmul.f32 v14, v24  }
0x1a1: {  	v63 =	vmul.f32 v20, v11;
	v11 =	vld [tilespmem:$0x1FFE0]  }
0x1a2: {  	v5 =	vadd.f32 v24, v5;
	v24 =	vld [tilespmem:$0x1FD70];
	_ =	sdelay $0x1  }
0x1a3: {  	v7 =	vmul.f32 v8, v7  }
0x1a4: {  	v18 =	vadd.f32 v18, v18  }
0x1a5: {  	v37 =	vmul.f32 v6, v38;
	v7 =	vadd.f32 v7, v11  }
0x1a6: {  	v16 =	vadd.f32 v16, v16;
	v24 =	vmul.f32 v18, v24  }
0x1a7: {  	v0 =	vmul.f32 v17, v0;
	v7 =	vadd.f32 v37, v7  }
0x1a8: {  	v35 =	vld [tilespmem:$0x1FFF0];
	v19 =	vadd.f32 v19, v19;
	v5 =	vadd.f32 v24, v5;
	v24 =	vmul.f32 v16, v45  }
0x1a9: {  	v0 =	vadd.f32 v0, v7  }
0x1aa: {  	v7 =	vmul.f32 v12, v61;
	v5 =	vadd.f32 v24, v5;
	v24 =	vmul.f32 v19, v42;
	v42 =	vld [tilespmem:$0x1FE50];
	_ =	sdelay $0x1  }
0x1ab: {  	v46 =	vld [tilespmem:$0x1FE60];
	v0 =	vadd.f32 v7, v0;
	v7 =	vmul.f32 v15, v58  }
0x1ac: {  	v8 =	vadd.f32 v8, v35  }
0x1ad: {  	v0 =	vadd.f32 v7, v0;
	v7 =	vmul.f32 v10, v55  }
0x1ae: {  	v36 =	vmul.f32 v6, v59;
	v33 =	vmul.f32 v6, v42;
	v6 =	vadd.f32 v6, v8  }
0x1af: {  	v0 =	vadd.f32 v7, v0;
	v7 =	vld [tilespmem:$0x1FFA0]  }
0x1b0: {  	v39 =	vmul.f32 v17, v56;
	v38 =	vmul.f32 v17, v46;
	v6 =	vadd.f32 v17, v6;
	v17 =	vld [tilespmem:$0x1FF00]  }
0x1b1: {  	v48 =	vld [tilespmem:$0x1FE40];
	v29 =	vadd.f32 v36, v29;
	_ =	sdelay $0x1  }
0x1b2: {  	v8 =	vadd.f32 v39, v29;
	v29 =	vmul.f32 v12, v54  }
0x1b3: {  	v7 =	vmul.f32 v9, v7  }
0x1b4: {  	v8 =	vadd.f32 v29, v8;
	v17 =	vmul.f32 v15, v17  }
0x1b5: {  	v26 =	vmul.f32 v16, v47;
	v40 =	vmul.f32 v12, v48;
	v0 =	vadd.f32 v7, v0;
	v7 =	vld [tilespmem:$0x1FF90]  }
0x1b6: {  	v47 =	vld [tilespmem:$0x1FE20];
	v6 =	vadd.f32 v12, v6;
	v12 =	vmul.f32 v10, v51;
	v8 =	vadd.f32 v17, v8  }
0x1b7: {  	v25 =	vmul.f32 v19, v43;
	v43 =	vld [tilespmem:$0x1FE10]  }
0x1b8: {  	v8 =	vadd.f32 v12, v8;
	v12 =	vld [tilespmem:$0x1FEF0]  }
0x1b9: {  	v6 =	vadd.f32 v15, v6  }
0x1ba: {  	v7 =	vmul.f32 v13, v7  }
0x1bb: {  	v37 =	vmul.f32 v10, v47;
	v6 =	vadd.f32 v10, v6;
	v10 =	vld [tilespmem:$0x1FEE0]  }
0x1bc: {  	v0 =	vadd.f32 v7, v0;
	v7 =	vld [tilespmem:$0x1FF80]  }
0x1bd: {  	v35 =	vmul.f32 v9, v43;
	v6 =	vadd.f32 v9, v6;
	v12 =	vmul.f32 v9, v12;
	v9 =	vld [tilespmem:$0x1FED0];
	_ =	sdelay $0x2  }
0x1be: {  	v10 =	vmul.f32 v13, v10;
	v8 =	vadd.f32 v12, v8  }
0x1bf: {  	v7 =	vmul.f32 v20, v7  }
0x1c0: {  	v8 =	vadd.f32 v10, v8;
	v9 =	vmul.f32 v20, v9  }
0x1c1: {  	v0 =	vadd.f32 v7, v0;
	v7 =	vld [tilespmem:$0x1FF60]  }
0x1c2: {  	v8 =	vadd.f32 v9, v8;
	v9 =	vld [tilespmem:$0x1FEC0];
	_ =	sdelay $0x3  }
0x1c3: {  	v7 =	vmul.f32 v21, v7  }
0x1c4: {  	v9 =	vmul.f32 v21, v9  }
0x1c5: {  	v0 =	vadd.f32 v7, v0;
	v7 =	vld [tilespmem:$0x1FF70]  }
0x1c6: {  	v8 =	vadd.f32 v9, v8;
	v9 =	vld [tilespmem:$0x1FEB0];
	_ =	sdelay $0x3  }
0x1c7: {  	v7 =	vmul.f32 v22, v7  }
0x1c8: {  	v9 =	vmul.f32 v22, v9  }
0x1c9: {  	v0 =	vadd.f32 v7, v0;
	v7 =	vld [tilespmem:$0x1FF50]  }
0x1ca: {  	v8 =	vadd.f32 v9, v8;
	v9 =	vld [tilespmem:$0x1FE90];
	_ =	sdelay $0x3  }
0x1cb: {  	v45 =	vld [tilespmem:$0x1FE30];
	v7 =	vmul.f32 v23, v7  }
0x1cc: {  	v28 =	vadd.f32 v33, v28;
	v9 =	vmul.f32 v23, v9  }
0x1cd: {  	v0 =	vadd.f32 v7, v0;
	v7 =	vld [tilespmem:$0x1FF40]  }
0x1ce: {  	v28 =	vadd.f32 v38, v28;
	v8 =	vadd.f32 v9, v8;
	v9 =	vld [tilespmem:$0x1FEA0];
	_ =	sdelay $0x1  }
0x1cf: {  	v36 =	vmul.f32 v15, v45;
	v28 =	vadd.f32 v40, v28  }
0x1d0: {  	v44 =	vld [tilespmem:$0x1FE00]  }
0x1d1: {  	v28 =	vadd.f32 v36, v28;
	v7 =	vmul.f32 v14, v7  }
0x1d2: {  	v11 =	vld [tilespmem:$0x1FDE0];
	v9 =	vmul.f32 v14, v9  }
0x1d3: {  	v17 =	vadd.f32 v37, v28;
	v0 =	vadd.f32 v7, v0;
	v7 =	vld [tilespmem:$0x1FF30]  }
0x1d4: {  	v8 =	vadd.f32 v9, v8;
	v9 =	vld [tilespmem:$0x1FE80]  }
0x1d5: {  	v33 =	vmul.f32 v13, v44;
	v15 =	vadd.f32 v35, v17;
	_ =	sdelay $0x1  }
0x1d6: {  	v12 =	vadd.f32 v33, v15  }
0x1d7: {  	v7 =	vmul.f32 v18, v7  }
0x1d8: {  	v27 =	vld [tilespmem:$0x1FD90];
	v11 =	vmul.f32 v21, v11;
	v10 =	vadd.f32 v63, v12;
	v9 =	vmul.f32 v18, v9  }
0x1d9: {  	v6 =	vadd.f32 v13, v6;
	v0 =	vadd.f32 v7, v0;
	v7 =	vld [tilespmem:$0x1FF20]  }
0x1da: {  	v10 =	vadd.f32 v11, v10;
	v8 =	vadd.f32 v9, v8;
	v9 =	vld [tilespmem:$0x1FE70]  }
0x1db: {  	v6 =	vadd.f32 v20, v6;
	v11 =	vld [tilespmem:$0x1FFB0]  }
0x1dc: {  	v10 =	vadd.f32 v30, v10  }
0x1dd: {  	v6 =	vadd.f32 v21, v6  }
0x1de: {  	v27 =	vmul.f32 v14, v27;
	v10 =	vadd.f32 v31, v10;
	v7 =	vmul.f32 v16, v7  }
0x1df: {  	v5 =	vadd.f32 v25, v5;
	v6 =	vadd.f32 v22, v6;
	v9 =	vmul.f32 v16, v9  }
0x1e0: {  	v25 =	vmul.f32 v18, v53;
	v10 =	vadd.f32 v27, v10;
	v0 =	vadd.f32 v7, v0;
	v7 =	vld [tilespmem:$0x1FF10]  }
0x1e1: {  	v6 =	vadd.f32 v23, v6;
	v8 =	vadd.f32 v9, v8;
	v9 =	vld [tilespmem:$0x1FD60]  }
0x1e2: {  	s24 =	sshra.s32 s25, $0x2;
	v10 =	vadd.f32 v25, v10  }
0x1e3: {  	v6 =	vadd.f32 v14, v6;
	v11 =	vld.idx.msk [tilespmem:v11+s24+$0x0 ss:$0x1], $0xffff  }
0x1e4: {  	v10 =	vadd.f32 v26, v10  }
0x1e5: {  	s26 =	sshll.u32 s22, $0x7;
	v6 =	vadd.f32 v18, v6;
	v7 =	vmul.f32 v19, v7  }
0x1e6: {  	s24 =	sand.u32 $0x3FFFFF80, s26;
	v10 =	vadd.f32 v24, v10;
	v9 =	vmul.f32 v19, v9  }
0x1e7: {  	v6 =	vadd.f32 v16, v6;
	[tilespmem:s24+$0xD000] =	vst v5;
	v0 =	vadd.f32 v7, v0  }
0x1e8: {  	vm0 =	veq.s32 v11, $0x0;
	[tilespmem:s24+$0xD010] =	vst v10;
	v8 =	vadd.f32 v9, v8  }
0x1e9: {  	s29 =	sshll.u32 s22, $0x6;
	v6 =	vadd.f32 v19, v6;
	v5 =	vsel vm0, $0x0, v49;
	[tilespmem:s24+$0xD030] =	vst v0  }
0x1ea: {  	s30 =	sand.u32 $0x3FFFFFC0, s29;
	v5 =	vadd.f32 v5, v34;
	[tilespmem:s24+$0xD020] =	vst v8  }
0x1eb: {  	p0 =	seq.s32 s22, $0x3F;
	[tilespmem:s30+$0xF000] =	vst v6  }
0x1ec: {  	s25 =	simm.s32 @!p0 $0x68;
	s26 =	simm.s32 @!p0 $0x6800;
	s24 =	sadd.s32 @!p0 $0x1A0, s23;
	[tilespmem:s30+$0xF010] =	vst v5  }
0x1ed: {  	[tilespmem:s26], [sflag:$0x1] =	stream.indirect.gather @!p0 [hbm4b:s3+s25], $0x40, s24, s25, $0xb8;
	[tilespmem:$0x10000] =	vst v63  }
0x1ee: {  	s24 =	sadd.s32 @!p0 $0x208, s23;
	s26 =	simm.s32 @!p0 $0x8200  }
0x1ef: {  	[tilespmem:s26], [sflag:$0x1] =	stream.indirect.gather @!p0 [hbm4b:s3+s25], $0x40, s24, s25, $0xb8;
	[tilespmem:$0x10000] =	vst v63  }
0x1f0: {  	_ =	swait.ge [sflag:s16], $0x1A00  }
0x1f1: {  	[sflag:s16] =	ssyncset.done $0x0  }
0x1f2: {  	[sflag:s16] =	ssyncadd.s32 $0xFFFFE600  }
0x1f3: {  	_ =	swait.ge [sflag:s16], $0x1A00  }
0x1f4: {  	[sflag:s16] =	ssyncset.done $0x0  }
0x1f5: {  	s24 =	simm.s32 $0x9E00;
	[sflag:s16] =	ssyncadd.s32 $0xFFFFE600  }
0x1f6: {  	v30 =	vld [tilespmem:s24+$0x1F0]  }
0x1f7: {  	v31 =	vld [tilespmem:s24+$0x1B0]  }
0x1f8: {  	v0 =	vld [tilespmem:s24+$0x1E0]  }
0x1f9: {  	v33 =	vld [tilespmem:s24+$0x170]  }
0x1fa: {  	v32 =	vld [tilespmem:s24+$0x1A0]  }
0x1fb: {  	v44 =	vld [tilespmem:s24+$0x1C0]  }
0x1fc: {  	v42 =	vld [tilespmem:s24+$0x1D0]  }
0x1fd: {  	v34 =	vld [tilespmem:s24+$0x160]  }
0x1fe: {  	v53 =	vld [tilespmem:s24+$0x180]  }
0x1ff: {  	v43 =	vld [tilespmem:s24+$0x190]  }
0x200: {  	v37 =	vld [tilespmem:s24+$0xF0]  }
0x201: {  	v36 =	vld [tilespmem:s24+$0x120]  }
0x202: {  	v61 =	vld [tilespmem:s24+$0x140]  }
0x203: {  	v45 =	vld [tilespmem:s24+$0x150]  }
0x204: {  	v40 =	vld [tilespmem:s24+$0xE0]  }
0x205: {  	v11 =	vld [tilespmem:s24+$0x100]  }
0x206: {  	v47 =	vld [tilespmem:s24+$0x110]  }
0x207: {  	v38 =	vld [tilespmem:s24+$0xA0]  }
0x208: {  	v15 =	vld [tilespmem:s24+$0xC0]  }
0x209: {  	v51 =	vld [tilespmem:s24+$0xD0]  }
0x20a: {  	v17 =	vld [tilespmem:s24+$0x80]  }
0x20b: {  	v62 =	vld [tilespmem:s24+$0x90]  }
0x20c: {  	v46 =	vld [tilespmem:s24+$0x40]  }
0x20d: {  	v12 =	vld [tilespmem:s24+$0x50]  }
0x20e: {  	v52 =	vld [tilespmem:s24+$0x0]  }
0x20f: {  	v13 =	vld [tilespmem:s24+$0x10]  }
0x210: {  	v57 =	vld [tilespmem:s24+$0xFFFFFFC0]  }
0x211: {  	v18 =	vld [tilespmem:s24+$0xFFFFFFD0];
	[tilespmem:$0x1FA70] =	vst v0;
	v0 =	vmul.f32 v0, v0  }
0x212: {  	v58 =	vld [tilespmem:s24+$0xFFFFFF80];
	v5 =	vmul.f32 v44, v44;
	v6 =	vmul.f32 v42, v42  }
0x213: {  	v27 =	vld [tilespmem:s24+$0xFFFFFF90];
	v7 =	vmul.f32 v53, v53;
	v8 =	vmul.f32 v43, v43  }
0x214: {  	v28 =	vld [tilespmem:s24+$0xFFFFFF40];
	v9 =	vmul.f32 v61, v61;
	v10 =	vmul.f32 v45, v45  }
0x215: {  	v29 =	vld [tilespmem:s24+$0xFFFFFF50];
	[tilespmem:$0x1FA80] =	vst v11;
	v11 =	vmul.f32 v11, v11;
	v14 =	vmul.f32 v47, v47  }
0x216: {  	v60 =	vld [tilespmem:s24+$0xFFFFFF00];
	[tilespmem:$0x1FA90] =	vst v15;
	v15 =	vmul.f32 v15, v15;
	v16 =	vmul.f32 v51, v51  }
0x217: {  	v48 =	vld [tilespmem:s24+$0xFFFFFF10];
	[tilespmem:$0x1FAA0] =	vst v17;
	v17 =	vmul.f32 v17, v17;
	v19 =	vmul.f32 v62, v62  }
0x218: {  	v50 =	vld [tilespmem:s24+$0xFFFFFEC0];
	v20 =	vmul.f32 v46, v46;
	v21 =	vmul.f32 v12, v12  }
0x219: {  	v41 =	vld [tilespmem:s24+$0xFFFFFE80];
	v22 =	vmul.f32 v52, v52;
	v23 =	vmul.f32 v13, v13  }
0x21a: {  	v55 =	vld [tilespmem:s24+$0xFFFFFE90];
	[tilespmem:$0x1FAB0] =	vst v12;
	v24 =	vmul.f32 v57, v57;
	v25 =	vmul.f32 v18, v18  }
0x21b: {  	v63 =	vld [tilespmem:s24+$0xFFFFFE50];
	v26 =	vmul.f32 v58, v58;
	[tilespmem:$0x1FAE0] =	vst v27;
	v27 =	vmul.f32 v27, v27  }
0x21c: {  	v39 =	vld [tilespmem:s24+$0xFFFFFE10];
	[tilespmem:$0x1FAF0] =	vst v28;
	v28 =	vmul.f32 v28, v28;
	v5 =	vadd.f32 v6, v5;
	v9 =	vadd.f32 v10, v9  }
0x21d: {  	v12 =	vld [tilespmem:s24+$0xFFFFFED0];
	[tilespmem:$0x1FB00] =	vst v29;
	v29 =	vmul.f32 v29, v29;
	v7 =	vadd.f32 v8, v7;
	v8 =	vadd.f32 v16, v15  }
0x21e: {  	[tilespmem:$0x1FAD0] =	vst v18;
	v18 =	vld [tilespmem:s24+$0xFFFFFE40];
	v6 =	vmul.f32 v60, v60;
	v11 =	vadd.f32 v14, v11;
	v14 =	vadd.f32 v21, v20  }
0x21f: {  	v59 =	vld [tilespmem:s24+$0x60];
	v10 =	vmul.f32 v48, v48;
	v16 =	vadd.f32 v19, v17;
	v19 =	vadd.f32 v25, v24  }
0x220: {  	[tilespmem:$0x1FAC0] =	vst v13;
	v13 =	vld [tilespmem:s24+$0xFFFFFE00];
	v15 =	vmul.f32 v50, v50;
	v20 =	vadd.f32 v23, v22;
	v22 =	vadd.f32 v29, v28  }
0x221: {  	v23 =	vadd.f32 v27, v26;
	v24 =	vmul.f32 v63, v63;
	v29 =	vld [tilespmem:s24+$0xFFFFFF60];
	v25 =	vmul.f32 v39, v39  }
0x222: {  	v54 =	vld [tilespmem:s24+$0x20];
	v26 =	vmul.f32 v34, v34;
	v0 =	vadd.f32 v0, v5;
	v5 =	vmul.f32 v40, v40  }
0x223: {  	[tilespmem:$0x1FB20] =	vst v50;
	v50 =	vld [tilespmem:s24+$0xFFFFFF20];
	v6 =	vadd.f32 v10, v6;
	v17 =	vmul.f32 v12, v12;
	v21 =	vmul.f32 v18, v18  }
0x224: {  	v10 =	vmul.f32 v55, v55;
	[tilespmem:$0x1FB30] =	vst v12;
	v12 =	vld [tilespmem:s24+$0xFFFFFFE0];
	v5 =	vadd.f32 v5, v8;
	v8 =	vmul.f32 v38, v38  }
0x225: {  	v56 =	vld [tilespmem:s24+$0xFFFFFE20];
	v15 =	vadd.f32 v17, v15;
	v17 =	vmul.f32 v41, v41;
	v21 =	vadd.f32 v24, v21  }
0x226: {  	[tilespmem:$0x1FB10] =	vst v48;
	v27 =	vld [tilespmem:s24+$0xFFFFFFA0];
	v24 =	vmul.f32 v13, v13;
	v16 =	vadd.f32 v8, v16;
	v8 =	vmul.f32 v29, v29  }
0x227: {  	[tilespmem:$0x1FB40] =	vst v63;
	v63 =	vld [tilespmem:s24+$0xFFFFFEE0];
	v9 =	vadd.f32 v26, v9;
	v10 =	vadd.f32 v10, v17;
	v17 =	vmul.f32 v32, v32  }
0x228: {  	[tilespmem:$0x1FBA0] =	vst v36;
	v48 =	vld [tilespmem:s24+$0xFFFFFEA0];
	v24 =	vadd.f32 v25, v24;
	v22 =	vadd.f32 v8, v22;
	v8 =	vmul.f32 v50, v50  }
0x229: {  	v26 =	vmul.f32 v12, v12;
	v7 =	vadd.f32 v17, v7;
	v17 =	vmul.f32 v36, v36;
	v36 =	vmovc v59;
	v59 =	vld [tilespmem:s24+$0xFFFFFE60]  }
0x22a: {  	[tilespmem:$0x1FBE0] =	vst v29;
	v29 =	vld [tilespmem:s24+$0x70];
	v25 =	vmul.f32 v36, v36;
	v6 =	vadd.f32 v8, v6;
	v8 =	vmul.f32 v56, v56  }
0x22b: {  	[tilespmem:$0x1FB60] =	vst v39;
	v39 =	vld [tilespmem:s24+$0xFFFFFF70];
	v19 =	vadd.f32 v26, v19;
	v11 =	vadd.f32 v17, v11;
	v17 =	vmul.f32 v54, v54  }
0x22c: {  	v35 =	vld [tilespmem:s24+$0x130];
	[tilespmem:$0x1FB70] =	vst v32;
	v14 =	vadd.f32 v25, v14;
	v25 =	vmul.f32 v63, v63;
	v24 =	vadd.f32 v8, v24  }
0x22d: {  	[tilespmem:$0x1FB80] =	vst v34;
	v28 =	vld [tilespmem:s24+$0xB0];
	v8 =	vmul.f32 v31, v31;
	v17 =	vadd.f32 v17, v20;
	v20 =	vmul.f32 v27, v27  }
0x22e: {  	[tilespmem:$0x1FBF0] =	vst v27;
	v32 =	vld [tilespmem:s24+$0x30];
	v27 =	vmul.f32 v37, v37;
	v26 =	vmul.f32 v59, v59;
	v15 =	vadd.f32 v25, v15  }
0x22f: {  	v34 =	vld [tilespmem:s24+$0xFFFFFFB0];
	[tilespmem:$0x1FBD0] =	vst v12;
	v25 =	vmul.f32 v33, v33;
	v7 =	vadd.f32 v8, v7;
	v8 =	vmul.f32 v29, v29  }
0x230: {  	v12 =	vld [tilespmem:s24+$0xFFFFFFF0];
	[tilespmem:$0x1FC50] =	vst v29;
	v29 =	vmul.f32 v39, v39;
	v20 =	vadd.f32 v20, v23;
	v23 =	vmul.f32 v48, v48  }
0x231: {  	[tilespmem:$0x1FB50] =	vst v55;
	v55 =	vld [tilespmem:s24+$0xFFFFFF30];
	v21 =	vadd.f32 v26, v21;
	v26 =	vmul.f32 v35, v35;
	v9 =	vadd.f32 v25, v9  }
0x232: {  	v25 =	vadd.f32 v27, v5;
	v5 =	vld [tilespmem:s24+$0xFFFFFE70];
	v10 =	vadd.f32 v23, v10;
	v23 =	vmul.f32 v30, v30  }
0x233: {  	[tilespmem:$0x1FBC0] =	vst v54;
	v54 =	vld [tilespmem:s24+$0xFFFFFEF0];
	v14 =	vadd.f32 v8, v14;
	v27 =	vmul.f32 v32, v32;
	v22 =	vadd.f32 v29, v22  }
0x234: {  	v11 =	vadd.f32 v26, v11;
	v26 =	vmul.f32 v28, v28;
	v23 =	vadd.f32 v23, v0;
	v0 =	vld [tilespmem:s24+$0xFFFFFEB0]  }
0x235: {  	[tilespmem:$0x1FC60] =	vst v28;
	v8 =	vld [tilespmem:s24+$0xFFFFFE30];
	v29 =	vperm.xlane v7, v1;
	v28 =	vmul.f32 v12, v12;
	v17 =	vadd.f32 v27, v17  }
0x236: {  	v27 =	vmul.f32 v55, v55;
	v16 =	vadd.f32 v26, v16;
	v26 =	vmul.f32 v34, v34  }
0x237: {  	v7 =	vadd.f32 v7, v29;
	v19 =	vadd.f32 v28, v19;
	v28 =	vmul.f32 v5, v5  }
0x238: {  	v6 =	vadd.f32 v27, v6;
	v20 =	vadd.f32 v26, v20;
	v26 =	vmul.f32 v54, v54  }
0x239: {  	v29 =	vperm.xlane v17, v1;
	v21 =	vadd.f32 v28, v21;
	v27 =	vmul.f32 v0, v0  }
0x23a: {  	v28 =	vperm.xlane v16, v1;
	v15 =	vadd.f32 v26, v15;
	v26 =	vmul.f32 v8, v8  }
0x23b: {  	v17 =	vadd.f32 v17, v29;
	v10 =	vadd.f32 v27, v10;
	v27 =	vperm.xlane v23, v1  }
0x23c: {  	v16 =	vadd.f32 v16, v28;
	v24 =	vadd.f32 v26, v24;
	v26 =	vperm.xlane v11, v1  }
0x23d: {  	v28 =	vperm.xlane v6, v1;
	v23 =	vadd.f32 v23, v27;
	v27 =	vperm.xlane v9, v1  }
0x23e: {  	v29 =	vperm.xlane v15, v1;
	v11 =	vadd.f32 v11, v26;
	v26 =	vperm.xlane v25, v1  }
0x23f: {  	v6 =	vadd.f32 v6, v28;
	v9 =	vadd.f32 v9, v27;
	v27 =	vperm.xlane v14, v1  }
0x240: {  	v15 =	vadd.f32 v15, v29;
	v25 =	vadd.f32 v25, v26;
	v26 =	vperm.xlane v20, v1  }
0x241: {  	v29 =	vperm.xlane v7, v2;
	v14 =	vadd.f32 v14, v27;
	v27 =	vperm.xlane v19, v1  }
0x242: {  	v28 =	vperm.xlane v23, v2;
	v20 =	vadd.f32 v20, v26;
	v26 =	vperm.xlane v22, v1  }
0x243: {  	v7 =	vadd.f32 v7, v29;
	v19 =	vadd.f32 v19, v27;
	v27 =	vperm.xlane v10, v1  }
0x244: {  	v29 =	vperm.xlane v17, v2;
	v22 =	vadd.f32 v22, v26;
	v26 =	vperm.xlane v21, v1  }
0x245: {  	v23 =	vadd.f32 v23, v28;
	v10 =	vadd.f32 v10, v27;
	v27 =	vperm.xlane v24, v1  }
0x246: {  	v28 =	vperm.xlane v16, v2;
	v21 =	vadd.f32 v21, v26;
	v26 =	vperm.xlane v9, v2  }
0x247: {  	v17 =	vadd.f32 v17, v29;
	v24 =	vadd.f32 v24, v27;
	v27 =	vperm.xlane v25, v2  }
0x248: {  	v16 =	vadd.f32 v16, v28;
	v9 =	vadd.f32 v9, v26;
	v26 =	vperm.xlane v11, v2  }
0x249: {  	v28 =	vperm.xlane v15, v2;
	v25 =	vadd.f32 v25, v27;
	v27 =	vperm.xlane v14, v2  }
0x24a: {  	v29 =	vperm.xlane v21, v2;
	v11 =	vadd.f32 v11, v26;
	v26 =	vperm.xlane v19, v2  }
0x24b: {  	v15 =	vadd.f32 v15, v28;
	v14 =	vadd.f32 v14, v27;
	v27 =	vperm.xlane v22, v2  }
0x24c: {  	v28 =	vadd.f32 v21, v29;
	v19 =	vadd.f32 v19, v26;
	v26 =	vperm.xlane v20, v2  }
0x24d: {  	v21 =	vperm.xlane v7, v3;
	v22 =	vadd.f32 v22, v27;
	v27 =	vperm.xlane v6, v2  }
0x24e: {  	v26 =	vadd.f32 v20, v26;
	v20 =	vperm.xlane v10, v2  }
0x24f: {  	v7 =	vadd.f32 v7, v21;
	v21 =	vperm.xlane v14, v3;
	v6 =	vadd.f32 v6, v27  }
0x250: {  	v27 =	vperm.xlane v24, v2;
	v10 =	vadd.f32 v10, v20;
	v20 =	vperm.xlane v23, v3  }
0x251: {  	[tilespmem:$0x1FC00] =	vst v30;
	v30 =	vadd.f32 v14, v21;
	v14 =	vperm.xlane v17, v3;
	v21 =	vperm.xlane v19, v3  }
0x252: {  	v24 =	vadd.f32 v24, v27;
	v27 =	vperm.xlane v9, v3;
	v29 =	vadd.f32 v23, v20  }
0x253: {  	[tilespmem:$0x1FBB0] =	vst v38;
	v20 =	vperm.xlane v11, v3;
	v23 =	vperm.xlane v25, v3;
	v38 =	vadd.f32 v19, v21  }
0x254: {  	[tilespmem:$0x1FB90] =	vst v40;
	v40 =	vadd.f32 v17, v14;
	v14 =	vperm.xlane v6, v3;
	v9 =	vadd.f32 v9, v27  }
0x255: {  	v27 =	vadd.f32 v25, v23;
	v11 =	vadd.f32 v11, v20;
	v20 =	vperm.xlane v16, v3  }
0x256: {  	v23 =	vperm.xlane v26, v3;
	v17 =	vperm.xlane v24, v3;
	v21 =	vadd.f32 v6, v14  }
0x257: {  	v6 =	vperm.xlane v15, v3;
	v16 =	vadd.f32 v16, v20;
	v20 =	vperm.xlane v22, v3  }
0x258: {  	v14 =	vperm.xlane v10, v3;
	v19 =	vadd.f32 v26, v23;
	v17 =	vadd.f32 v24, v17  }
0x259: {  	v23 =	vperm.xlane v7, v4;
	v20 =	vadd.f32 v22, v20;
	v22 =	vperm.xlane v28, v3  }
0x25a: {  	v24 =	vadd.f32 v15, v6;
	v6 =	vadd.f32 v10, v14;
	v10 =	vperm.xlane v29, v4  }
0x25b: {  	v23 =	vadd.f32 v7, v23;
	v7 =	vperm.xlane v17, v4;
	v26 =	vadd.f32 v28, v22  }
0x25c: {  	[tilespmem:$0x1FC10] =	vst v31;
	v25 =	vadd.f32 v29, v10;
	v10 =	vperm.xlane v9, v4  }
0x25d: {  	[tilespmem:$0x1FC20] =	vst v33;
	v7 =	vadd.f32 v17, v7;
	v28 =	vperm.xlane v26, v4  }
0x25e: {  	[tilespmem:$0x1FC30] =	vst v35;
	v14 =	vperm.xlane v27, v4;
	v22 =	vadd.f32 v9, v10  }
0x25f: {  	[tilespmem:$0x1FC40] =	vst v37;
	v7 =	vsub.f32 $1.000000000e+00, v7;
	v9 =	vadd.f32 v26, v28;
	v26 =	vperm.xlane v6, v4  }
0x260: {  	[tilespmem:$0x1FC90] =	vst v34;
	v15 =	vadd.f32 v27, v14;
	v27 =	vperm.xlane v40, v4  }
0x261: {  	[tilespmem:$0x1FC70] =	vst v32;
	v33 =	vperm.xlane v24, v4;
	v31 =	vadd.f32 v6, v26;
	v6 =	vmax.f32 v7, $1.000000000e-15  }
0x262: {  	[tilespmem:$0x1FC80] =	vst v12;
	v17 =	vperm.xlane v11, v4;
	(erf) = vrcp.f32 v6;
	v6 =	vmov s20  }
0x263: {  	v10 =	vperm.xlane v30, v4;
	v27 =	vadd.f32 v40, v27;
	[tilespmem:$0x1FCA0] =	vst v6;
	v6 =	vimm.f32 $0.0e+00  }
0x264: {  	v29 =	vperm.xlane v20, v4;
	v14 =	vadd.f32 v11, v17;
	[tilespmem:$0x1FCB0] =	vst v6;
	v6 =	vimm.f32 $0.0e+00  }
0x265: {  	v11 =	vperm.xlane v16, v4;
	v17 =	vadd.f32 v30, v10;
	[tilespmem:$0x1FCC0] =	vst v6;
	v6 =	vimm.f32 $0.0e+00  }
0x266: {  	v10 =	vperm.xlane v38, v4;
	v30 =	vperm.xlane v21, v4;
	[tilespmem:$0x1FCD0] =	vst v6;
	v6 =	vimm.f32 $0.0e+00  }
0x267: {  	s31 =	sshll.u32 s22, $0x1;
	v16 =	vadd.f32 v16, v11;
	v28 =	vperm.xlane v19, v4;
	[tilespmem:$0x1FCE0] =	vst v6;
	v6 =	vimm.f32 $0.0e+00  }
0x268: {  	s28 =	simm.s32 $0x40;
	s25 =	sor.u32 $0x1, s31;
	s26 =	simm.s32 $0x0;
	v26 =	vadd.f32 v38, v10;
	v32 =	vsub.f32 $1.000000000e+00, v9;
	v10 =	vimm.f32 $0.0e+00;
	[tilespmem:$0x1FCF0] =	vst v6  }
.LBB2_5:
0x269: {  	_ = 	snop  }
0x26a: {  	v32 =	vmax.f32 v32, $1.000000000e-15;
	v31 =	vsub.f32 $1.000000000e+00, v31;
	v24 =	vadd.f32 v24, v33  }
0x26b: {  	v19 =	vadd.f32 v19, v28;
	(erf) = vrcp.f32 v32  }
0x26c: {  	v21 =	vadd.f32 v21, v30;
	v28 =	vmax.f32 v31, $1.000000000e-15;
	v24 =	vsub.f32 $1.000000000e+00, v24  }
0x26d: {  	v25 =	vsub.f32 $1.000000000e+00, v25;
	(erf) = vrcp.f32 v28  }
0x26e: {  	v20 =	vadd.f32 v20, v29;
	v21 =	vsub.f32 $1.000000000e+00, v21;
	v24 =	vmax.f32 v24, $1.000000000e-15  }
0x26f: {  	v23 =	vsub.f32 $1.000000000e+00, v23;
	v22 =	vsub.f32 $1.000000000e+00, v22;
	(erf) = vrcp.f32 v24  }
0x270: {  	v27 =	vsub.f32 $1.000000000e+00, v27;
	v25 =	vmax.f32 v25, $1.000000000e-15;
	v20 =	vsub.f32 $1.000000000e+00, v20  }
0x271: {  	v23 =	vmax.f32 v23, $1.000000000e-15;
	v6 =	vmax.f32 v21, $1.000000000e-15;
	(erf) = vrcp.f32 v25  }
0x272: {  	v19 =	vsub.f32 $1.000000000e+00, v19;
	v20 =	vmax.f32 v20, $1.000000000e-15;
	(erf) = vrcp.f32 v6;
	v21 =	vpop (erf)  }
0x273: {  	(erf) = vrcp.f32 v23;
	v25 =	vadd.f32 v21, v21;
	v21 =	vmax.f32 v22, $1.000000000e-15  }
0x274: {  	v19 =	vmax.f32 v19, $1.000000000e-15;
	v24 =	vsub.f32 $1.000000000e+00, v26;
	(erf) = vrcp.f32 v20;
	v22 =	vpop (erf)  }
0x275: {  	(erf) = vrcp.f32 v21;
	v13 =	vmul.f32 v25, v13;
	v26 =	vadd.f32 v22, v22  }
0x276: {  	v6 =	vld [tilespmem:$0x1FB20];
	(erf) = vrcp.f32 v19;
	v19 =	vmax.f32 v27, $1.000000000e-15;
	v21 =	vpop (erf)  }
0x277: {  	v11 =	vadd.f32 v13, v10;
	v13 =	vmul.f32 v26, v18;
	v27 =	vadd.f32 v21, v21  }
0x278: {  	v18 =	vpop (erf)  }
0x279: {  	v11 =	vadd.f32 v13, v11;
	v13 =	vmul.f32 v27, v41;
	v29 =	vadd.f32 v18, v18;
	_ =	sdelay $0x1  }
0x27a: {  	s24 =	sadd.s32 $0x400, s24;
	v11 =	vadd.f32 v13, v11;
	v6 =	vmul.f32 v29, v6  }
0x27b: {  	v21 =	vld [tilespmem:s24+$0x1F0];
	v23 =	vpop (erf)  }
0x27c: {  	v20 =	vmax.f32 v24, $1.000000000e-15;
	v18 =	vpop (erf);
	v11 =	vadd.f32 v6, v11;
	v6 =	vld [tilespmem:$0x1FAF0]  }
0x27d: {  	(erf) = vrcp.f32 v20;
	v30 =	vadd.f32 v18, v18;
	v24 =	vpop (erf)  }
0x27e: {  	v20 =	vld [tilespmem:s24+$0x1B0];
	(erf) = vrcp.f32 v19;
	v19 =	vpop (erf)  }
0x27f: {  	v7 =	vmul.f32 v30, v60;
	v32 =	vadd.f32 v19, v19  }
0x280: {  	v18 =	vld [tilespmem:s24+$0x1E0]  }
0x281: {  	v11 =	vadd.f32 v7, v11;
	v7 =	vmul.f32 v32, v6;
	v6 =	vmul.f32 v21, v21  }
0x282: {  	v17 =	vsub.f32 $1.000000000e+00, v17;
	v13 =	vld [tilespmem:s24+$0x170]  }
0x283: {  	v16 =	vsub.f32 $1.000000000e+00, v16;
	[tilespmem:$0x1FA00] =	vst v6;
	v6 =	vmul.f32 v20, v20  }
0x284: {  	v17 =	vmax.f32 v17, $1.000000000e-15;
	v60 =	vld [tilespmem:s24+$0x1A0]  }
0x285: {  	v16 =	vmax.f32 v16, $1.000000000e-15;
	(erf) = vrcp.f32 v17;
	[tilespmem:$0x1FA20] =	vst v6;
	v6 =	vmul.f32 v18, v18  }
0x286: {  	(erf) = vrcp.f32 v16;
	v19 =	vmov v1;
	v1 =	vld [tilespmem:s24+$0x130]  }
0x287: {  	[tilespmem:$0x1F9E0] =	vst v6;
	v6 =	vmul.f32 v13, v13  }
0x288: {  	v15 =	vsub.f32 $1.000000000e+00, v15  }
0x289: {  	[tilespmem:$0x1FA10] =	vst v6;
	v6 =	vmul.f32 v60, v60  }
0x28a: {  	v15 =	vmax.f32 v15, $1.000000000e-15;
	v31 =	vpop (erf)  }
0x28b: {  	v17 =	vpop (erf);
	[tilespmem:$0x1F9F0] =	vst v6;
	v6 =	vmul.f32 v1, v1  }
0x28c: {  	v14 =	vsub.f32 $1.000000000e+00, v14;
	v16 =	vpop (erf)  }
0x28d: {  	(erf) = vrcp.f32 v15;
	v17 =	vadd.f32 v17, v17;
	v15 =	vpop (erf);
	[tilespmem:$0x1FA30] =	vst v6;
	v6 =	vld [tilespmem:$0x1FAA0]  }
0x28e: {  	v14 =	vmax.f32 v14, $1.000000000e-15;
	v34 =	vadd.f32 v16, v16;
	v16 =	vpop (erf)  }
0x28f: {  	(erf) = vrcp.f32 v14;
	v14 =	vmul.f32 v17, v58;
	v11 =	vadd.f32 v7, v11;
	v28 =	vpop (erf)  }
0x290: {  	v28 =	vadd.f32 v28, v28  }
0x291: {  	v11 =	vadd.f32 v14, v11  }
0x292: {  	v14 =	vmul.f32 v34, v57;
	v57 =	vmovc v50;
	v50 =	vadd.f32 v23, v23;
	v23 =	vmul.f32 v28, v6;
	v6 =	vld [tilespmem:$0x1FCA0];
	_ =	sdelay $0x6  }
0x293: {  	s29 =	sshra.s32 s26, $0x2;
	v37 =	vld [tilespmem:s24+$0x1D0]  }
0x294: {  	v33 =	vadd.f32 v15, v15;
	v38 =	vld.idx.msk [tilespmem:v6+s29+$0x0 ss:$0x1], $0xffff  }
0x295: {  	v6 =	vld [tilespmem:$0x1FA90]  }
0x296: {  	v16 =	vadd.f32 v16, v16;
	v11 =	vadd.f32 v14, v11;
	v14 =	vmul.f32 v33, v52  }
0x297: {  	v41 =	vpop (erf)  }
0x298: {  	v46 =	vmul.f32 v16, v46;
	v41 =	vadd.f32 v41, v41;
	v11 =	vadd.f32 v14, v11;
	_ =	sdelay $0x1  }
0x299: {  	v11 =	vadd.f32 v46, v11;
	v46 =	vadd.f32 v31, v31;
	v31 =	vmul.f32 v41, v6;
	v6 =	vmovc v37  }
0x29a: {  	[tilespmem:$0x1FA40] =	vst v6;
	v6 =	vld [tilespmem:$0x1FA80];
	_ =	sdelay $0x1  }
0x29b: {  	v52 =	vadd.f32 v24, v24;
	v24 =	vpop (erf)  }
0x29c: {  	v24 =	vadd.f32 v24, v24;
	v11 =	vadd.f32 v23, v11  }
0x29d: {  	v10 =	vld [tilespmem:$0x1FB60];
	v58 =	vmul.f32 v50, v42  }
0x29e: {  	v42 =	vmul.f32 v52, v53;
	v11 =	vadd.f32 v31, v11;
	v53 =	vmul.f32 v24, v6;
	_ =	sdelay $0x1  }
0x29f: {  	v61 =	vmul.f32 v46, v61;
	v11 =	vadd.f32 v53, v11  }
0x2a0: {  	v12 =	vld [tilespmem:$0x1FCB0]  }
0x2a1: {  	v11 =	vadd.f32 v61, v11;
	v61 =	vmul.f32 v25, v10;
	v10 =	vld [tilespmem:$0x1FB40];
	_ =	sdelay $0x1  }
0x2a2: {  	v6 =	vld [tilespmem:$0x1FAC0]  }
0x2a3: {  	vm0 =	veq.s32 v38, $0x0  }
0x2a4: {  	v53 =	vsel vm0, $0x0, v49  }
0x2a5: {  	v12 =	vadd.f32 v53, v12;
	v53 =	vmul.f32 v26, v10;
	v10 =	vld [tilespmem:$0x1FCC0];
	_ =	sdelay $0x1  }
0x2a6: {  	v38 =	vmul.f32 v33, v6;
	v6 =	vld [tilespmem:$0x1FAB0]  }
0x2a7: {  	v35 =	vld [tilespmem:s24+$0x1C0]  }
0x2a8: {  	v31 =	vmul.f32 v46, v45  }
0x2a9: {  	v45 =	vmul.f32 v28, v62;
	v62 =	vmul.f32 v25, v56;
	v56 =	vadd.f32 v61, v10;
	v10 =	vld [tilespmem:$0x1FCD0];
	_ =	sdelay $0x1  }
0x2aa: {  	v23 =	vmul.f32 v52, v43;
	v43 =	vmul.f32 v16, v6;
	v6 =	vld [tilespmem:$0x1FAE0]  }
0x2ab: {  	v7 =	vmov v35  }
0x2ac: {  	[tilespmem:$0x1FA60] =	vst v7;
	v7 =	vld [tilespmem:$0x1FB00]  }
0x2ad: {  	v61 =	vadd.f32 v62, v10;
	v10 =	vld [tilespmem:$0x1FCE0]  }
0x2ae: {  	v15 =	vmul.f32 v35, v35  }
0x2af: {  	v35 =	vmul.f32 v24, v47;
	v47 =	vmul.f32 v17, v6;
	v6 =	vld [tilespmem:$0x1FAD0]  }
0x2b0: {  	v9 =	vld [tilespmem:$0x1FB30];
	v8 =	vmul.f32 v25, v8  }
0x2b1: {  	v49 =	vmul.f32 v32, v7;
	v7 =	vld [tilespmem:$0x1FB50]  }
0x2b2: {  	v8 =	vadd.f32 v8, v10;
	v10 =	vld [tilespmem:$0x1FCF0]  }
0x2b3: {  	v22 =	vmul.f32 v37, v37  }
0x2b4: {  	v37 =	vmul.f32 v41, v51;
	v51 =	vmov v48;
	v48 =	vmul.f32 v34, v6;
	v6 =	vld [tilespmem:$0x1FB10]  }
0x2b5: {  	v5 =	vmul.f32 v26, v5  }
0x2b6: {  	v0 =	vmul.f32 v27, v0;
	v62 =	vmul.f32 v26, v59  }
0x2b7: {  	v9 =	vmul.f32 v29, v9;
	v7 =	vmul.f32 v27, v7;
	v10 =	vadd.f32 v25, v10  }
0x2b8: {  	v25 =	vadd.f32 v53, v56;
	v53 =	vadd.f32 v62, v61;
	v56 =	vmul.f32 v27, v51  }
0x2b9: {  	v6 =	vmul.f32 v30, v6;
	v5 =	vadd.f32 v5, v8;
	v8 =	vadd.f32 v26, v10  }
0x2ba: {  	v7 =	vadd.f32 v7, v25;
	v10 =	vadd.f32 v56, v53;
	v25 =	vmul.f32 v29, v63  }
0x2bb: {  	v0 =	vadd.f32 v0, v5;
	v5 =	vadd.f32 v27, v8;
	v8 =	vmul.f32 v29, v54  }
0x2bc: {  	v7 =	vadd.f32 v9, v7;
	v9 =	vadd.f32 v25, v10;
	v10 =	vmul.f32 v30, v57  }
0x2bd: {  	v0 =	vadd.f32 v8, v0;
	v8 =	vmul.f32 v30, v55  }
0x2be: {  	v6 =	vadd.f32 v6, v7;
	v7 =	vadd.f32 v10, v9;
	v9 =	vld [tilespmem:$0x1FBE0]  }
0x2bf: {  	v0 =	vadd.f32 v8, v0;
	v8 =	vmul.f32 v32, v39;
	_ =	sdelay $0x1  }
0x2c0: {  	v0 =	vadd.f32 v8, v0;
	v8 =	vld [tilespmem:$0x1FC90];
	_ =	sdelay $0x1  }
0x2c1: {  	v9 =	vmul.f32 v32, v9;
	_ =	sdelay $0x1  }
0x2c2: {  	v7 =	vadd.f32 v9, v7;
	v9 =	vld [tilespmem:$0x1FBF0]  }
0x2c3: {  	v8 =	vmul.f32 v17, v8;
	_ =	sdelay $0x1  }
0x2c4: {  	v0 =	vadd.f32 v8, v0;
	v8 =	vld [tilespmem:$0x1FC80];
	_ =	sdelay $0x1  }
0x2c5: {  	v9 =	vmul.f32 v17, v9;
	_ =	sdelay $0x1  }
0x2c6: {  	v7 =	vadd.f32 v9, v7;
	v9 =	vld [tilespmem:$0x1FBD0]  }
0x2c7: {  	v8 =	vmul.f32 v34, v8;
	_ =	sdelay $0x1  }
0x2c8: {  	v0 =	vadd.f32 v8, v0;
	v8 =	vld [tilespmem:$0x1FC70];
	_ =	sdelay $0x1  }
0x2c9: {  	v9 =	vmul.f32 v34, v9;
	_ =	sdelay $0x1  }
0x2ca: {  	v7 =	vadd.f32 v9, v7;
	v9 =	vld [tilespmem:$0x1FBC0]  }
0x2cb: {  	v8 =	vmul.f32 v33, v8  }
0x2cc: {  	[tilespmem:$0x1FCB0] =	vst v12;
	v12 =	vld [tilespmem:s24+$0x180]  }
0x2cd: {  	v40 =	vmul.f32 v50, v44;
	v11 =	vadd.f32 v42, v11;
	v0 =	vadd.f32 v8, v0;
	v8 =	vld [tilespmem:$0x1FC50]  }
0x2ce: {  	v42 =	vld [tilespmem:s24+$0x80]  }
0x2cf: {  	v14 =	vadd.f32 v40, v11;
	v11 =	vld [tilespmem:s24+$0x110];
	v9 =	vmul.f32 v33, v9  }
0x2d0: {  	v40 =	vld [tilespmem:s24+$0xC0]  }
0x2d1: {  	v61 =	vld [tilespmem:s24+$0x140];
	v7 =	vadd.f32 v9, v7;
	v9 =	vmul.f32 v16, v36  }
0x2d2: {  	v51 =	vld [tilespmem:s24+$0xD0];
	v8 =	vmul.f32 v16, v8  }
0x2d3: {  	v7 =	vadd.f32 v9, v7;
	v9 =	vld [tilespmem:$0x1FBB0]  }
0x2d4: {  	v0 =	vadd.f32 v8, v0;
	v8 =	vld [tilespmem:$0x1FC60]  }
0x2d5: {  	v62 =	vld [tilespmem:s24+$0x90]  }
0x2d6: {  	v26 =	vld [tilespmem:s24+$0xF0]  }
0x2d7: {  	v53 =	vld [tilespmem:s24+$0x150]  }
0x2d8: {  	v63 =	vld [tilespmem:s24+$0xFFFFFFB0];
	v9 =	vmul.f32 v28, v9  }
0x2d9: {  	v25 =	vld [tilespmem:s24+$0x160];
	v8 =	vmul.f32 v28, v8  }
0x2da: {  	v6 =	vadd.f32 v49, v6;
	v7 =	vadd.f32 v9, v7;
	v9 =	vld [tilespmem:$0x1FB90]  }
0x2db: {  	v0 =	vadd.f32 v8, v0;
	v8 =	vld [tilespmem:$0x1FC40]  }
0x2dc: {  	v27 =	vld [tilespmem:s24+$0x120];
	v6 =	vadd.f32 v47, v6  }
0x2dd: {  	v57 =	vld [tilespmem:s24+$0x100]  }
0x2de: {  	v54 =	vld [tilespmem:s24+$0xFFFFFF50];
	v6 =	vadd.f32 v48, v6  }
0x2df: {  	v5 =	vadd.f32 v29, v5;
	v29 =	vld [tilespmem:s24+$0xE0];
	v9 =	vmul.f32 v41, v9  }
0x2e0: {  	v55 =	vld [tilespmem:s24+$0x40];
	v6 =	vadd.f32 v38, v6;
	v8 =	vmul.f32 v41, v8  }
0x2e1: {  	v7 =	vadd.f32 v9, v7;
	v9 =	vld [tilespmem:$0x1FBA0]  }
0x2e2: {  	v6 =	vadd.f32 v43, v6;
	v0 =	vadd.f32 v8, v0;
	v8 =	vld [tilespmem:$0x1FC30]  }
0x2e3: {  	v5 =	vadd.f32 v30, v5;
	v39 =	vld [tilespmem:s24+$0x190]  }
0x2e4: {  	[tilespmem:$0x1FAA0] =	vst v42;
	v49 =	vld [tilespmem:s24+$0xFFFFFF40];
	v6 =	vadd.f32 v45, v6  }
0x2e5: {  	[tilespmem:$0x1FA90] =	vst v40;
	v5 =	vadd.f32 v32, v5;
	v48 =	vld [tilespmem:s24+$0xFFFFFF90]  }
0x2e6: {  	[tilespmem:$0x1FC90] =	vst v63;
	v38 =	vmul.f32 v63, v63;
	v63 =	vld [tilespmem:s24+$0xFFFFFED0];
	v6 =	vadd.f32 v37, v6;
	v9 =	vmul.f32 v24, v9  }
0x2e7: {  	[tilespmem:$0x1FA80] =	vst v57;
	v5 =	vadd.f32 v17, v5;
	v45 =	vld [tilespmem:s24+$0xFFFFFFD0];
	v8 =	vmul.f32 v24, v8  }
0x2e8: {  	v10 =	vmov v1;
	[tilespmem:$0x1FB00] =	vst v54;
	v6 =	vadd.f32 v35, v6;
	v7 =	vadd.f32 v9, v7;
	v9 =	vld [tilespmem:$0x1FB80]  }
0x2e9: {  	[tilespmem:$0x1FAF0] =	vst v49;
	v5 =	vadd.f32 v34, v5;
	v0 =	vadd.f32 v8, v0;
	v8 =	vld [tilespmem:$0x1FC20]  }
0x2ea: {  	[tilespmem:$0x1FAE0] =	vst v48;
	v37 =	vld [tilespmem:s24+$0x30];
	v6 =	vadd.f32 v31, v6  }
0x2eb: {  	v5 =	vadd.f32 v33, v5;
	v17 =	vld [tilespmem:s24+$0xB0];
	[tilespmem:$0x1FC30] =	vst v10;
	v10 =	vmov v13  }
0x2ec: {  	[tilespmem:$0x1FB30] =	vst v63;
	v34 =	vld [tilespmem:s24+$0x70];
	v6 =	vadd.f32 v23, v6  }
0x2ed: {  	v32 =	vld [tilespmem:s24+$0xA0];
	v5 =	vadd.f32 v16, v5;
	[tilespmem:$0x1FAD0] =	vst v45;
	v9 =	vmul.f32 v46, v9  }
0x2ee: {  	v6 =	vadd.f32 v58, v6;
	[tilespmem:$0x1FC20] =	vst v10;
	v10 =	vmov v60;
	v60 =	vld [tilespmem:s24+$0xFFFFFFF0];
	v8 =	vmul.f32 v46, v8  }
0x2ef: {  	[tilespmem:$0x1FC70] =	vst v37;
	v7 =	vadd.f32 v9, v7;
	v9 =	vld [tilespmem:$0x1FB70]  }
0x2f0: {  	v54 =	vmul.f32 v54, v54;
	v5 =	vadd.f32 v28, v5;
	[tilespmem:$0x1FCC0] =	vst v6;
	v0 =	vadd.f32 v8, v0;
	v8 =	vld [tilespmem:$0x1FC10]  }
0x2f1: {  	v30 =	vmovc v26;
	v49 =	vmul.f32 v49, v49;
	v48 =	vmul.f32 v48, v48;
	v59 =	vmov v17;
	v58 =	vld [tilespmem:s24+$0xFFFFFF80];
	[tilespmem:$0x1FC50] =	vst v34  }
0x2f2: {  	v5 =	vadd.f32 v41, v5;
	v45 =	vmul.f32 v45, v45;
	v17 =	vmul.f32 v17, v59;
	v36 =	vld [tilespmem:s24+$0x60];
	[tilespmem:$0x1FC60] =	vst v59  }
0x2f3: {  	v23 =	vmul.f32 v34, v34;
	v34 =	vmul.f32 v62, v62;
	[tilespmem:$0x1FC40] =	vst v30;
	v13 =	vld [tilespmem:s24+$0x20]  }
0x2f4: {  	v5 =	vadd.f32 v24, v5;
	[tilespmem:$0x1FC80] =	vst v60;
	v33 =	vmul.f32 v60, v60;
	v60 =	vld [tilespmem:s24+$0xFFFFFF10];
	v9 =	vmul.f32 v52, v9  }
0x2f5: {  	v20 =	vmovc v20;
	v16 =	vmovc v25;
	v28 =	vmov v27;
	[tilespmem:$0x1FB70] =	vst v10;
	v10 =	vmov v21;
	v21 =	vld [tilespmem:s24+$0xFFFFFEC0];
	v8 =	vmul.f32 v52, v8  }
0x2f6: {  	v47 =	vmul.f32 v58, v58;
	v25 =	vmul.f32 v25, v16;
	[tilespmem:$0x1FBA0] =	vst v28;
	v7 =	vadd.f32 v9, v7;
	v9 =	vld [tilespmem:$0x1FA70]  }
0x2f7: {  	v31 =	vmul.f32 v36, v36;
	[tilespmem:$0x1FB80] =	vst v16;
	v16 =	vmul.f32 v26, v30;
	v0 =	vadd.f32 v8, v0;
	v8 =	vld [tilespmem:$0x1FC00]  }
0x2f8: {  	v18 =	vmov v18;
	v26 =	vmul.f32 v57, v57;
	v24 =	vmul.f32 v37, v37;
	[tilespmem:$0x1FC10] =	vst v20;
	v20 =	vld [tilespmem:s24+$0x10]  }
0x2f9: {  	v5 =	vadd.f32 v46, v5;
	v30 =	vmul.f32 v51, v51;
	v35 =	vmul.f32 v13, v13;
	[tilespmem:$0x1FA70] =	vst v18;
	v18 =	vld [tilespmem:s24+$0x50]  }
0x2fa: {  	v1 =	vmov v19;
	v41 =	vld [tilespmem:s24+$0xFFFFFE80];
	[tilespmem:$0x1FBC0] =	vst v13;
	v37 =	vmul.f32 v55, v55;
	v57 =	vmul.f32 v60, v60  }
0x2fb: {  	v5 =	vadd.f32 v52, v5;
	v13 =	vld [tilespmem:s24+$0xFFFFFE00];
	[tilespmem:$0x1FB10] =	vst v60;
	v59 =	vmul.f32 v21, v21;
	v19 =	vmul.f32 v50, v9  }
0x2fc: {  	v46 =	vld [tilespmem:s24+$0xFFFFFFA0];
	[tilespmem:$0x1FB20] =	vst v21;
	v60 =	vmul.f32 v63, v63;
	v9 =	vmov v29;
	v8 =	vmul.f32 v50, v8  }
0x2fd: {  	v63 =	vld [tilespmem:s24+$0xFFFFFE10];
	v43 =	vmul.f32 v20, v20;
	[tilespmem:$0x1FB90] =	vst v9;
	v9 =	vmul.f32 v29, v9;
	v6 =	vadd.f32 v19, v7  }
0x2fe: {  	[tilespmem:$0x1FAB0] =	vst v18;
	v29 =	vmul.f32 v40, v40;
	v40 =	vmul.f32 v18, v18;
	v18 =	vld [tilespmem:s24+$0xFFFFFE40];
	v0 =	vadd.f32 v8, v0  }
0x2ff: {  	v21 =	vadd.f32 v22, v15;
	v52 =	vld [tilespmem:s24+$0xFFFFFE50];
	v7 =	vmul.f32 v61, v61;
	[tilespmem:$0x1FCD0] =	vst v6;
	v8 =	vmul.f32 v53, v53  }
0x300: {  	v15 =	vld [tilespmem:$0x1F9E0];
	v6 =	vmul.f32 v12, v12;
	[tilespmem:$0x1FCE0] =	vst v0;
	v0 =	vadd.f32 v50, v5;
	v5 =	vmul.f32 v27, v28  }
0x301: {  	[tilespmem:$0x1FC00] =	vst v10;
	v10 =	vld [tilespmem:s24+$0xFFFFFE90];
	v27 =	vmul.f32 v11, v11;
	v28 =	vmul.f32 v32, v32;
	v7 =	vadd.f32 v8, v7  }
0x302: {  	[tilespmem:$0x1FBB0] =	vst v32;
	v50 =	vld [tilespmem:s24+$0x0];
	v32 =	vmul.f32 v42, v42;
	v8 =	vadd.f32 v30, v29;
	v29 =	vadd.f32 v40, v37  }
0x303: {  	v19 =	vld [tilespmem:s24+$0xFFFFFF00];
	[tilespmem:$0x1FCF0] =	vst v0;
	v0 =	vmul.f32 v39, v39;
	v26 =	vadd.f32 v27, v26;
	v27 =	vmul.f32 v18, v18  }
0x304: {  	[tilespmem:$0x1FAC0] =	vst v20;
	v20 =	vld [tilespmem:s24+$0xFFFFFFE0];
	v30 =	vadd.f32 v34, v32;
	v32 =	vmul.f32 v52, v52;
	v7 =	vadd.f32 v25, v7  }
0x305: {  	[tilespmem:$0x1FA50] =	vst v39;
	v22 =	vmul.f32 v41, v41;
	v39 =	vld [tilespmem:s24+$0xFFFFFFC0];
	v9 =	vadd.f32 v9, v8;
	v29 =	vadd.f32 v31, v29  }
0x306: {  	[tilespmem:$0x1FB50] =	vst v10;
	v0 =	vadd.f32 v0, v6;
	v6 =	vmul.f32 v10, v10;
	v10 =	vld [tilespmem:s24+$0xFFFFFF60];
	v27 =	vadd.f32 v32, v27  }
0x307: {  	[tilespmem:$0x1FB40] =	vst v52;
	v26 =	vadd.f32 v5, v26;
	v28 =	vadd.f32 v28, v30;
	v5 =	vld [tilespmem:s24+$0xFFFFFE70];
	v42 =	vmul.f32 v50, v50  }
0x308: {  	v56 =	vmul.f32 v19, v19;
	v9 =	vadd.f32 v16, v9;
	v23 =	vadd.f32 v23, v29;
	v52 =	vmovc v50;
	v50 =	vld [tilespmem:s24+$0xFFFFFF20]  }
0x309: {  	[tilespmem:$0x1FB60] =	vst v63;
	v37 =	vadd.f32 v43, v42;
	v42 =	vadd.f32 v54, v49;
	v54 =	vmul.f32 v63, v63;
	v63 =	vld [tilespmem:s24+$0xFFFFFEE0]  }
0x30a: {  	v6 =	vadd.f32 v6, v22;
	v44 =	vmul.f32 v39, v39;
	v43 =	vadd.f32 v48, v47;
	v48 =	vld [tilespmem:s24+$0xFFFFFEA0]  }
0x30b: {  	v40 =	vmul.f32 v13, v13;
	v17 =	vadd.f32 v17, v28;
	v47 =	vadd.f32 v57, v56;
	v56 =	vld [tilespmem:s24+$0xFFFFFE20]  }
0x30c: {  	[tilespmem:$0x1FBF0] =	vst v46;
	v57 =	vmov v39;
	v39 =	vld [tilespmem:s24+$0xFFFFFF70];
	v34 =	vadd.f32 v45, v44;
	v45 =	vadd.f32 v60, v59  }
0x30d: {  	v22 =	vmul.f32 v20, v20;
	v60 =	vmovc v19;
	v32 =	vadd.f32 v54, v40;
	v59 =	vld [tilespmem:s24+$0xFFFFFE60];
	v19 =	vadd.f32 v15, v21  }
0x30e: {  	v49 =	vimm.f32 $1.000000000e+00;
	[tilespmem:$0x1FBE0] =	vst v10;
	v21 =	vmul.f32 v10, v10;
	v10 =	vmovc v14;
	v14 =	vld [tilespmem:$0x1F9F0];
	v25 =	vmul.f32 v50, v50  }
0x30f: {  	v40 =	vmul.f32 v46, v46;
	v46 =	vmovc v55;
	v55 =	vld [tilespmem:s24+$0xFFFFFF30];
	v31 =	vadd.f32 v35, v37;
	v22 =	vadd.f32 v22, v34  }
0x310: {  	v16 =	vmul.f32 v5, v5;
	v21 =	vadd.f32 v21, v42;
	v25 =	vadd.f32 v25, v47;
	v47 =	vmovc v11;
	v11 =	vld [tilespmem:$0x1FA00]  }
0x311: {  	v54 =	vld [tilespmem:s24+$0xFFFFFEF0];
	v35 =	vadd.f32 v40, v43;
	v24 =	vadd.f32 v24, v31;
	v8 =	vmul.f32 v63, v63  }
0x312: {  	v30 =	vmul.f32 v48, v48;
	v37 =	vmul.f32 v56, v56;
	v22 =	vadd.f32 v33, v22  }
0x313: {  	[tilespmem:$0x1FBD0] =	vst v20;
	v28 =	vadd.f32 v38, v35;
	v38 =	vperm.xlane v24, v1;
	v20 =	vadd.f32 v14, v0  }
0x314: {  	v34 =	vmul.f32 v59, v59;
	v40 =	vadd.f32 v8, v45;
	v6 =	vadd.f32 v30, v6  }
0x315: {  	v30 =	vmul.f32 v39, v39;
	v32 =	vadd.f32 v37, v32;
	v19 =	vadd.f32 v11, v19;
	v11 =	vld [tilespmem:$0x1FA10]  }
0x316: {  	v42 =	vmul.f32 v55, v55;
	v43 =	vmul.f32 v54, v54;
	v24 =	vadd.f32 v24, v38  }
0x317: {  	v37 =	vperm.xlane v17, v1;
	v27 =	vadd.f32 v34, v27;
	v21 =	vadd.f32 v30, v21  }
0x318: {  	v25 =	vadd.f32 v42, v25;
	v33 =	vadd.f32 v43, v40;
	v40 =	vperm.xlane v28, v1  }
0x319: {  	v17 =	vadd.f32 v17, v37;
	v16 =	vadd.f32 v16, v27;
	v29 =	vperm.xlane v19, v1  }
0x31a: {  	v34 =	vperm.xlane v9, v1;
	v28 =	vadd.f32 v28, v40;
	v7 =	vadd.f32 v11, v7;
	v11 =	vld [tilespmem:$0x1FA20]  }
0x31b: {  	v0 =	vld [tilespmem:s24+$0xFFFFFEB0];
	v27 =	vperm.xlane v22, v1;
	v42 =	vperm.xlane v25, v1;
	v19 =	vadd.f32 v19, v29  }
0x31c: {  	v37 =	vperm.xlane v24, v2;
	v9 =	vadd.f32 v9, v34;
	v40 =	vperm.xlane v28, v2  }
0x31d: {  	v22 =	vadd.f32 v22, v27;
	v25 =	vadd.f32 v25, v42;
	v27 =	vperm.xlane v19, v2  }
0x31e: {  	v24 =	vadd.f32 v24, v37;
	v29 =	vperm.xlane v33, v1;
	v28 =	vadd.f32 v28, v40  }
0x31f: {  	v8 =	vld [tilespmem:s24+$0xFFFFFE30];
	v19 =	vadd.f32 v19, v27;
	v27 =	vperm.xlane v25, v2;
	v15 =	vadd.f32 v11, v20  }
0x320: {  	v29 =	vadd.f32 v33, v29;
	v30 =	vperm.xlane v7, v1;
	v20 =	vmul.f32 v0, v0;
	v11 =	vld [tilespmem:$0x1FA30]  }
0x321: {  	v25 =	vadd.f32 v25, v27;
	v33 =	vperm.xlane v19, v3;
	v31 =	vperm.xlane v15, v1  }
0x322: {  	v7 =	vadd.f32 v7, v30;
	v6 =	vadd.f32 v20, v6;
	v20 =	vperm.xlane v23, v1  }
0x323: {  	v40 =	vperm.xlane v25, v3;
	v33 =	vadd.f32 v19, v33;
	v15 =	vadd.f32 v15, v31  }
0x324: {  	v30 =	vperm.xlane v6, v1;
	v31 =	vperm.xlane v16, v1;
	v20 =	vadd.f32 v23, v20  }
0x325: {  	v14 =	vadd.f32 v11, v26;
	v26 =	vmul.f32 v8, v8;
	v44 =	vperm.xlane v15, v2  }
0x326: {  	v6 =	vadd.f32 v6, v30;
	v30 =	vperm.xlane v9, v2;
	v16 =	vadd.f32 v16, v31  }
0x327: {  	v31 =	vperm.xlane v20, v2;
	v35 =	vperm.xlane v14, v1;
	v26 =	vadd.f32 v26, v32  }
0x328: {  	v32 =	vperm.xlane v21, v1;
	v15 =	vadd.f32 v15, v44;
	v44 =	vperm.xlane v29, v2  }
0x329: {  	v9 =	vadd.f32 v9, v30;
	v30 =	vperm.xlane v6, v2;
	v20 =	vadd.f32 v20, v31  }
0x32a: {  	v31 =	vperm.xlane v16, v2;
	v14 =	vadd.f32 v14, v35;
	v23 =	vperm.xlane v26, v1  }
0x32b: {  	v21 =	vadd.f32 v21, v32;
	v32 =	vperm.xlane v7, v2;
	v35 =	vperm.xlane v17, v2  }
0x32c: {  	v27 =	vperm.xlane v15, v3;
	v29 =	vadd.f32 v29, v44;
	v6 =	vadd.f32 v6, v30  }
0x32d: {  	v16 =	vadd.f32 v16, v31;
	v31 =	vperm.xlane v24, v3;
	v37 =	vperm.xlane v20, v3  }
0x32e: {  	v34 =	vperm.xlane v14, v2;
	v23 =	vadd.f32 v26, v23;
	v26 =	vperm.xlane v22, v2  }
0x32f: {  	v38 =	vperm.xlane v21, v2;
	v7 =	vadd.f32 v7, v32;
	v17 =	vadd.f32 v17, v35  }
0x330: {  	v35 =	vperm.xlane v9, v3;
	v43 =	vperm.xlane v29, v3;
	v15 =	vadd.f32 v15, v27  }
0x331: {  	v27 =	vperm.xlane v6, v3;
	v14 =	vadd.f32 v14, v34;
	v22 =	vadd.f32 v22, v26  }
0x332: {  	v26 =	vperm.xlane v23, v2;
	v21 =	vadd.f32 v21, v38;
	v34 =	vperm.xlane v7, v3  }
0x333: {  	v30 =	vperm.xlane v17, v3;
	v9 =	vadd.f32 v9, v35;
	v32 =	vperm.xlane v14, v3  }
0x334: {  	v23 =	vadd.f32 v23, v26;
	v26 =	vperm.xlane v28, v3;
	v38 =	vperm.xlane v22, v3  }
0x335: {  	v42 =	vperm.xlane v21, v3;
	v7 =	vadd.f32 v7, v34;
	v34 =	vadd.f32 v20, v37  }
0x336: {  	v35 =	vadd.f32 v17, v30;
	v14 =	vadd.f32 v14, v32;
	v32 =	vperm.xlane v16, v3  }
0x337: {  	v17 =	vperm.xlane v23, v3;
	v37 =	vadd.f32 v22, v38;
	v38 =	vadd.f32 v24, v31  }
0x338: {  	v20 =	vadd.f32 v21, v42;
	v19 =	vadd.f32 v28, v26;
	v22 =	vperm.xlane v33, v4  }
0x339: {  	v21 =	vadd.f32 v25, v40;
	v26 =	vperm.xlane v7, v4;
	v25 =	vperm.xlane v15, v4  }
0x33a: {  	v24 =	vadd.f32 v29, v43;
	v31 =	vperm.xlane v9, v4;
	v42 =	vperm.xlane v34, v4  }
0x33b: {  	v43 =	vperm.xlane v35, v4;
	v40 =	vperm.xlane v14, v4;
	v17 =	vadd.f32 v23, v17  }
0x33c: {  	v6 =	vadd.f32 v6, v27;
	v27 =	vperm.xlane v37, v4;
	v44 =	vperm.xlane v38, v4  }
0x33d: {  	v16 =	vadd.f32 v16, v32;
	v23 =	vadd.f32 v15, v25;
	v30 =	vperm.xlane v17, v4  }
0x33e: {  	v25 =	vadd.f32 v33, v22;
	v22 =	vadd.f32 v7, v26;
	v26 =	vperm.xlane v6, v4  }
0x33f: {  	p1 =	sne.s32 s28, $0x300;
	v28 =	vperm.xlane v19, v4;
	v15 =	vadd.f32 v9, v31;
	v17 =	vadd.f32 v17, v30  }
.Ltmp3:
0x340: {  	v32 =	vperm.xlane v16, v4;
	v14 =	vadd.f32 v14, v40;
	v31 =	vadd.f32 v6, v26;
	(pc) =	sbr.rel @p1 .LBB2_5-.Ltmp3, $4  }
0x341: {  	v29 =	vperm.xlane v20, v4;
	v26 =	vadd.f32 v37, v27;
	v7 =	vsub.f32 $1.000000000e+00, v17  }
0x342: {  	v33 =	vperm.xlane v24, v4;
	v27 =	vadd.f32 v38, v44;
	v44 =	vld [tilespmem:$0x1FA60];
	v9 =	vadd.f32 v16, v32  }
0x343: {  	v30 =	vperm.xlane v21, v4;
	v16 =	vadd.f32 v35, v43;
	v43 =	vld [tilespmem:$0x1FA50];
	v7 =	vmax.f32 v7, $1.000000000e-15  }
0x344: {  	s26 =	smov.u32 s28;
	s28 =	sadd.s32 $0x40, s28;
	v45 =	vmovc v53;
	v53 =	vmovc v12;
	v17 =	vadd.f32 v34, v42;
	v42 =	vld [tilespmem:$0x1FA40];
	v32 =	vsub.f32 $1.000000000e+00, v9;
	(erf) = vrcp.f32 v7  }
0x345: {  	v6 =	vadd.f32 v24, v33  }
0x346: {  	v9 =	vsub.f32 $1.000000000e+00, v31;
	v20 =	vadd.f32 v20, v29;
	v7 =	vmax.f32 v32, $1.000000000e-15  }
0x347: {  	(erf) = vrcp.f32 v7;
	v7 =	vadd.f32 v21, v30;
	v6 =	vsub.f32 $1.000000000e+00, v6  }
0x348: {  	v9 =	vmax.f32 v9, $1.000000000e-15;
	v30 =	vsub.f32 $1.000000000e+00, v25;
	v32 =	vsub.f32 $1.000000000e+00, v20  }
0x349: {  	(erf) = vrcp.f32 v9;
	v6 =	vmax.f32 v6, $1.000000000e-15;
	v7 =	vsub.f32 $1.000000000e+00, v7  }
0x34a: {  	v31 =	vmax.f32 v30, $1.000000000e-15;
	(erf) = vrcp.f32 v6;
	v6 =	vsub.f32 $1.000000000e+00, v23  }
0x34b: {  	(erf) = vrcp.f32 v31;
	v7 =	vmax.f32 v7, $1.000000000e-15  }
0x34c: {  	(erf) = vrcp.f32 v7;
	v6 =	vmax.f32 v6, $1.000000000e-15;
	v7 =	vmax.f32 v32, $1.000000000e-15  }
0x34d: {  	(erf) = vrcp.f32 v6;
	v6 =	vsub.f32 $1.000000000e+00, v22  }
0x34e: {  	v19 =	vadd.f32 v19, v28  }
0x34f: {  	(erf) = vrcp.f32 v7;
	v7 =	vpop (erf);
	v6 =	vmax.f32 v6, $1.000000000e-15  }
0x350: {  	v33 =	vsub.f32 $1.000000000e+00, v19;
	v7 =	vadd.f32 v7, v7  }
0x351: {  	v34 =	vsub.f32 $1.000000000e+00, v26;
	v38 =	vsub.f32 $1.000000000e+00, v27  }
0x352: {  	v9 =	vmax.f32 v33, $1.000000000e-15;
	(erf) = vrcp.f32 v6;
	v6 =	vpop (erf);
	v13 =	vmul.f32 v7, v13  }
0x353: {  	v25 =	vld [tilespmem:$0x1FB20];
	(erf) = vrcp.f32 v9;
	v9 =	vmax.f32 v34, $1.000000000e-15;
	v6 =	vadd.f32 v6, v6  }
0x354: {  	v17 =	vsub.f32 $1.000000000e+00, v17;
	v21 =	vmax.f32 v38, $1.000000000e-15;
	v35 =	vpop (erf);
	(erf) = vrcp.f32 v9  }
0x355: {  	v11 =	vadd.f32 v13, v10;
	v12 =	vpop (erf);
	v37 =	vmul.f32 v6, v18;
	v18 =	vadd.f32 v35, v35  }
0x356: {  	v24 =	vmax.f32 v17, $1.000000000e-15;
	v22 =	vsub.f32 $1.000000000e+00, v16;
	v12 =	vadd.f32 v12, v12  }
0x357: {  	(erf) = vrcp.f32 v21;
	v19 =	vpop (erf);
	v40 =	vadd.f32 v37, v11;
	v41 =	vmul.f32 v18, v41  }
0x358: {  	v15 =	vsub.f32 $1.000000000e+00, v15;
	v31 =	vld [tilespmem:$0x1FAF0];
	(erf) = vrcp.f32 v24;
	v23 =	vpop (erf);
	v26 =	vmul.f32 v12, v25  }
0x359: {  	v13 =	vadd.f32 v23, v23;
	v11 =	vmax.f32 v22, $1.000000000e-15;
	v16 =	vpop (erf);
	v9 =	vadd.f32 v41, v40  }
0x35a: {  	v14 =	vsub.f32 $1.000000000e+00, v14;
	v15 =	vmax.f32 v15, $1.000000000e-15;
	(erf) = vrcp.f32 v11;
	v28 =	vpop (erf)  }
0x35b: {  	v27 =	vmul.f32 v13, v60;
	v17 =	vadd.f32 v28, v28;
	v29 =	vpop (erf);
	v9 =	vadd.f32 v26, v9  }
0x35c: {  	v14 =	vmax.f32 v14, $1.000000000e-15;
	(erf) = vrcp.f32 v15;
	v30 =	vpop (erf)  }
0x35d: {  	v32 =	vmul.f32 v17, v31;
	v11 =	vadd.f32 v30, v30;
	v9 =	vadd.f32 v27, v9  }
0x35e: {  	(erf) = vrcp.f32 v14;
	v33 =	vpop (erf)  }
0x35f: {  	v14 =	vadd.f32 v33, v33;
	v34 =	vmul.f32 v11, v58;
	v9 =	vadd.f32 v32, v9  }
0x360: {  	v28 =	vld [tilespmem:$0x1FA90];
	v20 =	vadd.f32 v29, v29;
	v35 =	vpop (erf)  }
0x361: {  	v29 =	vld [tilespmem:$0x1FA80];
	v21 =	vadd.f32 v35, v35;
	v37 =	vmul.f32 v14, v57;
	v9 =	vadd.f32 v34, v9  }
0x362: {  	v19 =	vadd.f32 v19, v19;
	v33 =	vld [tilespmem:$0x1FB60];
	v38 =	vpop (erf);
	v35 =	vmul.f32 v7, v56  }
0x363: {  	v56 =	vld [tilespmem:$0x1FCF0];
	v22 =	vadd.f32 v38, v38;
	v40 =	vmul.f32 v21, v52;
	v9 =	vadd.f32 v37, v9  }
0x364: {  	v58 =	vld [tilespmem:$0x1FAA0]  }
0x365: {  	v32 =	vmul.f32 v19, v44;
	v44 =	vld [tilespmem:$0x1FB40];
	v52 =	vmul.f32 v22, v46;
	v9 =	vadd.f32 v40, v9  }
0x366: {  	v8 =	vmul.f32 v7, v8;
	v16 =	vadd.f32 v16, v16;
	v41 =	vpop (erf);
	v40 =	vld [tilespmem:$0x1FCD0]  }
0x367: {  	v5 =	vmul.f32 v6, v5;
	v23 =	vadd.f32 v41, v41;
	v9 =	vadd.f32 v52, v9;
	v52 =	vld [tilespmem:$0x1FCE0]  }
0x368: {  	v0 =	vmul.f32 v18, v0;
	v57 =	vpop (erf);
	v34 =	vmul.f32 v7, v33;
	v37 =	vld [tilespmem:$0x1FCC0];
	v7 =	vadd.f32 v7, v56  }
0x369: {  	v31 =	vmul.f32 v16, v53;
	v24 =	vadd.f32 v57, v57;
	v15 =	vmul.f32 v23, v58  }
0x36a: {  	v53 =	vmul.f32 v6, v59;
	v57 =	vld [tilespmem:$0x1FB50];
	v60 =	vpop (erf);
	v46 =	vmul.f32 v6, v44;
	v6 =	vadd.f32 v6, v7  }
0x36b: {  	v25 =	vmul.f32 v24, v28;
	v9 =	vadd.f32 v15, v9;
	v15 =	vadd.f32 v60, v60  }
0x36c: {  	v30 =	vmul.f32 v20, v61;
	v41 =	vadd.f32 v35, v40;
	v8 =	vadd.f32 v8, v52  }
0x36d: {  	v59 =	vld [tilespmem:$0x1FB30];
	v38 =	vadd.f32 v34, v37;
	v9 =	vadd.f32 v25, v9;
	v25 =	vmul.f32 v15, v29  }
0x36e: {  	v58 =	vmul.f32 v18, v48;
	v10 =	vadd.f32 v53, v41;
	v5 =	vadd.f32 v5, v8  }
0x36f: {  	v61 =	vld [tilespmem:$0x1FB10];
	v27 =	vmul.f32 v18, v57;
	v9 =	vadd.f32 v25, v9;
	v25 =	vadd.f32 v46, v38  }
0x370: {  	v0 =	vadd.f32 v0, v5;
	v5 =	vadd.f32 v18, v6  }
0x371: {  	v60 =	vmul.f32 v12, v63;
	v8 =	vadd.f32 v58, v10;
	v7 =	vadd.f32 v27, v25;
	v25 =	vld [tilespmem:$0x1FBE0]  }
0x372: {  	v10 =	vmul.f32 v12, v59;
	v6 =	vmul.f32 v12, v54;
	v5 =	vadd.f32 v12, v5;
	v12 =	vld [tilespmem:$0x1FB00]  }
0x373: {  	v28 =	vld [tilespmem:$0x1FBF0]  }
0x374: {  	v9 =	vadd.f32 v30, v9;
	v27 =	vld [tilespmem:$0x1FAE0];
	v7 =	vadd.f32 v10, v7;
	v10 =	vmul.f32 v13, v61  }
0x375: {  	v29 =	vld [tilespmem:$0x1FC90];
	v8 =	vadd.f32 v60, v8;
	v0 =	vadd.f32 v6, v0;
	v6 =	vmul.f32 v13, v50  }
0x376: {  	v63 =	vmul.f32 v13, v55;
	v30 =	vld [tilespmem:$0x1FAD0];
	v9 =	vadd.f32 v31, v9;
	v7 =	vadd.f32 v10, v7  }
0x377: {  	v31 =	vld [tilespmem:$0x1FBD0];
	v6 =	vadd.f32 v6, v8;
	v8 =	vmul.f32 v17, v25;
	v10 =	vmul.f32 v17, v12  }
0x378: {  	v26 =	vmul.f32 v17, v39;
	v33 =	vld [tilespmem:$0x1FAC0];
	v9 =	vadd.f32 v32, v9;
	v0 =	vadd.f32 v63, v0  }
0x379: {  	v34 =	vld [tilespmem:$0x1FBC0];
	v6 =	vadd.f32 v8, v6;
	v8 =	vmul.f32 v11, v27;
	v7 =	vadd.f32 v10, v7  }
0x37a: {  	v32 =	vld [tilespmem:$0x1FC80];
	v0 =	vadd.f32 v26, v0;
	v12 =	vmul.f32 v11, v28;
	v10 =	vmul.f32 v11, v29  }
0x37b: {  	v37 =	vld [tilespmem:$0x1FAB0];
	v5 =	vadd.f32 v13, v5;
	v7 =	vadd.f32 v8, v7;
	v8 =	vmul.f32 v14, v30  }
0x37c: {  	v35 =	vld [tilespmem:$0x1FC70];
	v6 =	vadd.f32 v12, v6;
	v0 =	vadd.f32 v10, v0;
	v10 =	vmul.f32 v14, v31  }
0x37d: {  	v40 =	vmul.f32 v23, v62;
	v5 =	vadd.f32 v17, v5;
	v7 =	vadd.f32 v8, v7  }
0x37e: {  	v39 =	vld [tilespmem:$0x1FC50];
	v8 =	vmul.f32 v21, v33;
	v6 =	vadd.f32 v10, v6;
	v10 =	vmul.f32 v21, v34  }
0x37f: {  	v44 =	vld [tilespmem:$0x1FC60];
	v38 =	vmul.f32 v22, v36;
	v5 =	vadd.f32 v11, v5;
	v12 =	vmul.f32 v14, v32  }
0x380: {  	v41 =	vld [tilespmem:$0x1FBB0];
	v7 =	vadd.f32 v8, v7;
	v6 =	vadd.f32 v10, v6;
	v10 =	vmul.f32 v22, v37  }
0x381: {  	v46 =	vmul.f32 v24, v51;
	v50 =	vld [tilespmem:$0x1FC40];
	v0 =	vadd.f32 v12, v0;
	v8 =	vmul.f32 v21, v35  }
0x382: {  	v48 =	vld [tilespmem:$0x1FB90];
	v51 =	vmul.f32 v15, v47;
	v5 =	vadd.f32 v14, v5;
	v7 =	vadd.f32 v10, v7  }
0x383: {  	v52 =	vld [tilespmem:$0x1FBA0];
	v54 =	vmul.f32 v20, v45;
	v0 =	vadd.f32 v8, v0;
	v8 =	vmul.f32 v22, v39  }
0x384: {  	v53 =	vld [tilespmem:$0x1FC30];
	v11 =	vmul.f32 v23, v44;
	v5 =	vadd.f32 v21, v5;
	v7 =	vadd.f32 v40, v7  }
0x385: {  	v55 =	vld [tilespmem:$0x1FB80];
	v6 =	vadd.f32 v38, v6;
	v0 =	vadd.f32 v8, v0;
	v8 =	vmul.f32 v23, v41  }
0x386: {  	v58 =	vld [tilespmem:$0x1FCA0];
	v5 =	vadd.f32 v22, v5;
	v10 =	vmul.f32 v24, v50;
	v7 =	vadd.f32 v46, v7  }
0x387: {  	v56 =	vld [tilespmem:$0x1FC20];
	v6 =	vadd.f32 v8, v6;
	v0 =	vadd.f32 v11, v0;
	v8 =	vmul.f32 v24, v48  }
0x388: {  	v5 =	vadd.f32 v23, v5;
	v11 =	vmul.f32 v15, v52;
	v7 =	vadd.f32 v51, v7  }
0x389: {  	v59 =	vld [tilespmem:$0x1FB70];
	v6 =	vadd.f32 v8, v6;
	v0 =	vadd.f32 v10, v0;
	v10 =	vmul.f32 v15, v53  }
0x38a: {  	v57 =	vmul.f32 v16, v43;
	v61 =	vld [tilespmem:$0x1FC10];
	v5 =	vadd.f32 v24, v5;
	v7 =	vadd.f32 v54, v7  }
0x38b: {  	v62 =	vld [tilespmem:$0x1FA70];
	v6 =	vadd.f32 v11, v6;
	v0 =	vadd.f32 v10, v0;
	v10 =	vmul.f32 v20, v55  }
0x38c: {  	v60 =	vmul.f32 v19, v42;
	v63 =	vld [tilespmem:$0x1FC00];
	v11 =	vmul.f32 v20, v56;
	v7 =	vadd.f32 v57, v7  }
0x38d: {  	s24 =	sshra.s32 s26, $0x2;
	v5 =	vadd.f32 v15, v5;
	v6 =	vadd.f32 v10, v6  }
0x38e: {  	s29 =	sshll.u32 s25, $0x6;
	v0 =	vadd.f32 v11, v0;
	v10 =	vld.idx.msk [tilespmem:v58+s24+$0x0 ss:$0x1], $0xffff;
	v11 =	vmul.f32 v16, v59;
	v7 =	vadd.f32 v60, v7  }
0x38f: {  	v12 =	vmul.f32 v16, v61;
	s24 =	sand.u32 $0x3FFFFFC0, s29  }
0x390: {  	v5 =	vadd.f32 v20, v5;
	v6 =	vadd.f32 v11, v6;
	v11 =	vmul.f32 v19, v62;
	[tilespmem:s24+$0xD010] =	vst v7;
	v7 =	vld [tilespmem:$0x1FCB0]  }
0x391: {  	v8 =	vmul.f32 v19, v63;
	v0 =	vadd.f32 v12, v0  }
0x392: {  	v5 =	vadd.f32 v16, v5;
	v6 =	vadd.f32 v11, v6  }
.Ltmp4:
0x393: {  	[tilespmem:s24+$0xD000] =	vst v9;
	v0 =	vadd.f32 v8, v0;
	vm0 =	veq.s32 v10, $0x0;
	(pc) =	sbr.rel @p0 .LBB2_8-.Ltmp4, $4  }
0x394: {  	s30 =	sshll.u32 s25, $0x5;
	v5 =	vadd.f32 v19, v5;
	[tilespmem:s24+$0xD020] =	vst v6;
	v6 =	vsel vm0, $0x0, v49  }
0x395: {  	s31 =	sand.u32 $0x3FFFFFE0, s30;
	[tilespmem:s24+$0xD030] =	vst v0;
	v6 =	vadd.f32 v6, v7  }
0x396: {  	[tilespmem:s31+$0xF000] =	vst v5  }
0x397: {  	[tilespmem:s31+$0xF010] =	vst v6  }
.Ltmp5:
0x398: {  	(pc) =	sbr.rel .LBB2_2-.Ltmp5, $4  }
0x399: {  	s24 =	sadd.s32 $0x270, s23;
	s31 =	sadd.s32 $0x2D8, s23  }
0x39a: {  	[tilespmem:s12], [sflag:$0x2] =	stream.indirect.gather [hbm4b:s3+s9], $0x40, s24, s9, $0xb8;
	[tilespmem:$0x10000] =	vst v63  }
0x39b: {  	s22 =	sadd.s32 $0x1, s22;
	s21 =	sadd.s32 $0x1A0, s21;
	s20 =	sadd.s32 $0x1A0, s20  }
0x39c: {  	[tilespmem:s14], [sflag:$0x2] =	stream.indirect.gather [hbm4b:s3+s9], $0x40, s31, s9, $0xb8;
	[tilespmem:$0x10000] =	vst v63  }
.LBB2_9:
0x39d: {  	_ =	sfence.sel $0x180000  }
0x39e: {  	[bflag:$0x0] =	sbarrier.arrive $0xFFFF  }
0x39f: {  	p0 =	sne.s32 s0, $0x0;
	_ =	strace $0x90000047  }
0x3a0: {  	s0 =	sadd.s32 @!p0 $0x100000, s1;
	[bflag:$0x2] =	sbarrier.arrive $0xFFFF  }
0x3a1: {  	[sflag:s0] =	ssyncadd.tile.s32 @!p0 $0x1;
	_ =	shalt  }
.Lfunc_end2:
_tile_overlayer_lowered:
.L_overlay_start_2:
0x3a2: {  	(tag) =	ssettag $0x2  }
0x3a3: {  	s0 =	rddreg [dreg:$0x0];
	s2 =	stileid.u32  }
0x3a4: {  	s1 =	rddreg [dreg:$0x1];
	p0 =	sne.s32 s2, $0x0  }
0x3a5: {  	s3 =	rddreg [dreg:$0x2];
	[bflag:$0x3] =	sbarrier.arrive $0xFFFF;
	s2 =	simm.s32 @!p0 $0x1C03  }
0x3a6: {  	[timem:s3], [sflag:s2] =	dma.local @!p0 [hbm:s0], s1  }
0x3a7: {  	s0 =	simm.s32 @!p0 $0x3  }
0x3a8: {  	_ =	swait.ge @!p0 [sflag:s0], s1  }
0x3a9: {  	s1 =	ssub.s32 @!p0 $0x0, s1;
	[sflag:s0] =	ssyncset.done @!p0 $0x0  }
0x3aa: {  	[sflag:s0] =	ssyncadd.s32 @!p0 s1  }
0x3ab: {  	[bflag:$0x3] =	sbarrier.arrive $0xFFFF  }
0x3ac: {  	_ =	shalt  }

</sc_bundles>
